<compile_context>
chip_gen: v7x
topology: tpu7x:2x2x1
jax: 0.10.2.dev20260603
libtpu: 0.0.44.dev20260713+nightly
codegen_flags: <defaults>
</compile_context>

<pallas_src>
import jax
import jax.numpy as jnp
from jax import lax
from jax.experimental import pallas as pl
from jax.experimental.pallas import tpu as pltpu
from jax.experimental.pallas import tpu_sc as plsc

N, D, H, E, K = 2048, 768, 64, 64, 2
BS = 128
NBLK = H + N * K // BS
PT = NBLK * BS
CH = N // BS
EPS = 1e-6
NEG = -1e30

NC, NS = 2, 16
NW = NC * NS
TPW = N // NW


def _routing_body(x_ref, wsel_ref, pos1_ref, pos2_ref, g1_ref, g2_ref,
                  hb_ref, vd_ref, fr_ref, nr_ref, c_scr, s_scr):
    x = x_ref[...]
    logits = jnp.dot(x, wsel_ref[...], preferred_element_type=jnp.float32)
    ii = lax.broadcasted_iota(jnp.int32, (N, H), 1)
    m1 = jnp.max(logits, axis=1, keepdims=True)
    i1 = jnp.min(jnp.where(logits == m1, ii, H), axis=1, keepdims=True)
    l2 = jnp.where(ii == i1, NEG, logits)
    m2 = jnp.max(l2, axis=1, keepdims=True)
    i2 = jnp.min(jnp.where(l2 == m2, ii, H), axis=1, keepdims=True)
    z = jnp.sum(jnp.exp(logits - m1), axis=1, keepdims=True)
    p1 = 1.0 / z
    p2 = jnp.exp(m2 - m1) / z
    s = p1 + p2 + EPS
    ones16 = jnp.ones((1, 128), jnp.float32)
    g1_ref[...] = (p1 / s) * ones16
    g2_ref[...] = (p2 / s) * ones16

    oh1 = (ii == i1).astype(jnp.float32)
    oh2 = (ii == i2).astype(jnp.float32)
    c = oh1 + oh2
    c_scr[...] = c
    cnt = jnp.sum(c, axis=0, keepdims=True)
    nb = jnp.maximum(jnp.ceil(cnt * (1.0 / BS)), 1.0)
    hh0 = lax.broadcasted_iota(jnp.int32, (H, H), 0)
    hh1 = lax.broadcasted_iota(jnp.int32, (H, H), 1)
    upper = (hh0 < hh1).astype(jnp.float32)
    bsf = jnp.dot(nb, upper, preferred_element_type=jnp.float32)

    rr0 = lax.broadcasted_iota(jnp.int32, (BS, BS), 0)
    rr1 = lax.broadcasted_iota(jnp.int32, (BS, BS), 1)
    tril = (rr1 < rr0).astype(jnp.float32)

    def chunk(cix, base):
        blk = c_scr[pl.ds(cix * BS, BS), :]
        s_scr[pl.ds(cix * BS, BS), :] = (
            jnp.dot(tril, blk, preferred_element_type=jnp.float32) + base)
        return base + jnp.sum(blk, axis=0, keepdims=True)

    lax.fori_loop(0, CH, chunk, jnp.zeros((1, H), jnp.float32))
    srank = s_scr[...]
    rank1 = jnp.sum(srank * oh1, axis=1, keepdims=True)
    rank2 = jnp.sum(srank * oh2, axis=1, keepdims=True)
    bs1 = jnp.sum(bsf * oh1, axis=1, keepdims=True)
    bs2 = jnp.sum(bsf * oh2, axis=1, keepdims=True)
    pos1_ref[...] = (bs1 * BS + rank1).astype(jnp.int32)
    pos2_ref[...] = (bs2 * BS + rank2).astype(jnp.int32)

    bb = lax.broadcasted_iota(jnp.int32, (NBLK, H), 0).astype(jnp.float32)
    hb = jnp.sum((bsf <= bb).astype(jnp.float32), axis=1, keepdims=True) - 1.0
    bh = lax.broadcasted_iota(jnp.int32, (NBLK, H), 1).astype(jnp.float32)
    ohb = (bh == hb).astype(jnp.float32)
    bs_at = jnp.sum(bsf * ohb, axis=1, keepdims=True)
    cnt_at = jnp.sum(cnt * ohb, axis=1, keepdims=True)
    bvals = bb[:, :1]
    base_rows = (bvals - bs_at) * BS
    vd = jnp.clip(cnt_at - base_rows, 0.0, float(BS))
    hb_ref[...] = hb.astype(jnp.int32)
    vd_ref[...] = vd.astype(jnp.int32)
    fr_ref[...] = (bvals == bs_at).astype(jnp.int32)
    nr_ref[...] = jnp.sum(nb, axis=1, keepdims=True).astype(jnp.int32)


def _routing(x, w_sel):
    outs = pl.pallas_call(
        _routing_body,
        grid=(1,),
        in_specs=[pl.BlockSpec((N, D), lambda i: (0, 0)),
                  pl.BlockSpec((D, H), lambda i: (0, 0))],
        out_specs=[pl.BlockSpec((N, 1), lambda i: (0, 0))] * 2
        + [pl.BlockSpec((N, 128), lambda i: (0, 0))] * 2
        + [pl.BlockSpec((NBLK, 1), lambda i: (0, 0))] * 3
        + [pl.BlockSpec((1, 1), lambda i: (0, 0))],
        out_shape=[jax.ShapeDtypeStruct((N, 1), jnp.int32),
                   jax.ShapeDtypeStruct((N, 1), jnp.int32),
                   jax.ShapeDtypeStruct((N, 128), jnp.float32),
                   jax.ShapeDtypeStruct((N, 128), jnp.float32),
                   jax.ShapeDtypeStruct((NBLK, 1), jnp.int32),
                   jax.ShapeDtypeStruct((NBLK, 1), jnp.int32),
                   jax.ShapeDtypeStruct((NBLK, 1), jnp.int32),
                   jax.ShapeDtypeStruct((1, 1), jnp.int32)],
        scratch_shapes=[pltpu.VMEM((N, H), jnp.float32),
                        pltpu.VMEM((N, H), jnp.float32)],
    )(x, w_sel)
    return outs


def _scatter_body(x_hbm, p1_hbm, p2_hbm, g1_hbm, g2_hbm, xg_hbm, gg_hbm,
                  xtok, idxa, idxb, gba, gbb, sem):
    wid = lax.axis_index("s") * NC + lax.axis_index("c")
    base = wid * TPW
    loads = [pltpu.async_copy(p1_hbm.at[pl.ds(base, TPW)], idxa, sem),
             pltpu.async_copy(p2_hbm.at[pl.ds(base, TPW)], idxb, sem),
             pltpu.async_copy(x_hbm.at[pl.ds(base, TPW)], xtok, sem),
             pltpu.async_copy(g1_hbm.at[pl.ds(base, TPW)], gba, sem),
             pltpu.async_copy(g2_hbm.at[pl.ds(base, TPW)], gbb, sem)]
    for ld in loads:
        ld.wait()
    stores = [pltpu.async_copy(xtok, xg_hbm.at[idxa], sem),
              pltpu.async_copy(xtok, xg_hbm.at[idxb], sem),
              pltpu.async_copy(gba, gg_hbm.at[idxa], sem),
              pltpu.async_copy(gbb, gg_hbm.at[idxb], sem)]
    for st in stores:
        st.wait()


def _scatter(x, p1, p2, g1w, g2w):
    mesh = plsc.VectorSubcoreMesh(core_axis_name="c", subcore_axis_name="s")
    f = pl.kernel(
        _scatter_body,
        out_type=[jax.ShapeDtypeStruct((PT, D), jnp.float32),
                  jax.ShapeDtypeStruct((PT, 128), jnp.float32)],
        mesh=mesh,
        scratch_types=[pltpu.VMEM((TPW, D), jnp.float32),
                       pltpu.VMEM((TPW,), jnp.int32),
                       pltpu.VMEM((TPW,), jnp.int32),
                       pltpu.VMEM((TPW, 128), jnp.float32),
                       pltpu.VMEM((TPW, 128), jnp.float32),
                       pltpu.SemaphoreType.DMA],
    )
    return f(x, p1, p2, g1w, g2w)


SUB = 4
NBJ = NBLK // SUB


def _passes_body(*refs):
    hb_ref, vd_ref, fr_ref, nr_ref, xg_ref, gg_ref = refs[:6]
    wa = refs[6:6 + 8 * SUB]
    wb = refs[6 + 8 * SUB:6 + 10 * SUB]
    (nkv_ref, nnm_ref, yg_ref, qg_scr, gs_scr, kv_scr,
     nm_scr) = refs[6 + 10 * SUB:]
    p = pl.program_id(0)
    j = pl.program_id(1)
    nr = nr_ref[0]
    rows = lax.broadcasted_iota(jnp.int32, (BS, 1), 0)
    live0 = SUB * j < nr

    @pl.when((p == 0) & live0)
    def _pa():
        for i in range(SUB):
            wq_ref, bq_ref, wk_ref, bk_ref, wv_ref, bv_ref, mkv_ref, \
                mnm_ref = wa[8 * i:8 * i + 8]
            b = SUB * j + i
            h = hb_ref[b]
            rmask = rows < vd_ref[b]
            xb = jnp.where(rmask, xg_ref[pl.ds(i * BS, BS), :], 0.0)
            g = jnp.where(rmask, gg_ref[pl.ds(i * BS, BS), 0:1], 0.0)
            q = jnp.dot(xb, wq_ref[0], preferred_element_type=jnp.float32) + bq_ref[0]
            k = jnp.dot(xb, wk_ref[0], preferred_element_type=jnp.float32) + bk_ref[0]
            v = jnp.dot(xb, wv_ref[0], preferred_element_type=jnp.float32) + bv_ref[0]
            qg_scr[pl.ds(b * BS, BS), :] = q
            gs_scr[pl.ds(b * BS, BS), :] = g
            kg = k * g
            kvc = lax.dot_general(kg, v, (((0,), (0,)), ((), ())),
                                  preferred_element_type=jnp.float32)
            nmc = jnp.sum(kg, axis=0, keepdims=True)

            @pl.when(fr_ref[b] == 1)
            def _init():
                kv_scr[pl.ds(h, 1)] = mkv_ref[...] + kvc[None]
                nm_scr[pl.ds(h, 1), :] = mnm_ref[0] + nmc

            @pl.when(fr_ref[b] == 0)
            def _acc():
                kv_scr[pl.ds(h, 1)] += kvc[None]
                nm_scr[pl.ds(h, 1), :] += nmc

    @pl.when((p == 1) & live0)
    def _pb():
        for i in range(SUB):
            wo_ref, bo_ref = wb[2 * i:2 * i + 2]
            b = SUB * j + i
            h = hb_ref[b]
            q = qg_scr[pl.ds(b * BS, BS), :]
            g = gs_scr[pl.ds(b * BS, BS), :]
            nkv = kv_scr[pl.ds(h, 1)][0]
            nnm = nm_scr[pl.ds(h, 1), :]
            num = jnp.dot(q, nkv, preferred_element_type=jnp.float32)
            den = jnp.sum(q * nnm, axis=1, keepdims=True) + EPS
            attn_g = jnp.where(g != 0.0, num / den * g, 0.0)
            yg = jnp.dot(attn_g, wo_ref[0], preferred_element_type=jnp.float32)
            yg_ref[pl.ds(i * BS, BS), :] = yg + g * bo_ref[0]

    @pl.when((p == 1) & (j == NBJ - 1))
    def _emit():
        nkv_ref[...] = kv_scr[...]
        nnm_ref[...] = nm_scr[...][:, None, :]


def _passes(hb, vd, fr, nr, xg, gg2, wq, bq3, wk, bk3, wv, bv3, mkv, mnm3, wo, bo3):
    def a_map(i):
        return lambda p, j, hb, vd, fr, nr, i=i: (
            jnp.where(p == 0, hb[SUB * j + i], 0), 0, 0)

    def b_map(i):
        return lambda p, j, hb, vd, fr, nr, i=i: (
            jnp.where(p == 1, hb[SUB * j + i], 0), 0, 0)

    aspecs = []
    for i in range(SUB):
        aspecs += [pl.BlockSpec((1, D, E), a_map(i)),
                   pl.BlockSpec((1, 1, E), a_map(i)),
                   pl.BlockSpec((1, D, E), a_map(i)),
                   pl.BlockSpec((1, 1, E), a_map(i)),
                   pl.BlockSpec((1, D, E), a_map(i)),
                   pl.BlockSpec((1, 1, E), a_map(i)),
                   pl.BlockSpec((1, E, E), a_map(i)),
                   pl.BlockSpec((1, 1, E), a_map(i))]
    bspecs = []
    for i in range(SUB):
        bspecs += [pl.BlockSpec((1, E, D), b_map(i)),
                   pl.BlockSpec((1, 1, D), b_map(i))]
    a_args = []
    for i in range(SUB):
        a_args += [wq, bq3, wk, bk3, wv, bv3, mkv, mnm3]
    b_args = []
    for i in range(SUB):
        b_args += [wo, bo3]
    return pl.pallas_call(
        _passes_body,
        grid_spec=pltpu.PrefetchScalarGridSpec(
            num_scalar_prefetch=4,
            grid=(2, NBJ),
            in_specs=[
                pl.BlockSpec((SUB * BS, D),
                             lambda p, j, hb, vd, fr, nr:
                             (jnp.where((p == 0) & (SUB * j < nr[0]), j, 0), 0)),
                pl.BlockSpec((SUB * BS, 128),
                             lambda p, j, hb, vd, fr, nr:
                             (jnp.where((p == 0) & (SUB * j < nr[0]), j, 0), 0)),
            ] + aspecs + bspecs,
            out_specs=[
                pl.BlockSpec((H, E, E), lambda p, j, hb, vd, fr, nr: (0, 0, 0)),
                pl.BlockSpec((H, 1, E), lambda p, j, hb, vd, fr, nr: (0, 0, 0)),
                pl.BlockSpec((SUB * BS, D),
                             lambda p, j, hb, vd, fr, nr:
                             (jnp.where((p == 1) & (SUB * j < nr[0]), j, NBJ - 1), 0)),
            ],
            scratch_shapes=[
                pltpu.VMEM((PT, E), jnp.float32),
                pltpu.VMEM((PT, 1), jnp.float32),
                pltpu.VMEM((H, E, E), jnp.float32),
                pltpu.VMEM((H, E), jnp.float32),
            ],
        ),
        out_shape=[jax.ShapeDtypeStruct((H, E, E), jnp.float32),
                   jax.ShapeDtypeStruct((H, 1, E), jnp.float32),
                   jax.ShapeDtypeStruct((PT, D), jnp.float32)],
    )(hb, vd, fr, nr, xg, gg2, *a_args, *b_args)


def _combine_body(yg_hbm, p1_hbm, p2_hbm, out_hbm, idxa, idxb, buf0, buf1, sem):
    wid = lax.axis_index("s") * NC + lax.axis_index("c")
    base = wid * TPW
    la = pltpu.async_copy(p1_hbm.at[pl.ds(base, TPW)], idxa, sem)
    lb = pltpu.async_copy(p2_hbm.at[pl.ds(base, TPW)], idxb, sem)
    la.wait()
    lb.wait()
    ga = pltpu.async_copy(yg_hbm.at[idxa], buf0, sem)
    gb = pltpu.async_copy(yg_hbm.at[idxb], buf1, sem)
    ga.wait()
    gb.wait()

    @plsc.parallel_loop(0, TPW * D // 16, unroll=8)
    def _add(j):
        r = j // (D // 16)
        sl = pl.ds((j % (D // 16)) * 16, 16)
        buf0[r, sl] = buf0[r, sl] + buf1[r, sl]

    pltpu.sync_copy(buf0, out_hbm.at[pl.ds(base, TPW)])


def _combine(yg, p1, p2):
    mesh = plsc.VectorSubcoreMesh(core_axis_name="c", subcore_axis_name="s")
    f = pl.kernel(
        _combine_body,
        out_type=[jax.ShapeDtypeStruct((N, D), jnp.float32)],
        mesh=mesh,
        scratch_types=[pltpu.VMEM((TPW,), jnp.int32),
                       pltpu.VMEM((TPW,), jnp.int32),
                       pltpu.VMEM((TPW, D), jnp.float32),
                       pltpu.VMEM((TPW, D), jnp.float32),
                       pltpu.SemaphoreType.DMA],
    )
    return f(yg, p1, p2)[0]


@jax.jit
def kernel(queries, mem_kv, mem_norm, w_sel, wq, bq, wk, bk, wv, bv, wo, bo):
    p1, p2, g1, g2, hb, vd, fr, nr = _routing(queries, w_sel)
    p1f, p2f = p1.reshape(N), p2.reshape(N)
    xg, gg = _scatter(queries, p1f, p2f, g1, g2)
    hbf, vdf, frf = hb.reshape(NBLK), vd.reshape(NBLK), fr.reshape(NBLK)
    nkv, nnm, yg = _passes(hbf, vdf, frf, nr.reshape(1), xg, gg,
                           wq, bq.reshape(H, 1, E), wk, bk.reshape(H, 1, E),
                           wv, bv.reshape(H, 1, E), mem_kv,
                           mem_norm.reshape(H, 1, E), wo, bo.reshape(H, 1, D))
    out = _combine(yg, p1f, p2f)
    return out, nkv, nnm.reshape(H, E)

# --- scband reference (transcript-rebuilt; emitter-appended) ---
"""Pipeline reference for scband-recurrent-memory-attention-17514876634075 (READ-ONLY COPY).

The authoritative reference and input builder live on the scoring server;
editing this copy changes nothing except your own understanding.
"""

import jax, jax.numpy as jnp
import numpy as np

N, D, H, E, K = 2048, 768, 64, 64, 2

def setup_inputs(seed: int = 0):
    key = jax.random.key(seed)
    ks = jax.random.split(key, 12)
    x = jax.random.normal(ks[0], (N, D), dtype=jnp.float32)
    mem_kv = jax.random.normal(ks[1], (H, E, E), dtype=jnp.float32) * 0.02
    mem_norm = jax.random.uniform(ks[2], (H, E), dtype=jnp.float32) * 0.1
    w_sel = jax.random.normal(ks[3], (D, H), dtype=jnp.float32) * 0.02
    wq = jax.random.normal(ks[4], (H, D, E), dtype=jnp.float32) * 0.02
    wk = jax.random.normal(ks[5], (H, D, E), dtype=jnp.float32) * 0.02
    wv = jax.random.normal(ks[6], (H, D, E), dtype=jnp.float32) * 0.02
    wo = jax.random.normal(ks[7], (H, E, D), dtype=jnp.float32) * 0.02
    bq = jnp.zeros((H, E), jnp.float32)
    bk = jnp.zeros((H, E), jnp.float32)
    bv = jnp.zeros((H, E), jnp.float32)
    bo = jnp.zeros((H, D), jnp.float32)
    return {"queries": x, "mem_kv": mem_kv, "mem_norm": mem_norm, "w_sel": w_sel,
            "wq": wq, "bq": bq, "wk": wk, "bk": bk, "wv": wv, "bv": bv, "wo": wo, "bo": bo}

def reference(queries, mem_kv, mem_norm, w_sel, wq, bq, wk, bk, wv, bv, wo, bo):
    eps = 1e-6
    n = queries.shape[0]
    # BankSelector: route each token to top-k memory heads
    logits = queries @ w_sel
    probs = jax.nn.softmax(logits, axis=-1)
    top_p, top_i = jax.lax.top_k(probs, K)
    gates = top_p / (jnp.sum(top_p, axis=-1, keepdims=True) + eps)
    # BankedLinear projections (computed densely, gathered per selected head)
    q_all = jnp.einsum('nd,hde->nhe', queries, wq) + bq[None]
    k_all = jnp.einsum('nd,hde->nhe', queries, wk) + bk[None]
    v_all = jnp.einsum('nd,hde->nhe', queries, wv) + bv[None]
    idx = jnp.broadcast_to(top_i[:, :, None], (n, K, E))
    qh = jnp.take_along_axis(q_all, idx, axis=1)
    kh = jnp.take_along_axis(k_all, idx, axis=1)
    vh = jnp.take_along_axis(v_all, idx, axis=1)
    # Recurrent linear-attention memory update (chunk-level): scatter-add k v^T into selected slots
    flat = top_i.reshape(-1)
    kv_contrib = (gates[:, :, None, None] * kh[:, :, :, None] * vh[:, :, None, :]).reshape(n * K, E, E)
    nm_contrib = (gates[:, :, None] * kh).reshape(n * K, E)
    new_kv = mem_kv + jax.ops.segment_sum(kv_contrib, flat, num_segments=H)
    new_norm = mem_norm + jax.ops.segment_sum(nm_contrib, flat, num_segments=H)
    # Read memory with queries (gather selected memory slots)
    mem_sel = new_kv[top_i]
    norm_sel = new_norm[top_i]
    num = jnp.einsum('nke,nkef->nkf', qh, mem_sel)
    den = jnp.einsum('nke,nke->nk', qh, norm_sel)[:, :, None] + eps
    attn = num / den
    # head_combiner: banked output projection, gate-weighted combine
    attn_g = attn * gates[:, :, None]
    attn_dense = jnp.zeros((n, H, E), jnp.float32).at[jnp.arange(n)[:, None], top_i].add(attn_g)
    out = jnp.einsum('nhe,hed->nd', attn_dense, wo)
    out = out + jnp.einsum('nk,nkd->nd', gates, bo[top_i])
    return out, new_kv, new_norm

if __name__ == "__main__":
    import jax
    _d = setup_inputs()
    print(jax.jit(kernel)(*tuple(_d.values())))

</pallas_src>

<mosaic_0001>
#map = affine_map<(d0, d1) -> (0, 0)>
#map1 = affine_map<(d0, d1) -> (0)>
module attributes {stable_mosaic.version = 14 : i64} {
  func.func @_scatter_body(%arg0: i32, %arg1: i32, %arg2: memref<2048x768xf32, #tpu.memory_space<hbm>>, %arg3: memref<2048xi32, #tpu.memory_space<hbm>>, %arg4: memref<2048xi32, #tpu.memory_space<hbm>>, %arg5: memref<2048x128xf32, #tpu.memory_space<hbm>>, %arg6: memref<2048x128xf32, #tpu.memory_space<hbm>>, %arg7: memref<12288x768xf32, #tpu.memory_space<hbm>>, %arg8: memref<12288x128xf32, #tpu.memory_space<hbm>>, %arg9: memref<64x768xf32, #tpu.memory_space<vmem>>, %arg10: memref<64xi32, #tpu.memory_space<vmem>>, %arg11: memref<64xi32, #tpu.memory_space<vmem>>, %arg12: memref<64x128xf32, #tpu.memory_space<vmem>>, %arg13: memref<64x128xf32, #tpu.memory_space<vmem>>, %arg14: memref<!tpu.dma_semaphore, #tpu.memory_space<semaphore_mem>>) attributes {dimension_semantics = [#tpu.dimension_semantics<core_parallel>, #tpu.dimension_semantics<subcore_parallel>], iteration_bounds = array<i64: 2, 16>, scalar_prefetch = 0 : i64, scratch_operands = 6 : i64, tpu.core_type = #tpu.core_type<sc_vector_subcore>, window_params = [{transform_indices = #map}, {transform_indices = #map1}, {transform_indices = #map1}, {transform_indices = #map}, {transform_indices = #map}, {transform_indices = #map}, {transform_indices = #map}]} {
    %mul3A = arith.constant 2 : i32
    %mul3A_0 = arith.muli %arg1, %mul3A : i32
    %add3A = arith.addi %mul3A_0, %arg0 : i32
    %mul3A_1 = arith.constant 64 : i32
    %mul3A_2 = arith.muli %add3A, %mul3A_1 : i32
    %dma_start3A = tpu.memref_slice %arg3[%mul3A_2] : memref<2048xi32, #tpu.memory_space<hbm>> -> memref<64xi32, #tpu.memory_space<hbm>>
    %dma_start3A_3 = tpu.memref_slice %arg3[%mul3A_2] : memref<2048xi32, #tpu.memory_space<hbm>> -> memref<64xi32, #tpu.memory_space<hbm>>
    tpu.enqueue_dma source(%dma_start3A_3 : memref<64xi32, #tpu.memory_space<hbm>>) target(%arg10 : memref<64xi32, #tpu.memory_space<vmem>>) target_semaphore(%arg14 : memref<!tpu.dma_semaphore, #tpu.memory_space<semaphore_mem>>)
    %dma_start3A_4 = tpu.memref_slice %arg4[%mul3A_2] : memref<2048xi32, #tpu.memory_space<hbm>> -> memref<64xi32, #tpu.memory_space<hbm>>
    %dma_start3A_5 = tpu.memref_slice %arg4[%mul3A_2] : memref<2048xi32, #tpu.memory_space<hbm>> -> memref<64xi32, #tpu.memory_space<hbm>>
    tpu.enqueue_dma source(%dma_start3A_5 : memref<64xi32, #tpu.memory_space<hbm>>) target(%arg11 : memref<64xi32, #tpu.memory_space<vmem>>) target_semaphore(%arg14 : memref<!tpu.dma_semaphore, #tpu.memory_space<semaphore_mem>>)
    %dma_start3A_6 = arith.constant 0 : i32
    %dma_start3A_7 = tpu.memref_slice %arg2[%mul3A_2, %dma_start3A_6] : memref<2048x768xf32, #tpu.memory_space<hbm>> -> memref<64x768xf32, #tpu.memory_space<hbm>>
    %dma_start3A_8 = arith.constant 0 : i32
    %dma_start3A_9 = tpu.memref_slice %arg2[%mul3A_2, %dma_start3A_8] : memref<2048x768xf32, #tpu.memory_space<hbm>> -> memref<64x768xf32, #tpu.memory_space<hbm>>
    tpu.enqueue_dma source(%dma_start3A_9 : memref<64x768xf32, #tpu.memory_space<hbm>>) target(%arg9 : memref<64x768xf32, #tpu.memory_space<vmem>>) target_semaphore(%arg14 : memref<!tpu.dma_semaphore, #tpu.memory_space<semaphore_mem>>)
    %dma_start3A_10 = arith.constant 0 : i32
    %dma_start3A_11 = tpu.memref_slice %arg5[%mul3A_2, %dma_start3A_10] : memref<2048x128xf32, #tpu.memory_space<hbm>> -> memref<64x128xf32, #tpu.memory_space<hbm>>
    %dma_start3A_12 = arith.constant 0 : i32
    %dma_start3A_13 = tpu.memref_slice %arg5[%mul3A_2, %dma_start3A_12] : memref<2048x128xf32, #tpu.memory_space<hbm>> -> memref<64x128xf32, #tpu.memory_space<hbm>>
    tpu.enqueue_dma source(%dma_start3A_13 : memref<64x128xf32, #tpu.memory_space<hbm>>) target(%arg12 : memref<64x128xf32, #tpu.memory_space<vmem>>) target_semaphore(%arg14 : memref<!tpu.dma_semaphore, #tpu.memory_space<semaphore_mem>>)
    %dma_start3A_14 = arith.constant 0 : i32
    %dma_start3A_15 = tpu.memref_slice %arg6[%mul3A_2, %dma_start3A_14] : memref<2048x128xf32, #tpu.memory_space<hbm>> -> memref<64x128xf32, #tpu.memory_space<hbm>>
    %dma_start3A_16 = arith.constant 0 : i32
    %dma_start3A_17 = tpu.memref_slice %arg6[%mul3A_2, %dma_start3A_16] : memref<2048x128xf32, #tpu.memory_space<hbm>> -> memref<64x128xf32, #tpu.memory_space<hbm>>
    tpu.enqueue_dma source(%dma_start3A_17 : memref<64x128xf32, #tpu.memory_space<hbm>>) target(%arg13 : memref<64x128xf32, #tpu.memory_space<vmem>>) target_semaphore(%arg14 : memref<!tpu.dma_semaphore, #tpu.memory_space<semaphore_mem>>)
    %dma_wait3A = tpu.memref_slice %arg3[%mul3A_2] : memref<2048xi32, #tpu.memory_space<hbm>> -> memref<64xi32, #tpu.memory_space<hbm>>
    %dma_wait3A_18 = tpu.memref_slice %arg3[%mul3A_2] : memref<2048xi32, #tpu.memory_space<hbm>> -> memref<64xi32, #tpu.memory_space<hbm>>
    tpu.wait_dma2 semaphore(%arg14 : memref<!tpu.dma_semaphore, #tpu.memory_space<semaphore_mem>>) src(%dma_wait3A_18 : memref<64xi32, #tpu.memory_space<hbm>>) dst(%arg10 : memref<64xi32, #tpu.memory_space<vmem>>)
    %dma_wait3A_19 = tpu.memref_slice %arg4[%mul3A_2] : memref<2048xi32, #tpu.memory_space<hbm>> -> memref<64xi32, #tpu.memory_space<hbm>>
    %dma_wait3A_20 = tpu.memref_slice %arg4[%mul3A_2] : memref<2048xi32, #tpu.memory_space<hbm>> -> memref<64xi32, #tpu.memory_space<hbm>>
    tpu.wait_dma2 semaphore(%arg14 : memref<!tpu.dma_semaphore, #tpu.memory_space<semaphore_mem>>) src(%dma_wait3A_20 : memref<64xi32, #tpu.memory_space<hbm>>) dst(%arg11 : memref<64xi32, #tpu.memory_space<vmem>>)
    %dma_wait3A_21 = arith.constant 0 : i32
    %dma_wait3A_22 = tpu.memref_slice %arg2[%mul3A_2, %dma_wait3A_21] : memref<2048x768xf32, #tpu.memory_space<hbm>> -> memref<64x768xf32, #tpu.memory_space<hbm>>
    %dma_wait3A_23 = arith.constant 0 : i32
    %dma_wait3A_24 = tpu.memref_slice %arg2[%mul3A_2, %dma_wait3A_23] : memref<2048x768xf32, #tpu.memory_space<hbm>> -> memref<64x768xf32, #tpu.memory_space<hbm>>
    tpu.wait_dma2 semaphore(%arg14 : memref<!tpu.dma_semaphore, #tpu.memory_space<semaphore_mem>>) src(%dma_wait3A_24 : memref<64x768xf32, #tpu.memory_space<hbm>>) dst(%arg9 : memref<64x768xf32, #tpu.memory_space<vmem>>)
    %dma_wait3A_25 = arith.constant 0 : i32
    %dma_wait3A_26 = tpu.memref_slice %arg5[%mul3A_2, %dma_wait3A_25] : memref<2048x128xf32, #tpu.memory_space<hbm>> -> memref<64x128xf32, #tpu.memory_space<hbm>>
    %dma_wait3A_27 = arith.constant 0 : i32
    %dma_wait3A_28 = tpu.memref_slice %arg5[%mul3A_2, %dma_wait3A_27] : memref<2048x128xf32, #tpu.memory_space<hbm>> -> memref<64x128xf32, #tpu.memory_space<hbm>>
    tpu.wait_dma2 semaphore(%arg14 : memref<!tpu.dma_semaphore, #tpu.memory_space<semaphore_mem>>) src(%dma_wait3A_28 : memref<64x128xf32, #tpu.memory_space<hbm>>) dst(%arg12 : memref<64x128xf32, #tpu.memory_space<vmem>>)
    %dma_wait3A_29 = arith.constant 0 : i32
    %dma_wait3A_30 = tpu.memref_slice %arg6[%mul3A_2, %dma_wait3A_29] : memref<2048x128xf32, #tpu.memory_space<hbm>> -> memref<64x128xf32, #tpu.memory_space<hbm>>
    %dma_wait3A_31 = arith.constant 0 : i32
    %dma_wait3A_32 = tpu.memref_slice %arg6[%mul3A_2, %dma_wait3A_31] : memref<2048x128xf32, #tpu.memory_space<hbm>> -> memref<64x128xf32, #tpu.memory_space<hbm>>
    tpu.wait_dma2 semaphore(%arg14 : memref<!tpu.dma_semaphore, #tpu.memory_space<semaphore_mem>>) src(%dma_wait3A_32 : memref<64x128xf32, #tpu.memory_space<hbm>>) dst(%arg13 : memref<64x128xf32, #tpu.memory_space<vmem>>)
    %dma_start3A_33 = arith.constant 0 : i32
    %dma_start3A_34 = arith.constant 0 : i32
    %dma_start3A_35 = tpu.memref_slice %arg7[%dma_start3A_33, %dma_start3A_34] : memref<12288x768xf32, #tpu.memory_space<hbm>> -> memref<12288x768xf32, #tpu.memory_space<hbm>>
    tpu.enqueue_indirect_dma source(%arg9 : memref<64x768xf32, #tpu.memory_space<vmem>>) target(%dma_start3A_35 : memref<12288x768xf32, #tpu.memory_space<hbm>>) offsets(%arg10 : memref<64xi32, #tpu.memory_space<vmem>>) semaphore(%arg14 : memref<!tpu.dma_semaphore, #tpu.memory_space<semaphore_mem>>)
    %dma_start3A_36 = arith.constant 0 : i32
    %dma_start3A_37 = arith.constant 0 : i32
    %dma_start3A_38 = tpu.memref_slice %arg7[%dma_start3A_36, %dma_start3A_37] : memref<12288x768xf32, #tpu.memory_space<hbm>> -> memref<12288x768xf32, #tpu.memory_space<hbm>>
    tpu.enqueue_indirect_dma source(%arg9 : memref<64x768xf32, #tpu.memory_space<vmem>>) target(%dma_start3A_38 : memref<12288x768xf32, #tpu.memory_space<hbm>>) offsets(%arg11 : memref<64xi32, #tpu.memory_space<vmem>>) semaphore(%arg14 : memref<!tpu.dma_semaphore, #tpu.memory_space<semaphore_mem>>)
    %dma_start3A_39 = arith.constant 0 : i32
    %dma_start3A_40 = arith.constant 0 : i32
    %dma_start3A_41 = tpu.memref_slice %arg8[%dma_start3A_39, %dma_start3A_40] : memref<12288x128xf32, #tpu.memory_space<hbm>> -> memref<12288x128xf32, #tpu.memory_space<hbm>>
    tpu.enqueue_indirect_dma source(%arg12 : memref<64x128xf32, #tpu.memory_space<vmem>>) target(%dma_start3A_41 : memref<12288x128xf32, #tpu.memory_space<hbm>>) offsets(%arg10 : memref<64xi32, #tpu.memory_space<vmem>>) semaphore(%arg14 : memref<!tpu.dma_semaphore, #tpu.memory_space<semaphore_mem>>)
    %dma_start3A_42 = arith.constant 0 : i32
    %dma_start3A_43 = arith.constant 0 : i32
    %dma_start3A_44 = tpu.memref_slice %arg8[%dma_start3A_42, %dma_start3A_43] : memref<12288x128xf32, #tpu.memory_space<hbm>> -> memref<12288x128xf32, #tpu.memory_space<hbm>>
    tpu.enqueue_indirect_dma source(%arg13 : memref<64x128xf32, #tpu.memory_space<vmem>>) target(%dma_start3A_44 : memref<12288x128xf32, #tpu.memory_space<hbm>>) offsets(%arg11 : memref<64xi32, #tpu.memory_space<vmem>>) semaphore(%arg14 : memref<!tpu.dma_semaphore, #tpu.memory_space<semaphore_mem>>)
    %dma_wait3A_45 = arith.constant 0 : i32
    %dma_wait3A_46 = arith.constant 0 : i32
    %dma_wait3A_47 = tpu.memref_slice %arg7[%dma_wait3A_45, %dma_wait3A_46] : memref<12288x768xf32, #tpu.memory_space<hbm>> -> memref<12288x768xf32, #tpu.memory_space<hbm>>
    tpu.wait_indirect_dma semaphore(%arg14 : memref<!tpu.dma_semaphore, #tpu.memory_space<semaphore_mem>>) src(%arg9 : memref<64x768xf32, #tpu.memory_space<vmem>>) dst(%dma_wait3A_47 : memref<12288x768xf32, #tpu.memory_space<hbm>>)
    %dma_wait3A_48 = arith.constant 0 : i32
    %dma_wait3A_49 = arith.constant 0 : i32
    %dma_wait3A_50 = tpu.memref_slice %arg7[%dma_wait3A_48, %dma_wait3A_49] : memref<12288x768xf32, #tpu.memory_space<hbm>> -> memref<12288x768xf32, #tpu.memory_space<hbm>>
    tpu.wait_indirect_dma semaphore(%arg14 : memref<!tpu.dma_semaphore, #tpu.memory_space<semaphore_mem>>) src(%arg9 : memref<64x768xf32, #tpu.memory_space<vmem>>) dst(%dma_wait3A_50 : memref<12288x768xf32, #tpu.memory_space<hbm>>)
    %dma_wait3A_51 = arith.constant 0 : i32
    %dma_wait3A_52 = arith.constant 0 : i32
    %dma_wait3A_53 = tpu.memref_slice %arg8[%dma_wait3A_51, %dma_wait3A_52] : memref<12288x128xf32, #tpu.memory_space<hbm>> -> memref<12288x128xf32, #tpu.memory_space<hbm>>
    tpu.wait_indirect_dma semaphore(%arg14 : memref<!tpu.dma_semaphore, #tpu.memory_space<semaphore_mem>>) src(%arg12 : memref<64x128xf32, #tpu.memory_space<vmem>>) dst(%dma_wait3A_53 : memref<12288x128xf32, #tpu.memory_space<hbm>>)
    %dma_wait3A_54 = arith.constant 0 : i32
    %dma_wait3A_55 = arith.constant 0 : i32
    %dma_wait3A_56 = tpu.memref_slice %arg8[%dma_wait3A_54, %dma_wait3A_55] : memref<12288x128xf32, #tpu.memory_space<hbm>> -> memref<12288x128xf32, #tpu.memory_space<hbm>>
    tpu.wait_indirect_dma semaphore(%arg14 : memref<!tpu.dma_semaphore, #tpu.memory_space<semaphore_mem>>) src(%arg13 : memref<64x128xf32, #tpu.memory_space<vmem>>) dst(%dma_wait3A_56 : memref<12288x128xf32, #tpu.memory_space<hbm>>)
    return
  }
}

#map = affine_map<(d0, d1) -> (0, 0)>
#map1 = affine_map<(d0, d1) -> (0)>
module attributes {stable_mosaic.version = 14 : i64} {
  func.func @_combine_body(%arg0: i32, %arg1: i32, %arg2: memref<12288x768xf32, #tpu.memory_space<hbm>>, %arg3: memref<2048xi32, #tpu.memory_space<hbm>>, %arg4: memref<2048xi32, #tpu.memory_space<hbm>>, %arg5: memref<2048x768xf32, #tpu.memory_space<hbm>>, %arg6: memref<64xi32, #tpu.memory_space<vmem>>, %arg7: memref<64xi32, #tpu.memory_space<vmem>>, %arg8: memref<64x768xf32, #tpu.memory_space<vmem>>, %arg9: memref<64x768xf32, #tpu.memory_space<vmem>>, %arg10: memref<!tpu.dma_semaphore, #tpu.memory_space<semaphore_mem>>) attributes {dimension_semantics = [#tpu.dimension_semantics<core_parallel>, #tpu.dimension_semantics<subcore_parallel>], iteration_bounds = array<i64: 2, 16>, scalar_prefetch = 0 : i64, scratch_operands = 5 : i64, tpu.core_type = #tpu.core_type<sc_vector_subcore>, window_params = [{transform_indices = #map}, {transform_indices = #map1}, {transform_indices = #map1}, {transform_indices = #map}]} {
    %mul3A = arith.constant 2 : i32
    %mul3A_0 = arith.muli %arg1, %mul3A : i32
    %add3A = arith.addi %mul3A_0, %arg0 : i32
    %mul3A_1 = arith.constant 64 : i32
    %mul3A_2 = arith.muli %add3A, %mul3A_1 : i32
    %dma_start3A = tpu.memref_slice %arg3[%mul3A_2] : memref<2048xi32, #tpu.memory_space<hbm>> -> memref<64xi32, #tpu.memory_space<hbm>>
    %dma_start3A_3 = tpu.memref_slice %arg3[%mul3A_2] : memref<2048xi32, #tpu.memory_space<hbm>> -> memref<64xi32, #tpu.memory_space<hbm>>
    tpu.enqueue_dma source(%dma_start3A_3 : memref<64xi32, #tpu.memory_space<hbm>>) target(%arg6 : memref<64xi32, #tpu.memory_space<vmem>>) target_semaphore(%arg10 : memref<!tpu.dma_semaphore, #tpu.memory_space<semaphore_mem>>)
    %dma_start3A_4 = tpu.memref_slice %arg4[%mul3A_2] : memref<2048xi32, #tpu.memory_space<hbm>> -> memref<64xi32, #tpu.memory_space<hbm>>
    %dma_start3A_5 = tpu.memref_slice %arg4[%mul3A_2] : memref<2048xi32, #tpu.memory_space<hbm>> -> memref<64xi32, #tpu.memory_space<hbm>>
    tpu.enqueue_dma source(%dma_start3A_5 : memref<64xi32, #tpu.memory_space<hbm>>) target(%arg7 : memref<64xi32, #tpu.memory_space<vmem>>) target_semaphore(%arg10 : memref<!tpu.dma_semaphore, #tpu.memory_space<semaphore_mem>>)
    %dma_wait3A = tpu.memref_slice %arg3[%mul3A_2] : memref<2048xi32, #tpu.memory_space<hbm>> -> memref<64xi32, #tpu.memory_space<hbm>>
    %dma_wait3A_6 = tpu.memref_slice %arg3[%mul3A_2] : memref<2048xi32, #tpu.memory_space<hbm>> -> memref<64xi32, #tpu.memory_space<hbm>>
    tpu.wait_dma2 semaphore(%arg10 : memref<!tpu.dma_semaphore, #tpu.memory_space<semaphore_mem>>) src(%dma_wait3A_6 : memref<64xi32, #tpu.memory_space<hbm>>) dst(%arg6 : memref<64xi32, #tpu.memory_space<vmem>>)
    %dma_wait3A_7 = tpu.memref_slice %arg4[%mul3A_2] : memref<2048xi32, #tpu.memory_space<hbm>> -> memref<64xi32, #tpu.memory_space<hbm>>
    %dma_wait3A_8 = tpu.memref_slice %arg4[%mul3A_2] : memref<2048xi32, #tpu.memory_space<hbm>> -> memref<64xi32, #tpu.memory_space<hbm>>
    tpu.wait_dma2 semaphore(%arg10 : memref<!tpu.dma_semaphore, #tpu.memory_space<semaphore_mem>>) src(%dma_wait3A_8 : memref<64xi32, #tpu.memory_space<hbm>>) dst(%arg7 : memref<64xi32, #tpu.memory_space<vmem>>)
    %dma_start3A_9 = arith.constant 0 : i32
    %dma_start3A_10 = arith.constant 0 : i32
    %dma_start3A_11 = tpu.memref_slice %arg2[%dma_start3A_9, %dma_start3A_10] : memref<12288x768xf32, #tpu.memory_space<hbm>> -> memref<12288x768xf32, #tpu.memory_space<hbm>>
    tpu.enqueue_indirect_dma source(%dma_start3A_11 : memref<12288x768xf32, #tpu.memory_space<hbm>>) target(%arg8 : memref<64x768xf32, #tpu.memory_space<vmem>>) offsets(%arg6 : memref<64xi32, #tpu.memory_space<vmem>>) semaphore(%arg10 : memref<!tpu.dma_semaphore, #tpu.memory_space<semaphore_mem>>)
    %dma_start3A_12 = arith.constant 0 : i32
    %dma_start3A_13 = arith.constant 0 : i32
    %dma_start3A_14 = tpu.memref_slice %arg2[%dma_start3A_12, %dma_start3A_13] : memref<12288x768xf32, #tpu.memory_space<hbm>> -> memref<12288x768xf32, #tpu.memory_space<hbm>>
    tpu.enqueue_indirect_dma source(%dma_start3A_14 : memref<12288x768xf32, #tpu.memory_space<hbm>>) target(%arg9 : memref<64x768xf32, #tpu.memory_space<vmem>>) offsets(%arg7 : memref<64xi32, #tpu.memory_space<vmem>>) semaphore(%arg10 : memref<!tpu.dma_semaphore, #tpu.memory_space<semaphore_mem>>)
    %dma_wait3A_15 = arith.constant 0 : i32
    %dma_wait3A_16 = arith.constant 0 : i32
    %dma_wait3A_17 = tpu.memref_slice %arg2[%dma_wait3A_15, %dma_wait3A_16] : memref<12288x768xf32, #tpu.memory_space<hbm>> -> memref<12288x768xf32, #tpu.memory_space<hbm>>
    tpu.wait_indirect_dma semaphore(%arg10 : memref<!tpu.dma_semaphore, #tpu.memory_space<semaphore_mem>>) src(%dma_wait3A_17 : memref<12288x768xf32, #tpu.memory_space<hbm>>) dst(%arg8 : memref<64x768xf32, #tpu.memory_space<vmem>>)
    %dma_wait3A_18 = arith.constant 0 : i32
    %dma_wait3A_19 = arith.constant 0 : i32
    %dma_wait3A_20 = tpu.memref_slice %arg2[%dma_wait3A_18, %dma_wait3A_19] : memref<12288x768xf32, #tpu.memory_space<hbm>> -> memref<12288x768xf32, #tpu.memory_space<hbm>>
    tpu.wait_indirect_dma semaphore(%arg10 : memref<!tpu.dma_semaphore, #tpu.memory_space<semaphore_mem>>) src(%dma_wait3A_20 : memref<12288x768xf32, #tpu.memory_space<hbm>>) dst(%arg9 : memref<64x768xf32, #tpu.memory_space<vmem>>)
    %parallel_loop3A = arith.constant 0 : i32
    %parallel_loop3A_21 = arith.constant 3072 : i32
    %parallel_loop3A_22 = arith.constant 1 : i32
    scf.for %parallel_loop3A_23 = %parallel_loop3A to %parallel_loop3A_21 step %parallel_loop3A_22  : i32 {
      %parallel_loop3A_24 = arith.constant 48 : i32
      %parallel_loop3A_25 = arith.divsi %parallel_loop3A_23, %parallel_loop3A_24 : i32
      %parallel_loop3A_26 = arith.constant 0 : i32
      %parallel_loop3A_27 = arith.cmpi sgt, %parallel_loop3A_23, %parallel_loop3A_26 : i32
      %parallel_loop3A_28 = arith.extui %parallel_loop3A_27 : i1 to i32
      %parallel_loop3A_29 = arith.constant 0 : i32
      %parallel_loop3A_30 = arith.cmpi slt, %parallel_loop3A_23, %parallel_loop3A_29 : i32
      %parallel_loop3A_31 = arith.extui %parallel_loop3A_30 : i1 to i32
      %parallel_loop3A_32 = arith.subi %parallel_loop3A_28, %parallel_loop3A_31 : i32
      %parallel_loop3A_33 = arith.constant 0 : i32
      %parallel_loop3A_34 = arith.cmpi sgt, %parallel_loop3A_24, %parallel_loop3A_33 : i32
      %parallel_loop3A_35 = arith.extui %parallel_loop3A_34 : i1 to i32
      %parallel_loop3A_36 = arith.constant 0 : i32
      %parallel_loop3A_37 = arith.cmpi slt, %parallel_loop3A_24, %parallel_loop3A_36 : i32
      %parallel_loop3A_38 = arith.extui %parallel_loop3A_37 : i1 to i32
      %parallel_loop3A_39 = arith.subi %parallel_loop3A_35, %parallel_loop3A_38 : i32
      %parallel_loop3A_40 = arith.cmpi ne, %parallel_loop3A_32, %parallel_loop3A_39 : i32
      %parallel_loop3A_41 = arith.remsi %parallel_loop3A_23, %parallel_loop3A_24 : i32
      %parallel_loop3A_42 = arith.constant 0 : i32
      %parallel_loop3A_43 = arith.cmpi ne, %parallel_loop3A_41, %parallel_loop3A_42 : i32
      %parallel_loop3A_44 = arith.andi %parallel_loop3A_40, %parallel_loop3A_43 : i1
      %parallel_loop3A_45 = arith.constant 1 : i32
      %parallel_loop3A_46 = arith.subi %parallel_loop3A_25, %parallel_loop3A_45 : i32
      %parallel_loop3A_47 = arith.select %parallel_loop3A_44, %parallel_loop3A_46, %parallel_loop3A_25 : i32
      %parallel_loop3A_48 = arith.constant 48 : i32
      %parallel_loop3A_49 = arith.constant 0 : i32
      %parallel_loop3A_50 = arith.cmpi eq, %parallel_loop3A_48, %parallel_loop3A_49 : i32
      %parallel_loop3A_51 = arith.constant 1 : i32
      %parallel_loop3A_52 = arith.select %parallel_loop3A_50, %parallel_loop3A_51, %parallel_loop3A_48 : i32
      %parallel_loop3A_53 = arith.remsi %parallel_loop3A_23, %parallel_loop3A_52 : i32
      %parallel_loop3A_54 = arith.constant 0 : i32
      %parallel_loop3A_55 = arith.cmpi ne, %parallel_loop3A_53, %parallel_loop3A_54 : i32
      %parallel_loop3A_56 = arith.constant 0 : i32
      %parallel_loop3A_57 = arith.cmpi slt, %parallel_loop3A_53, %parallel_loop3A_56 : i32
      %parallel_loop3A_58 = arith.constant 0 : i32
      %parallel_loop3A_59 = arith.cmpi slt, %parallel_loop3A_52, %parallel_loop3A_58 : i32
      %parallel_loop3A_60 = arith.xori %parallel_loop3A_57, %parallel_loop3A_59 : i1
      %parallel_loop3A_61 = arith.andi %parallel_loop3A_60, %parallel_loop3A_55 : i1
      %parallel_loop3A_62 = arith.addi %parallel_loop3A_53, %parallel_loop3A_52 : i32
      %parallel_loop3A_63 = arith.select %parallel_loop3A_61, %parallel_loop3A_62, %parallel_loop3A_53 : i32
      %parallel_loop3A_64 = arith.constant 16 : i32
      %parallel_loop3A_65 = arith.muli %parallel_loop3A_63, %parallel_loop3A_64 : i32
      %parallel_loop3A_66 = arith.index_cast %parallel_loop3A_47 : i32 to index
      %parallel_loop3A_67 = arith.index_cast %parallel_loop3A_65 : i32 to index
      %parallel_loop3A_68 = tpu.vector_load %arg8[%parallel_loop3A_66, %parallel_loop3A_67] {strides = array<i32>} : memref<64x768xf32, #tpu.memory_space<vmem>>, vector<1x16xf32>,
      %parallel_loop3A_69 = vector.shape_cast %parallel_loop3A_68 : vector<1x16xf32> to vector<16xf32>
      %parallel_loop3A_70 = arith.index_cast %parallel_loop3A_47 : i32 to index
      %parallel_loop3A_71 = arith.index_cast %parallel_loop3A_65 : i32 to index
      %parallel_loop3A_72 = tpu.vector_load %arg9[%parallel_loop3A_70, %parallel_loop3A_71] {strides = array<i32>} : memref<64x768xf32, #tpu.memory_space<vmem>>, vector<1x16xf32>,
      %parallel_loop3A_73 = vector.shape_cast %parallel_loop3A_72 : vector<1x16xf32> to vector<16xf32>
      %parallel_loop3A_74 = arith.addf %parallel_loop3A_69, %parallel_loop3A_73 : vector<16xf32>
      %parallel_loop3A_75 = arith.index_cast %parallel_loop3A_47 : i32 to index
      %parallel_loop3A_76 = arith.index_cast %parallel_loop3A_65 : i32 to index
      %parallel_loop3A_77 = tpu.vector_load %arg8[%parallel_loop3A_75, %parallel_loop3A_76] {strides = array<i32>} : memref<64x768xf32, #tpu.memory_space<vmem>>, vector<1x16xf32>,
      %parallel_loop3A_78 = vector.shape_cast %parallel_loop3A_77 : vector<1x16xf32> to vector<16xf32>
      %parallel_loop3A_79 = vector.shape_cast %parallel_loop3A_74 : vector<16xf32> to vector<1x16xf32>
      tpu.vector_store %arg8[%parallel_loop3A_75, %parallel_loop3A_76], %parallel_loop3A_79 {strides = array<i32>} : memref<64x768xf32, #tpu.memory_space<vmem>>, vector<1x16xf32>,
    } {sc.loop_unroll_factor = 8 : i64, sc.parallel_access}
    "tpu.region"() ({
      %run_scoped3A = tpu.sem_alloc : memref<!tpu.dma_semaphore, #tpu.memory_space<semaphore_mem>>
      %dma_start3A_23 = arith.constant 0 : i32
      %dma_start3A_24 = tpu.memref_slice %arg5[%mul3A_2, %dma_start3A_23] : memref<2048x768xf32, #tpu.memory_space<hbm>> -> memref<64x768xf32, #tpu.memory_space<hbm>>
      %dma_start3A_25 = arith.constant 0 : i32
      %dma_start3A_26 = tpu.memref_slice %arg5[%mul3A_2, %dma_start3A_25] : memref<2048x768xf32, #tpu.memory_space<hbm>> -> memref<64x768xf32, #tpu.memory_space<hbm>>
      tpu.enqueue_dma source(%arg8 : memref<64x768xf32, #tpu.memory_space<vmem>>) target(%dma_start3A_26 : memref<64x768xf32, #tpu.memory_space<hbm>>) target_semaphore(%run_scoped3A : memref<!tpu.dma_semaphore, #tpu.memory_space<semaphore_mem>>)
      %dma_wait3A_27 = arith.constant 0 : i32
      %dma_wait3A_28 = tpu.memref_slice %arg5[%mul3A_2, %dma_wait3A_27] : memref<2048x768xf32, #tpu.memory_space<hbm>> -> memref<64x768xf32, #tpu.memory_space<hbm>>
      %dma_wait3A_29 = arith.constant 0 : i32
      %dma_wait3A_30 = tpu.memref_slice %arg5[%mul3A_2, %dma_wait3A_29] : memref<2048x768xf32, #tpu.memory_space<hbm>> -> memref<64x768xf32, #tpu.memory_space<hbm>>
      tpu.wait_dma2 semaphore(%run_scoped3A : memref<!tpu.dma_semaphore, #tpu.memory_space<semaphore_mem>>) src(%arg8 : memref<64x768xf32, #tpu.memory_space<vmem>>) dst(%dma_wait3A_30 : memref<64x768xf32, #tpu.memory_space<hbm>>)
      tpu.yield
    }) : () -> ()
    return
  }
}

module attributes {stable_mosaic.version = 14 : i64} {
  func.func @_routing_body(%arg0: i32, %arg1: memref<2048x768xf32, #tpu.memory_space<vmem>>, %arg2: memref<768x64xf32, #tpu.memory_space<vmem>>, %arg3: memref<2048x1xi32, #tpu.memory_space<vmem>>, %arg4: memref<2048x1xi32, #tpu.memory_space<vmem>>, %arg5: memref<2048x128xf32, #tpu.memory_space<vmem>>, %arg6: memref<2048x128xf32, #tpu.memory_space<vmem>>, %arg7: memref<96x1xi32, #tpu.memory_space<vmem>>, %arg8: memref<96x1xi32, #tpu.memory_space<vmem>>, %arg9: memref<96x1xi32, #tpu.memory_space<vmem>>, %arg10: memref<1x1xi32, #tpu.memory_space<vmem>>, %arg11: memref<2048x64xf32, #tpu.memory_space<vmem>>, %arg12: memref<2048x64xf32, #tpu.memory_space<vmem>>) attributes {dimension_semantics = [#tpu.dimension_semantics<arbitrary>], iteration_bounds = array<i64: 1>, scalar_prefetch = 0 : i64, scratch_operands = 2 : i64, tpu.core_type = #tpu.core_type<tc>, window_params = [{pipeline_mode = #tpu.pipeline_mode<synchronous>, transform_indices = @transform_0, window_bounds = array<i64: 2048, 768>}, {pipeline_mode = #tpu.pipeline_mode<synchronous>, transform_indices = @transform_1, window_bounds = array<i64: 768, 64>}, {pipeline_mode = #tpu.pipeline_mode<synchronous>, transform_indices = @transform_2, window_bounds = array<i64: 2048, 1>}, {pipeline_mode = #tpu.pipeline_mode<synchronous>, transform_indices = @transform_3, window_bounds = array<i64: 2048, 1>}, {pipeline_mode = #tpu.pipeline_mode<synchronous>, transform_indices = @transform_4, window_bounds = array<i64: 2048, 128>}, {pipeline_mode = #tpu.pipeline_mode<synchronous>, transform_indices = @transform_5, window_bounds = array<i64: 2048, 128>}, {pipeline_mode = #tpu.pipeline_mode<synchronous>, transform_indices = @transform_6, window_bounds = array<i64: 96, 1>}, {pipeline_mode = #tpu.pipeline_mode<synchronous>, transform_indices = @transform_7, window_bounds = array<i64: 96, 1>}, {pipeline_mode = #tpu.pipeline_mode<synchronous>, transform_indices = @transform_8, window_bounds = array<i64: 96, 1>}, {pipeline_mode = #tpu.pipeline_mode<synchronous>, transform_indices = @transform_9, window_bounds = array<i64: 1, 1>}]} {
    %get3A = arith.constant 0 : index
    %get3A_0 = arith.constant 0 : index
    %get3A_1 = vector.load %arg1[%get3A, %get3A_0] : memref<2048x768xf32, #tpu.memory_space<vmem>>, vector<2048x768xf32>
    %get3A_2 = arith.constant 0 : index
    %get3A_3 = arith.constant 0 : index
    %get3A_4 = vector.load %arg2[%get3A_2, %get3A_3] : memref<768x64xf32, #tpu.memory_space<vmem>>, vector<768x64xf32>
    %dot_general3A = arith.constant dense<0.000000e+00> : vector<2048x64xf32>
    %dot_general3A_5 = tpu.matmul %get3A_1, %get3A_4, %dot_general3A {dimension_numbers = #tpu.dot_dimension_numbers<[1], [0], [0], [1], [0, 0, 1, 1], [], []>, transpose_lhs_hint = false} : vector<2048x768xf32>, vector<768x64xf32>, vector<2048x64xf32> -> vector<2048x64xf32>
    %iota3A = tpu.iota {dimensions = array<i32: 1>} : vector<2048x64xi32>
    %reduce_max3A = arith.constant dense<0xFF800000> : vector<2048xf32>
    %reduce_max3A_6 = vector.multi_reduction <maximumf>, %dot_general3A_5, %reduce_max3A [1] : vector<2048x64xf32> to vector<2048xf32>
    %broadcast_in_dim3A = vector.shape_cast %reduce_max3A_6 : vector<2048xf32> to vector<2048x1xf32>
    %eq3A = vector.broadcast %broadcast_in_dim3A : vector<2048x1xf32> to vector<2048x64xf32>
    %eq3A_7 = arith.cmpf oeq, %dot_general3A_5, %eq3A : vector<2048x64xf32>
    %jit3A = arith.constant 64 : i32
    %broadcast_in_dim3A_8 = vector.broadcast %jit3A : i32 to vector<2048x64xi32>
    %select_n3A = arith.select %eq3A_7, %iota3A, %broadcast_in_dim3A_8 : vector<2048x64xi1>, vector<2048x64xi32>
    %reduce_min3A = arith.constant dense<2147483647> : vector<2048xi32>
    %reduce_min3A_9 = vector.multi_reduction <minsi>, %select_n3A, %reduce_min3A [1] : vector<2048x64xi32> to vector<2048xi32>
    %broadcast_in_dim3A_10 = vector.shape_cast %reduce_min3A_9 : vector<2048xi32> to vector<2048x1xi32>
    %eq3A_11 = vector.broadcast %broadcast_in_dim3A_10 : vector<2048x1xi32> to vector<2048x64xi32>
    %eq3A_12 = arith.cmpi eq, %iota3A, %eq3A_11 : vector<2048x64xi32>
    %jit3A_13 = arith.constant -1.000000e+30 : f32
    %broadcast_in_dim3A_14 = vector.broadcast %jit3A_13 : f32 to vector<2048x64xf32>
    %select_n3A_15 = arith.select %eq3A_12, %broadcast_in_dim3A_14, %dot_general3A_5 : vector<2048x64xi1>, vector<2048x64xf32>
    %reduce_max3A_16 = arith.constant dense<0xFF800000> : vector<2048xf32>
    %reduce_max3A_17 = vector.multi_reduction <maximumf>, %select_n3A_15, %reduce_max3A_16 [1] : vector<2048x64xf32> to vector<2048xf32>
    %broadcast_in_dim3A_18 = vector.shape_cast %reduce_max3A_17 : vector<2048xf32> to vector<2048x1xf32>
    %eq3A_19 = vector.broadcast %broadcast_in_dim3A_18 : vector<2048x1xf32> to vector<2048x64xf32>
    %eq3A_20 = arith.cmpf oeq, %select_n3A_15, %eq3A_19 : vector<2048x64xf32>
    %jit3A_21 = arith.constant 64 : i32
    %broadcast_in_dim3A_22 = vector.broadcast %jit3A_21 : i32 to vector<2048x64xi32>
    %select_n3A_23 = arith.select %eq3A_20, %iota3A, %broadcast_in_dim3A_22 : vector<2048x64xi1>, vector<2048x64xi32>
    %reduce_min3A_24 = arith.constant dense<2147483647> : vector<2048xi32>
    %reduce_min3A_25 = vector.multi_reduction <minsi>, %select_n3A_23, %reduce_min3A_24 [1] : vector<2048x64xi32> to vector<2048xi32>
    %broadcast_in_dim3A_26 = vector.shape_cast %reduce_min3A_25 : vector<2048xi32> to vector<2048x1xi32>
    %sub3A = vector.broadcast %broadcast_in_dim3A : vector<2048x1xf32> to vector<2048x64xf32>
    %sub3A_27 = arith.subf %dot_general3A_5, %sub3A : vector<2048x64xf32>
    %exp3A = math.exp %sub3A_27 : vector<2048x64xf32>
    %reduce_sum3A = arith.constant dense<0.000000e+00> : vector<2048xf32>
    %reduce_sum3A_28 = vector.multi_reduction <add>, %exp3A, %reduce_sum3A [1] : vector<2048x64xf32> to vector<2048xf32>
    %broadcast_in_dim3A_29 = vector.shape_cast %reduce_sum3A_28 : vector<2048xf32> to vector<2048x1xf32>
    %div3A = arith.constant 1.000000e+00 : f32
    %div3A_30 = vector.broadcast %div3A : f32 to vector<2048x1xf32>
    %div3A_31 = arith.divf %div3A_30, %broadcast_in_dim3A_29 : vector<2048x1xf32>
    %sub3A_32 = arith.subf %broadcast_in_dim3A_18, %broadcast_in_dim3A : vector<2048x1xf32>
    %exp3A_33 = math.exp %sub3A_32 : vector<2048x1xf32>
    %div3A_34 = arith.divf %exp3A_33, %broadcast_in_dim3A_29 : vector<2048x1xf32>
    %add3A = arith.addf %div3A_31, %div3A_34 : vector<2048x1xf32>
    %add3A_35 = arith.constant 9.99999997E-7 : f32
    %add3A_36 = vector.broadcast %add3A_35 : f32 to vector<2048x1xf32>
    %add3A_37 = arith.addf %add3A, %add3A_36 : vector<2048x1xf32>
    %broadcast_in_dim3A_38 = arith.constant 1.000000e+00 : f32
    %broadcast_in_dim3A_39 = vector.broadcast %broadcast_in_dim3A_38 : f32 to vector<1x128xf32>
    %div3A_40 = arith.divf %div3A_31, %add3A_37 : vector<2048x1xf32>
    %mul3A = vector.broadcast %div3A_40 : vector<2048x1xf32> to vector<2048x128xf32>
    %mul3A_41 = vector.broadcast %broadcast_in_dim3A_39 : vector<1x128xf32> to vector<2048x128xf32>
    %mul3A_42 = arith.mulf %mul3A, %mul3A_41 : vector<2048x128xf32>
    %swap3A = arith.constant 0 : index
    %swap3A_43 = arith.constant 0 : index
    %swap3A_44 = vector.load %arg5[%swap3A, %swap3A_43] : memref<2048x128xf32, #tpu.memory_space<vmem>>, vector<2048x128xf32>
    tpu.vector_store %arg5[%swap3A, %swap3A_43], %mul3A_42 {strides = array<i32>} : memref<2048x128xf32, #tpu.memory_space<vmem>>, vector<2048x128xf32>,
    %div3A_45 = arith.divf %div3A_34, %add3A_37 : vector<2048x1xf32>
    %mul3A_46 = vector.broadcast %div3A_45 : vector<2048x1xf32> to vector<2048x128xf32>
    %mul3A_47 = vector.broadcast %broadcast_in_dim3A_39 : vector<1x128xf32> to vector<2048x128xf32>
    %mul3A_48 = arith.mulf %mul3A_46, %mul3A_47 : vector<2048x128xf32>
    %swap3A_49 = arith.constant 0 : index
    %swap3A_50 = arith.constant 0 : index
    %swap3A_51 = vector.load %arg6[%swap3A_49, %swap3A_50] : memref<2048x128xf32, #tpu.memory_space<vmem>>, vector<2048x128xf32>
    tpu.vector_store %arg6[%swap3A_49, %swap3A_50], %mul3A_48 {strides = array<i32>} : memref<2048x128xf32, #tpu.memory_space<vmem>>, vector<2048x128xf32>,
    %eq3A_52 = vector.broadcast %broadcast_in_dim3A_10 : vector<2048x1xi32> to vector<2048x64xi32>
    %eq3A_53 = arith.cmpi eq, %iota3A, %eq3A_52 : vector<2048x64xi32>
    %convert_element_type3A = arith.extui %eq3A_53 : vector<2048x64xi1> to vector<2048x64xi32>
    %convert_element_type3A_54 = arith.sitofp %convert_element_type3A : vector<2048x64xi32> to vector<2048x64xf32>
    %eq3A_55 = vector.broadcast %broadcast_in_dim3A_26 : vector<2048x1xi32> to vector<2048x64xi32>
    %eq3A_56 = arith.cmpi eq, %iota3A, %eq3A_55 : vector<2048x64xi32>
    %convert_element_type3A_57 = arith.extui %eq3A_56 : vector<2048x64xi1> to vector<2048x64xi32>
    %convert_element_type3A_58 = arith.sitofp %convert_element_type3A_57 : vector<2048x64xi32> to vector<2048x64xf32>
    %add3A_59 = arith.addf %convert_element_type3A_54, %convert_element_type3A_58 : vector<2048x64xf32>
    %swap3A_60 = arith.constant 0 : index
    %swap3A_61 = arith.constant 0 : index
    %swap3A_62 = vector.load %arg11[%swap3A_60, %swap3A_61] : memref<2048x64xf32, #tpu.memory_space<vmem>>, vector<2048x64xf32>
    tpu.vector_store %arg11[%swap3A_60, %swap3A_61], %add3A_59 {strides = array<i32>} : memref<2048x64xf32, #tpu.memory_space<vmem>>, vector<2048x64xf32>,
    %reduce_sum3A_63 = arith.constant dense<0.000000e+00> : vector<64xf32>
    %reduce_sum3A_64 = vector.multi_reduction <add>, %add3A_59, %reduce_sum3A_63 [0] : vector<2048x64xf32> to vector<64xf32>
    %broadcast_in_dim3A_65 = vector.shape_cast %reduce_sum3A_64 : vector<64xf32> to vector<1x64xf32>
    %mul3A_66 = arith.constant 7.812500e-03 : f32
    %mul3A_67 = vector.broadcast %mul3A_66 : f32 to vector<1x64xf32>
    %mul3A_68 = arith.mulf %broadcast_in_dim3A_65, %mul3A_67 : vector<1x64xf32>
    %ceil3A = math.ceil %mul3A_68 : vector<1x64xf32>
    %max3A = arith.constant 1.000000e+00 : f32
    %max3A_69 = vector.broadcast %max3A : f32 to vector<1x64xf32>
    %max3A_70 = arith.maximumf %ceil3A, %max3A_69 : vector<1x64xf32>
    %iota3A_71 = tpu.iota {dimensions = array<i32: 0>} : vector<64x64xi32>
    %iota3A_72 = tpu.iota {dimensions = array<i32: 1>} : vector<64x64xi32>
    %lt3A = arith.cmpi slt, %iota3A_71, %iota3A_72 : vector<64x64xi32>
    %convert_element_type3A_73 = arith.extui %lt3A : vector<64x64xi1> to vector<64x64xi32>
    %convert_element_type3A_74 = arith.sitofp %convert_element_type3A_73 : vector<64x64xi32> to vector<64x64xf32>
    %dot_general3A_75 = arith.constant dense<0.000000e+00> : vector<1x64xf32>
    %dot_general3A_76 = tpu.matmul %max3A_70, %convert_element_type3A_74, %dot_general3A_75 {dimension_numbers = #tpu.dot_dimension_numbers<[1], [0], [0], [1], [0, 0, 1, 1], [], []>, transpose_lhs_hint = false} : vector<1x64xf32>, vector<64x64xf32>, vector<1x64xf32> -> vector<1x64xf32>
    %iota3A_77 = tpu.iota {dimensions = array<i32: 0>} : vector<128x128xi32>
    %iota3A_78 = tpu.iota {dimensions = array<i32: 1>} : vector<128x128xi32>
    %lt3A_79 = arith.cmpi slt, %iota3A_78, %iota3A_77 : vector<128x128xi32>
    %convert_element_type3A_80 = arith.extui %lt3A_79 : vector<128x128xi1> to vector<128x128xi32>
    %convert_element_type3A_81 = arith.sitofp %convert_element_type3A_80 : vector<128x128xi32> to vector<128x128xf32>
    %broadcast_in_dim3A_82 = arith.constant 0.000000e+00 : f32
    %broadcast_in_dim3A_83 = vector.broadcast %broadcast_in_dim3A_82 : f32 to vector<1x64xf32>
    %scan3A = arith.constant 0 : i32
    %scan3A_84 = arith.constant 16 : i32
    %scan3A_85 = arith.addi %scan3A, %scan3A_84 : i32
    %scan3A_86 = arith.constant 1 : i32
    %scan3A_87 = scf.for %scan3A_183 = %scan3A to %scan3A_85 step %scan3A_86 iter_args(%scan3A_184 = %broadcast_in_dim3A_83) -> (vector<1x64xf32>)  : i32 {
      %mul3A_185 = arith.constant 128 : i32
      %mul3A_186 = arith.muli %scan3A_183, %mul3A_185 : i32
      %get3A_187 = arith.index_cast %mul3A_186 : i32 to index
      %get3A_188 = arith.constant 0 : index
      %get3A_189 = vector.load %arg11[%get3A_187, %get3A_188] : memref<2048x64xf32, #tpu.memory_space<vmem>>, vector<128x64xf32>
      %dot_general3A_190 = arith.constant dense<0.000000e+00> : vector<128x64xf32>
      %dot_general3A_191 = tpu.matmul %convert_element_type3A_81, %get3A_189, %dot_general3A_190 {dimension_numbers = #tpu.dot_dimension_numbers<[1], [0], [0], [1], [0, 0, 1, 1], [], []>, transpose_lhs_hint = false} : vector<128x128xf32>, vector<128x64xf32>, vector<128x64xf32> -> vector<128x64xf32>
      %add3A_192 = vector.broadcast %scan3A_184 : vector<1x64xf32> to vector<128x64xf32>
      %add3A_193 = arith.addf %dot_general3A_191, %add3A_192 : vector<128x64xf32>
      %mul3A_194 = arith.constant 128 : i32
      %mul3A_195 = arith.muli %scan3A_183, %mul3A_194 : i32
      %swap3A_196 = arith.index_cast %mul3A_195 : i32 to index
      %swap3A_197 = arith.constant 0 : index
      %swap3A_198 = vector.load %arg12[%swap3A_196, %swap3A_197] : memref<2048x64xf32, #tpu.memory_space<vmem>>, vector<128x64xf32>
      tpu.vector_store %arg12[%swap3A_196, %swap3A_197], %add3A_193 {strides = array<i32>} : memref<2048x64xf32, #tpu.memory_space<vmem>>, vector<128x64xf32>,
      %reduce_sum3A_199 = arith.constant dense<0.000000e+00> : vector<64xf32>
      %reduce_sum3A_200 = vector.multi_reduction <add>, %get3A_189, %reduce_sum3A_199 [0] : vector<128x64xf32> to vector<64xf32>
      %broadcast_in_dim3A_201 = vector.shape_cast %reduce_sum3A_200 : vector<64xf32> to vector<1x64xf32>
      %add3A_202 = arith.addf %scan3A_184, %broadcast_in_dim3A_201 : vector<1x64xf32>
      scf.yield %add3A_202 : vector<1x64xf32>
    }
    %scan3A_88 = arith.constant 16 : i32
    %get3A_89 = arith.constant 0 : index
    %get3A_90 = arith.constant 0 : index
    %get3A_91 = vector.load %arg12[%get3A_89, %get3A_90] : memref<2048x64xf32, #tpu.memory_space<vmem>>, vector<2048x64xf32>
    %mul3A_92 = arith.mulf %get3A_91, %convert_element_type3A_54 : vector<2048x64xf32>
    %reduce_sum3A_93 = arith.constant dense<0.000000e+00> : vector<2048xf32>
    %reduce_sum3A_94 = vector.multi_reduction <add>, %mul3A_92, %reduce_sum3A_93 [1] : vector<2048x64xf32> to vector<2048xf32>
    %broadcast_in_dim3A_95 = vector.shape_cast %reduce_sum3A_94 : vector<2048xf32> to vector<2048x1xf32>
    %mul3A_96 = arith.mulf %get3A_91, %convert_element_type3A_58 : vector<2048x64xf32>
    %reduce_sum3A_97 = arith.constant dense<0.000000e+00> : vector<2048xf32>
    %reduce_sum3A_98 = vector.multi_reduction <add>, %mul3A_96, %reduce_sum3A_97 [1] : vector<2048x64xf32> to vector<2048xf32>
    %broadcast_in_dim3A_99 = vector.shape_cast %reduce_sum3A_98 : vector<2048xf32> to vector<2048x1xf32>
    %mul3A_100 = vector.broadcast %dot_general3A_76 : vector<1x64xf32> to vector<2048x64xf32>
    %mul3A_101 = arith.mulf %mul3A_100, %convert_element_type3A_54 : vector<2048x64xf32>
    %reduce_sum3A_102 = arith.constant dense<0.000000e+00> : vector<2048xf32>
    %reduce_sum3A_103 = vector.multi_reduction <add>, %mul3A_101, %reduce_sum3A_102 [1] : vector<2048x64xf32> to vector<2048xf32>
    %broadcast_in_dim3A_104 = vector.shape_cast %reduce_sum3A_103 : vector<2048xf32> to vector<2048x1xf32>
    %mul3A_105 = vector.broadcast %dot_general3A_76 : vector<1x64xf32> to vector<2048x64xf32>
    %mul3A_106 = arith.mulf %mul3A_105, %convert_element_type3A_58 : vector<2048x64xf32>
    %reduce_sum3A_107 = arith.constant dense<0.000000e+00> : vector<2048xf32>
    %reduce_sum3A_108 = vector.multi_reduction <add>, %mul3A_106, %reduce_sum3A_107 [1] : vector<2048x64xf32> to vector<2048xf32>
    %broadcast_in_dim3A_109 = vector.shape_cast %reduce_sum3A_108 : vector<2048xf32> to vector<2048x1xf32>
    %mul3A_110 = arith.constant 1.280000e+02 : f32
    %mul3A_111 = vector.broadcast %mul3A_110 : f32 to vector<2048x1xf32>
    %mul3A_112 = arith.mulf %broadcast_in_dim3A_104, %mul3A_111 : vector<2048x1xf32>
    %add3A_113 = arith.addf %mul3A_112, %broadcast_in_dim3A_95 : vector<2048x1xf32>
    %convert_element_type3A_114 = arith.fptosi %add3A_113 : vector<2048x1xf32> to vector<2048x1xi32>
    %swap3A_115 = arith.constant 0 : index
    %swap3A_116 = arith.constant 0 : index
    %swap3A_117 = vector.load %arg3[%swap3A_115, %swap3A_116] : memref<2048x1xi32, #tpu.memory_space<vmem>>, vector<2048x1xi32>
    tpu.vector_store %arg3[%swap3A_115, %swap3A_116], %convert_element_type3A_114 {strides = array<i32>} : memref<2048x1xi32, #tpu.memory_space<vmem>>, vector<2048x1xi32>,
    %mul3A_118 = arith.constant 1.280000e+02 : f32
    %mul3A_119 = vector.broadcast %mul3A_118 : f32 to vector<2048x1xf32>
    %mul3A_120 = arith.mulf %broadcast_in_dim3A_109, %mul3A_119 : vector<2048x1xf32>
    %add3A_121 = arith.addf %mul3A_120, %broadcast_in_dim3A_99 : vector<2048x1xf32>
    %convert_element_type3A_122 = arith.fptosi %add3A_121 : vector<2048x1xf32> to vector<2048x1xi32>
    %swap3A_123 = arith.constant 0 : index
    %swap3A_124 = arith.constant 0 : index
    %swap3A_125 = vector.load %arg4[%swap3A_123, %swap3A_124] : memref<2048x1xi32, #tpu.memory_space<vmem>>, vector<2048x1xi32>
    tpu.vector_store %arg4[%swap3A_123, %swap3A_124], %convert_element_type3A_122 {strides = array<i32>} : memref<2048x1xi32, #tpu.memory_space<vmem>>, vector<2048x1xi32>,
    %iota3A_126 = tpu.iota {dimensions = array<i32: 0>} : vector<96x64xi32>
    %convert_element_type3A_127 = arith.sitofp %iota3A_126 : vector<96x64xi32> to vector<96x64xf32>
    %le3A = vector.broadcast %dot_general3A_76 : vector<1x64xf32> to vector<96x64xf32>
    %le3A_128 = arith.cmpf ole, %le3A, %convert_element_type3A_127 : vector<96x64xf32>
    %convert_element_type3A_129 = arith.extui %le3A_128 : vector<96x64xi1> to vector<96x64xi32>
    %convert_element_type3A_130 = arith.sitofp %convert_element_type3A_129 : vector<96x64xi32> to vector<96x64xf32>
    %reduce_sum3A_131 = arith.constant dense<0.000000e+00> : vector<96xf32>
    %reduce_sum3A_132 = vector.multi_reduction <add>, %convert_element_type3A_130, %reduce_sum3A_131 [1] : vector<96x64xf32> to vector<96xf32>
    %broadcast_in_dim3A_133 = vector.shape_cast %reduce_sum3A_132 : vector<96xf32> to vector<96x1xf32>
    %sub3A_134 = arith.constant 1.000000e+00 : f32
    %sub3A_135 = vector.broadcast %sub3A_134 : f32 to vector<96x1xf32>
    %sub3A_136 = arith.subf %broadcast_in_dim3A_133, %sub3A_135 : vector<96x1xf32>
    %iota3A_137 = tpu.iota {dimensions = array<i32: 1>} : vector<96x64xi32>
    %convert_element_type3A_138 = arith.sitofp %iota3A_137 : vector<96x64xi32> to vector<96x64xf32>
    %eq3A_139 = vector.broadcast %sub3A_136 : vector<96x1xf32> to vector<96x64xf32>
    %eq3A_140 = arith.cmpf oeq, %convert_element_type3A_138, %eq3A_139 : vector<96x64xf32>
    %convert_element_type3A_141 = arith.extui %eq3A_140 : vector<96x64xi1> to vector<96x64xi32>
    %convert_element_type3A_142 = arith.sitofp %convert_element_type3A_141 : vector<96x64xi32> to vector<96x64xf32>
    %mul3A_143 = vector.broadcast %dot_general3A_76 : vector<1x64xf32> to vector<96x64xf32>
    %mul3A_144 = arith.mulf %mul3A_143, %convert_element_type3A_142 : vector<96x64xf32>
    %reduce_sum3A_145 = arith.constant dense<0.000000e+00> : vector<96xf32>
    %reduce_sum3A_146 = vector.multi_reduction <add>, %mul3A_144, %reduce_sum3A_145 [1] : vector<96x64xf32> to vector<96xf32>
    %broadcast_in_dim3A_147 = vector.shape_cast %reduce_sum3A_146 : vector<96xf32> to vector<96x1xf32>
    %mul3A_148 = vector.broadcast %broadcast_in_dim3A_65 : vector<1x64xf32> to vector<96x64xf32>
    %mul3A_149 = arith.mulf %mul3A_148, %convert_element_type3A_142 : vector<96x64xf32>
    %reduce_sum3A_150 = arith.constant dense<0.000000e+00> : vector<96xf32>
    %reduce_sum3A_151 = vector.multi_reduction <add>, %mul3A_149, %reduce_sum3A_150 [1] : vector<96x64xf32> to vector<96xf32>
    %broadcast_in_dim3A_152 = vector.shape_cast %reduce_sum3A_151 : vector<96xf32> to vector<96x1xf32>
    %slice3A = vector.extract_strided_slice %convert_element_type3A_127 {offsets = [0, 0], sizes = [96, 1], strides = [1, 1]} : vector<96x64xf32> to vector<96x1xf32>
    %sub3A_153 = arith.subf %slice3A, %broadcast_in_dim3A_147 : vector<96x1xf32>
    %mul3A_154 = arith.constant 1.280000e+02 : f32
    %mul3A_155 = vector.broadcast %mul3A_154 : f32 to vector<96x1xf32>
    %mul3A_156 = arith.mulf %sub3A_153, %mul3A_155 : vector<96x1xf32>
    %sub3A_157 = arith.subf %broadcast_in_dim3A_152, %mul3A_156 : vector<96x1xf32>
    %jit3A_158 = arith.constant 0.000000e+00 : f32
    %jit3A_159 = arith.constant 1.280000e+02 : f32
    %max3A_160 = vector.broadcast %jit3A_158 : f32 to vector<96x1xf32>
    %max3A_161 = arith.maximumf %max3A_160, %sub3A_157 : vector<96x1xf32>
    %min3A = vector.broadcast %jit3A_159 : f32 to vector<96x1xf32>
    %min3A_162 = arith.minimumf %min3A, %max3A_161 : vector<96x1xf32>
    %convert_element_type3A_163 = arith.fptosi %sub3A_136 : vector<96x1xf32> to vector<96x1xi32>
    %swap3A_164 = arith.constant 0 : index
    %swap3A_165 = arith.constant 0 : index
    %swap3A_166 = vector.load %arg7[%swap3A_164, %swap3A_165] : memref<96x1xi32, #tpu.memory_space<vmem>>, vector<96x1xi32>
    tpu.vector_store %arg7[%swap3A_164, %swap3A_165], %convert_element_type3A_163 {strides = array<i32>} : memref<96x1xi32, #tpu.memory_space<vmem>>, vector<96x1xi32>,
    %convert_element_type3A_167 = arith.fptosi %min3A_162 : vector<96x1xf32> to vector<96x1xi32>
    %swap3A_168 = arith.constant 0 : index
    %swap3A_169 = arith.constant 0 : index
    %swap3A_170 = vector.load %arg8[%swap3A_168, %swap3A_169] : memref<96x1xi32, #tpu.memory_space<vmem>>, vector<96x1xi32>
    tpu.vector_store %arg8[%swap3A_168, %swap3A_169], %convert_element_type3A_167 {strides = array<i32>} : memref<96x1xi32, #tpu.memory_space<vmem>>, vector<96x1xi32>,
    %eq3A_171 = arith.cmpf oeq, %slice3A, %broadcast_in_dim3A_147 : vector<96x1xf32>
    %convert_element_type3A_172 = arith.extui %eq3A_171 : vector<96x1xi1> to vector<96x1xi32>
    %swap3A_173 = arith.constant 0 : index
    %swap3A_174 = arith.constant 0 : index
    %swap3A_175 = vector.load %arg9[%swap3A_173, %swap3A_174] : memref<96x1xi32, #tpu.memory_space<vmem>>, vector<96x1xi32>
    tpu.vector_store %arg9[%swap3A_173, %swap3A_174], %convert_element_type3A_172 {strides = array<i32>} : memref<96x1xi32, #tpu.memory_space<vmem>>, vector<96x1xi32>,
    %reduce_sum3A_176 = arith.constant dense<0.000000e+00> : vector<1xf32>
    %reduce_sum3A_177 = vector.multi_reduction <add>, %max3A_70, %reduce_sum3A_176 [1] : vector<1x64xf32> to vector<1xf32>
    %broadcast_in_dim3A_178 = vector.shape_cast %reduce_sum3A_177 : vector<1xf32> to vector<1x1xf32>
    %convert_element_type3A_179 = arith.fptosi %broadcast_in_dim3A_178 : vector<1x1xf32> to vector<1x1xi32>
    %swap3A_180 = arith.constant 0 : index
    %swap3A_181 = arith.constant 0 : index
    %swap3A_182 = vector.load %arg10[%swap3A_180, %swap3A_181] : memref<1x1xi32, #tpu.memory_space<vmem>>, vector<1x1xi32>
    tpu.vector_store %arg10[%swap3A_180, %swap3A_181], %convert_element_type3A_179 {strides = array<i32>} : memref<1x1xi32, #tpu.memory_space<vmem>>, vector<1x1xi32>,
    return
  }
  func.func @transform_0(%arg0: i32) -> (i32, i32) {
    %c0_i32 = arith.constant 0 : i32
    %c0_i32_0 = arith.constant 0 : i32
    %c0_i32_1 = arith.constant 0 : i32
    return %c0_i32, %c0_i32_0 : i32, i32
  }
  func.func @transform_1(%arg0: i32) -> (i32, i32) {
    %c0_i32 = arith.constant 0 : i32
    %c0_i32_0 = arith.constant 0 : i32
    %c0_i32_1 = arith.constant 0 : i32
    return %c0_i32, %c0_i32_0 : i32, i32
  }
  func.func @transform_2(%arg0: i32) -> (i32, i32) {
    %c0_i32 = arith.constant 0 : i32
    %c0_i32_0 = arith.constant 0 : i32
    %c0_i32_1 = arith.constant 0 : i32
    return %c0_i32, %c0_i32_0 : i32, i32
  }
  func.func @transform_3(%arg0: i32) -> (i32, i32) {
    %c0_i32 = arith.constant 0 : i32
    %c0_i32_0 = arith.constant 0 : i32
    %c0_i32_1 = arith.constant 0 : i32
    return %c0_i32, %c0_i32_0 : i32, i32
  }
  func.func @transform_4(%arg0: i32) -> (i32, i32) {
    %c0_i32 = arith.constant 0 : i32
    %c0_i32_0 = arith.constant 0 : i32
    %c0_i32_1 = arith.constant 0 : i32
    return %c0_i32, %c0_i32_0 : i32, i32
  }
  func.func @transform_5(%arg0: i32) -> (i32, i32) {
    %c0_i32 = arith.constant 0 : i32
    %c0_i32_0 = arith.constant 0 : i32
    %c0_i32_1 = arith.constant 0 : i32
    return %c0_i32, %c0_i32_0 : i32, i32
  }
  func.func @transform_6(%arg0: i32) -> (i32, i32) {
    %c0_i32 = arith.constant 0 : i32
    %c0_i32_0 = arith.constant 0 : i32
    %c0_i32_1 = arith.constant 0 : i32
    return %c0_i32, %c0_i32_0 : i32, i32
  }
  func.func @transform_7(%arg0: i32) -> (i32, i32) {
    %c0_i32 = arith.constant 0 : i32
    %c0_i32_0 = arith.constant 0 : i32
    %c0_i32_1 = arith.constant 0 : i32
    return %c0_i32, %c0_i32_0 : i32, i32
  }
  func.func @transform_8(%arg0: i32) -> (i32, i32) {
    %c0_i32 = arith.constant 0 : i32
    %c0_i32_0 = arith.constant 0 : i32
    %c0_i32_1 = arith.constant 0 : i32
    return %c0_i32, %c0_i32_0 : i32, i32
  }
  func.func @transform_9(%arg0: i32) -> (i32, i32) {
    %c0_i32 = arith.constant 0 : i32
    %c0_i32_0 = arith.constant 0 : i32
    %c0_i32_1 = arith.constant 0 : i32
    return %c0_i32, %c0_i32_0 : i32, i32
  }
}

module attributes {stable_mosaic.version = 14 : i64} {
  func.func @_passes_body(%arg0: i32, %arg1: i32, %arg2: memref<96xi32, #tpu.memory_space<smem>>, %arg3: memref<96xi32, #tpu.memory_space<smem>>, %arg4: memref<96xi32, #tpu.memory_space<smem>>, %arg5: memref<1xi32, #tpu.memory_space<smem>>, %arg6: memref<512x768xf32, #tpu.memory_space<vmem>>, %arg7: memref<512x128xf32, #tpu.memory_space<vmem>>, %arg8: memref<1x768x64xf32, #tpu.memory_space<vmem>>, %arg9: memref<1x1x64xf32, #tpu.memory_space<vmem>>, %arg10: memref<1x768x64xf32, #tpu.memory_space<vmem>>, %arg11: memref<1x1x64xf32, #tpu.memory_space<vmem>>, %arg12: memref<1x768x64xf32, #tpu.memory_space<vmem>>, %arg13: memref<1x1x64xf32, #tpu.memory_space<vmem>>, %arg14: memref<1x64x64xf32, #tpu.memory_space<vmem>>, %arg15: memref<1x1x64xf32, #tpu.memory_space<vmem>>, %arg16: memref<1x768x64xf32, #tpu.memory_space<vmem>>, %arg17: memref<1x1x64xf32, #tpu.memory_space<vmem>>, %arg18: memref<1x768x64xf32, #tpu.memory_space<vmem>>, %arg19: memref<1x1x64xf32, #tpu.memory_space<vmem>>, %arg20: memref<1x768x64xf32, #tpu.memory_space<vmem>>, %arg21: memref<1x1x64xf32, #tpu.memory_space<vmem>>, %arg22: memref<1x64x64xf32, #tpu.memory_space<vmem>>, %arg23: memref<1x1x64xf32, #tpu.memory_space<vmem>>, %arg24: memref<1x768x64xf32, #tpu.memory_space<vmem>>, %arg25: memref<1x1x64xf32, #tpu.memory_space<vmem>>, %arg26: memref<1x768x64xf32, #tpu.memory_space<vmem>>, %arg27: memref<1x1x64xf32, #tpu.memory_space<vmem>>, %arg28: memref<1x768x64xf32, #tpu.memory_space<vmem>>, %arg29: memref<1x1x64xf32, #tpu.memory_space<vmem>>, %arg30: memref<1x64x64xf32, #tpu.memory_space<vmem>>, %arg31: memref<1x1x64xf32, #tpu.memory_space<vmem>>, %arg32: memref<1x768x64xf32, #tpu.memory_space<vmem>>, %arg33: memref<1x1x64xf32, #tpu.memory_space<vmem>>, %arg34: memref<1x768x64xf32, #tpu.memory_space<vmem>>, %arg35: memref<1x1x64xf32, #tpu.memory_space<vmem>>, %arg36: memref<1x768x64xf32, #tpu.memory_space<vmem>>, %arg37: memref<1x1x64xf32, #tpu.memory_space<vmem>>, %arg38: memref<1x64x64xf32, #tpu.memory_space<vmem>>, %arg39: memref<1x1x64xf32, #tpu.memory_space<vmem>>, %arg40: memref<1x64x768xf32, #tpu.memory_space<vmem>>, %arg41: memref<1x1x768xf32, #tpu.memory_space<vmem>>, %arg42: memref<1x64x768xf32, #tpu.memory_space<vmem>>, %arg43: memref<1x1x768xf32, #tpu.memory_space<vmem>>, %arg44: memref<1x64x768xf32, #tpu.memory_space<vmem>>, %arg45: memref<1x1x768xf32, #tpu.memory_space<vmem>>, %arg46: memref<1x64x768xf32, #tpu.memory_space<vmem>>, %arg47: memref<1x1x768xf32, #tpu.memory_space<vmem>>, %arg48: memref<64x64x64xf32, #tpu.memory_space<vmem>>, %arg49: memref<64x1x64xf32, #tpu.memory_space<vmem>>, %arg50: memref<512x768xf32, #tpu.memory_space<vmem>>, %arg51: memref<12288x64xf32, #tpu.memory_space<vmem>>, %arg52: memref<12288x1xf32, #tpu.memory_space<vmem>>, %arg53: memref<64x64x64xf32, #tpu.memory_space<vmem>>, %arg54: memref<64x64xf32, #tpu.memory_space<vmem>>) attributes {dimension_semantics = [#tpu.dimension_semantics<arbitrary>, #tpu.dimension_semantics<arbitrary>], iteration_bounds = array<i64: 2, 24>, scalar_prefetch = 4 : i64, scratch_operands = 4 : i64, tpu.core_type = #tpu.core_type<tc>, window_params = [{transform_indices = @transform_0, window_bounds = array<i64: 512, 768>}, {transform_indices = @transform_1, window_bounds = array<i64: 512, 128>}, {transform_indices = @transform_2, window_bounds = array<i64: 1, 768, 64>}, {transform_indices = @transform_3, window_bounds = array<i64: 1, 1, 64>}, {transform_indices = @transform_4, window_bounds = array<i64: 1, 768, 64>}, {transform_indices = @transform_5, window_bounds = array<i64: 1, 1, 64>}, {transform_indices = @transform_6, window_bounds = array<i64: 1, 768, 64>}, {transform_indices = @transform_7, window_bounds = array<i64: 1, 1, 64>}, {transform_indices = @transform_8, window_bounds = array<i64: 1, 64, 64>}, {transform_indices = @transform_9, window_bounds = array<i64: 1, 1, 64>}, {transform_indices = @transform_10, window_bounds = array<i64: 1, 768, 64>}, {transform_indices = @transform_11, window_bounds = array<i64: 1, 1, 64>}, {transform_indices = @transform_12, window_bounds = array<i64: 1, 768, 64>}, {transform_indices = @transform_13, window_bounds = array<i64: 1, 1, 64>}, {transform_indices = @transform_14, window_bounds = array<i64: 1, 768, 64>}, {transform_indices = @transform_15, window_bounds = array<i64: 1, 1, 64>}, {transform_indices = @transform_16, window_bounds = array<i64: 1, 64, 64>}, {transform_indices = @transform_17, window_bounds = array<i64: 1, 1, 64>}, {transform_indices = @transform_18, window_bounds = array<i64: 1, 768, 64>}, {transform_indices = @transform_19, window_bounds = array<i64: 1, 1, 64>}, {transform_indices = @transform_20, window_bounds = array<i64: 1, 768, 64>}, {transform_indices = @transform_21, window_bounds = array<i64: 1, 1, 64>}, {transform_indices = @transform_22, window_bounds = array<i64: 1, 768, 64>}, {transform_indices = @transform_23, window_bounds = array<i64: 1, 1, 64>}, {transform_indices = @transform_24, window_bounds = array<i64: 1, 64, 64>}, {transform_indices = @transform_25, window_bounds = array<i64: 1, 1, 64>}, {transform_indices = @transform_26, window_bounds = array<i64: 1, 768, 64>}, {transform_indices = @transform_27, window_bounds = array<i64: 1, 1, 64>}, {transform_indices = @transform_28, window_bounds = array<i64: 1, 768, 64>}, {transform_indices = @transform_29, window_bounds = array<i64: 1, 1, 64>}, {transform_indices = @transform_30, window_bounds = array<i64: 1, 768, 64>}, {transform_indices = @transform_31, window_bounds = array<i64: 1, 1, 64>}, {transform_indices = @transform_32, window_bounds = array<i64: 1, 64, 64>}, {transform_indices = @transform_33, window_bounds = array<i64: 1, 1, 64>}, {transform_indices = @transform_34, window_bounds = array<i64: 1, 64, 768>}, {transform_indices = @transform_35, window_bounds = array<i64: 1, 1, 768>}, {transform_indices = @transform_36, window_bounds = array<i64: 1, 64, 768>}, {transform_indices = @transform_37, window_bounds = array<i64: 1, 1, 768>}, {transform_indices = @transform_38, window_bounds = array<i64: 1, 64, 768>}, {transform_indices = @transform_39, window_bounds = array<i64: 1, 1, 768>}, {transform_indices = @transform_40, window_bounds = array<i64: 1, 64, 768>}, {transform_indices = @transform_41, window_bounds = array<i64: 1, 1, 768>}, {pipeline_mode = #tpu.pipeline_mode<synchronous>, transform_indices = @transform_42, window_bounds = array<i64: 64, 64, 64>}, {pipeline_mode = #tpu.pipeline_mode<synchronous>, transform_indices = @transform_43, window_bounds = array<i64: 64, 1, 64>}, {transform_indices = @transform_44, window_bounds = array<i64: 512, 768>}]} {
    %get3A = arith.constant 0 : index
    %get3A_0 = memref.load %arg5[%get3A] : memref<1xi32, #tpu.memory_space<smem>>
    %iota3A = tpu.iota {dimensions = array<i32: 0>} : vector<128x1xi32>
    %mul3A = arith.constant 4 : i32
    %mul3A_1 = arith.muli %mul3A, %arg1 : i32
    %lt3A = arith.cmpi slt, %mul3A_1, %get3A_0 : i32
    %eq3A = arith.constant 0 : i32
    %eq3A_2 = arith.cmpi eq, %arg0, %eq3A : i32
    %and3A = arith.andi %eq3A_2, %lt3A : i1
    %convert_element_type3A = arith.extui %and3A : i1 to i32
    %cond3A = arith.constant 0 : i32
    %cond3A_3 = arith.cmpi ne, %convert_element_type3A, %cond3A : i32
    scf.if %cond3A_3 {
      %mul3A_18 = arith.constant 4 : i32
      %mul3A_19 = arith.muli %mul3A_18, %arg1 : i32
      %add3A = arith.constant 0 : i32
      %add3A_20 = arith.addi %mul3A_19, %add3A : i32
      %get3A_21 = arith.index_cast %add3A_20 : i32 to index
      %get3A_22 = memref.load %arg2[%get3A_21] : memref<96xi32, #tpu.memory_space<smem>>
      %get3A_23 = arith.index_cast %add3A_20 : i32 to index
      %get3A_24 = memref.load %arg3[%get3A_23] : memref<96xi32, #tpu.memory_space<smem>>
      %lt3A_25 = vector.broadcast %get3A_24 : i32 to vector<128x1xi32>
      %lt3A_26 = arith.cmpi slt, %iota3A, %lt3A_25 : vector<128x1xi32>
      %get3A_27 = arith.constant 0 : index
      %get3A_28 = arith.constant 0 : index
      %get3A_29 = vector.load %arg6[%get3A_27, %get3A_28] : memref<512x768xf32, #tpu.memory_space<vmem>>, vector<128x768xf32>
      %jit3A = arith.constant 0.000000e+00 : f32
      %broadcast_in_dim3A = vector.shape_cast %lt3A_26 : vector<128x1xi1> to vector<128x1xi1>
      %broadcast_in_dim3A_30 = vector.broadcast %broadcast_in_dim3A : vector<128x1xi1> to vector<128x768xi1>
      %broadcast_in_dim3A_31 = vector.broadcast %jit3A : f32 to vector<128x768xf32>
      %select_n3A = arith.select %broadcast_in_dim3A_30, %get3A_29, %broadcast_in_dim3A_31 : vector<128x768xi1>, vector<128x768xf32>
      %get3A_32 = arith.constant 0 : index
      %get3A_33 = arith.constant 0 : index
      %get3A_34 = vector.load %arg7[%get3A_32, %get3A_33] : memref<512x128xf32, #tpu.memory_space<vmem>>, vector<128x1xf32>
      %jit3A_35 = arith.constant 0.000000e+00 : f32
      %broadcast_in_dim3A_36 = vector.broadcast %jit3A_35 : f32 to vector<128x1xf32>
      %select_n3A_37 = arith.select %lt3A_26, %get3A_34, %broadcast_in_dim3A_36 : vector<128x1xi1>, vector<128x1xf32>
      %get3A_38 = arith.constant 0 : index
      %get3A_39 = arith.constant 0 : index
      %get3A_40 = arith.constant 0 : index
      %get3A_41 = vector.load %arg8[%get3A_38, %get3A_39, %get3A_40] : memref<1x768x64xf32, #tpu.memory_space<vmem>>, vector<1x768x64xf32>
      %get3A_42 = vector.shape_cast %get3A_41 : vector<1x768x64xf32> to vector<768x64xf32>
      %dot_general3A = arith.constant dense<0.000000e+00> : vector<128x64xf32>
      %dot_general3A_43 = tpu.matmul %select_n3A, %get3A_42, %dot_general3A {dimension_numbers = #tpu.dot_dimension_numbers<[1], [0], [0], [1], [0, 0, 1, 1], [], []>, transpose_lhs_hint = false} : vector<128x768xf32>, vector<768x64xf32>, vector<128x64xf32> -> vector<128x64xf32>
      %get3A_44 = arith.constant 0 : index
      %get3A_45 = arith.constant 0 : index
      %get3A_46 = arith.constant 0 : index
      %get3A_47 = vector.load %arg9[%get3A_44, %get3A_45, %get3A_46] : memref<1x1x64xf32, #tpu.memory_space<vmem>>, vector<1x1x64xf32>
      %get3A_48 = vector.shape_cast %get3A_47 : vector<1x1x64xf32> to vector<1x64xf32>
      %add3A_49 = vector.broadcast %get3A_48 : vector<1x64xf32> to vector<128x64xf32>
      %add3A_50 = arith.addf %dot_general3A_43, %add3A_49 : vector<128x64xf32>
      %get3A_51 = arith.constant 0 : index
      %get3A_52 = arith.constant 0 : index
      %get3A_53 = arith.constant 0 : index
      %get3A_54 = vector.load %arg10[%get3A_51, %get3A_52, %get3A_53] : memref<1x768x64xf32, #tpu.memory_space<vmem>>, vector<1x768x64xf32>
      %get3A_55 = vector.shape_cast %get3A_54 : vector<1x768x64xf32> to vector<768x64xf32>
      %dot_general3A_56 = arith.constant dense<0.000000e+00> : vector<128x64xf32>
      %dot_general3A_57 = tpu.matmul %select_n3A, %get3A_55, %dot_general3A_56 {dimension_numbers = #tpu.dot_dimension_numbers<[1], [0], [0], [1], [0, 0, 1, 1], [], []>, transpose_lhs_hint = false} : vector<128x768xf32>, vector<768x64xf32>, vector<128x64xf32> -> vector<128x64xf32>
      %get3A_58 = arith.constant 0 : index
      %get3A_59 = arith.constant 0 : index
      %get3A_60 = arith.constant 0 : index
      %get3A_61 = vector.load %arg11[%get3A_58, %get3A_59, %get3A_60] : memref<1x1x64xf32, #tpu.memory_space<vmem>>, vector<1x1x64xf32>
      %get3A_62 = vector.shape_cast %get3A_61 : vector<1x1x64xf32> to vector<1x64xf32>
      %add3A_63 = vector.broadcast %get3A_62 : vector<1x64xf32> to vector<128x64xf32>
      %add3A_64 = arith.addf %dot_general3A_57, %add3A_63 : vector<128x64xf32>
      %get3A_65 = arith.constant 0 : index
      %get3A_66 = arith.constant 0 : index
      %get3A_67 = arith.constant 0 : index
      %get3A_68 = vector.load %arg12[%get3A_65, %get3A_66, %get3A_67] : memref<1x768x64xf32, #tpu.memory_space<vmem>>, vector<1x768x64xf32>
      %get3A_69 = vector.shape_cast %get3A_68 : vector<1x768x64xf32> to vector<768x64xf32>
      %dot_general3A_70 = arith.constant dense<0.000000e+00> : vector<128x64xf32>
      %dot_general3A_71 = tpu.matmul %select_n3A, %get3A_69, %dot_general3A_70 {dimension_numbers = #tpu.dot_dimension_numbers<[1], [0], [0], [1], [0, 0, 1, 1], [], []>, transpose_lhs_hint = false} : vector<128x768xf32>, vector<768x64xf32>, vector<128x64xf32> -> vector<128x64xf32>
      %get3A_72 = arith.constant 0 : index
      %get3A_73 = arith.constant 0 : index
      %get3A_74 = arith.constant 0 : index
      %get3A_75 = vector.load %arg13[%get3A_72, %get3A_73, %get3A_74] : memref<1x1x64xf32, #tpu.memory_space<vmem>>, vector<1x1x64xf32>
      %get3A_76 = vector.shape_cast %get3A_75 : vector<1x1x64xf32> to vector<1x64xf32>
      %add3A_77 = vector.broadcast %get3A_76 : vector<1x64xf32> to vector<128x64xf32>
      %add3A_78 = arith.addf %dot_general3A_71, %add3A_77 : vector<128x64xf32>
      %mul3A_79 = arith.constant 128 : i32
      %mul3A_80 = arith.muli %add3A_20, %mul3A_79 : i32
      %swap3A = arith.index_cast %mul3A_80 : i32 to index
      %swap3A_81 = arith.constant 0 : index
      %swap3A_82 = vector.load %arg51[%swap3A, %swap3A_81] : memref<12288x64xf32, #tpu.memory_space<vmem>>, vector<128x64xf32>
      tpu.vector_store %arg51[%swap3A, %swap3A_81], %add3A_50 {strides = array<i32>} : memref<12288x64xf32, #tpu.memory_space<vmem>>, vector<128x64xf32>,
      %mul3A_83 = arith.constant 128 : i32
      %mul3A_84 = arith.muli %add3A_20, %mul3A_83 : i32
      %swap3A_85 = arith.index_cast %mul3A_84 : i32 to index
      %swap3A_86 = arith.constant 0 : index
      %swap3A_87 = vector.load %arg52[%swap3A_85, %swap3A_86] : memref<12288x1xf32, #tpu.memory_space<vmem>>, vector<128x1xf32>
      tpu.vector_store %arg52[%swap3A_85, %swap3A_86], %select_n3A_37 {strides = array<i32>} : memref<12288x1xf32, #tpu.memory_space<vmem>>, vector<128x1xf32>,
      %mul3A_88 = vector.broadcast %select_n3A_37 : vector<128x1xf32> to vector<128x64xf32>
      %mul3A_89 = arith.mulf %add3A_64, %mul3A_88 : vector<128x64xf32>
      %dot_general3A_90 = arith.constant dense<0.000000e+00> : vector<64x64xf32>
      %dot_general3A_91 = tpu.matmul %mul3A_89, %add3A_78, %dot_general3A_90 {dimension_numbers = #tpu.dot_dimension_numbers<[0], [0], [1], [1], [0, 1, 1, 1], [], []>, transpose_lhs_hint = false} : vector<128x64xf32>, vector<128x64xf32>, vector<64x64xf32> -> vector<64x64xf32>
      %reduce_sum3A = arith.constant dense<0.000000e+00> : vector<64xf32>
      %reduce_sum3A_92 = vector.multi_reduction <add>, %mul3A_89, %reduce_sum3A [0] : vector<128x64xf32> to vector<64xf32>
      %broadcast_in_dim3A_93 = vector.shape_cast %reduce_sum3A_92 : vector<64xf32> to vector<1x64xf32>
      %get3A_94 = arith.index_cast %add3A_20 : i32 to index
      %get3A_95 = memref.load %arg4[%get3A_94] : memref<96xi32, #tpu.memory_space<smem>>
      %eq3A_96 = arith.constant 1 : i32
      %eq3A_97 = arith.cmpi eq, %get3A_95, %eq3A_96 : i32
      %convert_element_type3A_98 = arith.extui %eq3A_97 : i1 to i32
      %cond3A_99 = arith.constant 0 : i32
      %cond3A_100 = arith.cmpi ne, %convert_element_type3A_98, %cond3A_99 : i32
      scf.if %cond3A_100 {
        %get3A_399 = arith.constant 0 : index
        %get3A_400 = arith.constant 0 : index
        %get3A_401 = arith.constant 0 : index
        %get3A_402 = vector.load %arg14[%get3A_399, %get3A_400, %get3A_401] : memref<1x64x64xf32, #tpu.memory_space<vmem>>, vector<1x64x64xf32>
        %broadcast_in_dim3A_403 = vector.shape_cast %dot_general3A_91 : vector<64x64xf32> to vector<1x64x64xf32>
        %add3A_404 = arith.addf %get3A_402, %broadcast_in_dim3A_403 : vector<1x64x64xf32>
        %swap3A_405 = arith.index_cast %get3A_22 : i32 to index
        %swap3A_406 = arith.constant 0 : index
        %swap3A_407 = arith.constant 0 : index
        %swap3A_408 = vector.load %arg53[%swap3A_405, %swap3A_406, %swap3A_407] : memref<64x64x64xf32, #tpu.memory_space<vmem>>, vector<1x64x64xf32>
        tpu.vector_store %arg53[%swap3A_405, %swap3A_406, %swap3A_407], %add3A_404 {strides = array<i32>} : memref<64x64x64xf32, #tpu.memory_space<vmem>>, vector<1x64x64xf32>,
        %get3A_409 = arith.constant 0 : index
        %get3A_410 = arith.constant 0 : index
        %get3A_411 = arith.constant 0 : index
        %get3A_412 = vector.load %arg15[%get3A_409, %get3A_410, %get3A_411] : memref<1x1x64xf32, #tpu.memory_space<vmem>>, vector<1x1x64xf32>
        %get3A_413 = vector.shape_cast %get3A_412 : vector<1x1x64xf32> to vector<1x64xf32>
        %add3A_414 = arith.addf %get3A_413, %broadcast_in_dim3A_93 : vector<1x64xf32>
        %swap3A_415 = arith.index_cast %get3A_22 : i32 to index
        %swap3A_416 = arith.constant 0 : index
        %swap3A_417 = vector.load %arg54[%swap3A_415, %swap3A_416] : memref<64x64xf32, #tpu.memory_space<vmem>>, vector<1x64xf32>
        tpu.vector_store %arg54[%swap3A_415, %swap3A_416], %add3A_414 {strides = array<i32>} : memref<64x64xf32, #tpu.memory_space<vmem>>, vector<1x64xf32>,
      } else {
      }
      %get3A_101 = arith.index_cast %add3A_20 : i32 to index
      %get3A_102 = memref.load %arg4[%get3A_101] : memref<96xi32, #tpu.memory_space<smem>>
      %eq3A_103 = arith.constant 0 : i32
      %eq3A_104 = arith.cmpi eq, %get3A_102, %eq3A_103 : i32
      %convert_element_type3A_105 = arith.extui %eq3A_104 : i1 to i32
      %cond3A_106 = arith.constant 0 : i32
      %cond3A_107 = arith.cmpi ne, %convert_element_type3A_105, %cond3A_106 : i32
      scf.if %cond3A_107 {
        %get3A_399 = arith.index_cast %get3A_22 : i32 to index
        %get3A_400 = arith.constant 0 : index
        %get3A_401 = arith.constant 0 : index
        %get3A_402 = vector.load %arg53[%get3A_399, %get3A_400, %get3A_401] : memref<64x64x64xf32, #tpu.memory_space<vmem>>, vector<1x64x64xf32>
        %broadcast_in_dim3A_403 = vector.shape_cast %dot_general3A_91 : vector<64x64xf32> to vector<1x64x64xf32>
        %add3A_404 = arith.addf %get3A_402, %broadcast_in_dim3A_403 : vector<1x64x64xf32>
        %swap3A_405 = arith.index_cast %get3A_22 : i32 to index
        %swap3A_406 = arith.constant 0 : index
        %swap3A_407 = arith.constant 0 : index
        %swap3A_408 = vector.load %arg53[%swap3A_405, %swap3A_406, %swap3A_407] : memref<64x64x64xf32, #tpu.memory_space<vmem>>, vector<1x64x64xf32>
        tpu.vector_store %arg53[%swap3A_405, %swap3A_406, %swap3A_407], %add3A_404 {strides = array<i32>} : memref<64x64x64xf32, #tpu.memory_space<vmem>>, vector<1x64x64xf32>,
        %get3A_409 = arith.index_cast %get3A_22 : i32 to index
        %get3A_410 = arith.constant 0 : index
        %get3A_411 = vector.load %arg54[%get3A_409, %get3A_410] : memref<64x64xf32, #tpu.memory_space<vmem>>, vector<1x64xf32>
        %add3A_412 = arith.addf %get3A_411, %broadcast_in_dim3A_93 : vector<1x64xf32>
        %swap3A_413 = arith.index_cast %get3A_22 : i32 to index
        %swap3A_414 = arith.constant 0 : index
        %swap3A_415 = vector.load %arg54[%swap3A_413, %swap3A_414] : memref<64x64xf32, #tpu.memory_space<vmem>>, vector<1x64xf32>
        tpu.vector_store %arg54[%swap3A_413, %swap3A_414], %add3A_412 {strides = array<i32>} : memref<64x64xf32, #tpu.memory_space<vmem>>, vector<1x64xf32>,
      } else {
      }
      %mul3A_108 = arith.constant 4 : i32
      %mul3A_109 = arith.muli %mul3A_108, %arg1 : i32
      %add3A_110 = arith.constant 1 : i32
      %add3A_111 = arith.addi %mul3A_109, %add3A_110 : i32
      %get3A_112 = arith.index_cast %add3A_111 : i32 to index
      %get3A_113 = memref.load %arg2[%get3A_112] : memref<96xi32, #tpu.memory_space<smem>>
      %get3A_114 = arith.index_cast %add3A_111 : i32 to index
      %get3A_115 = memref.load %arg3[%get3A_114] : memref<96xi32, #tpu.memory_space<smem>>
      %lt3A_116 = vector.broadcast %get3A_115 : i32 to vector<128x1xi32>
      %lt3A_117 = arith.cmpi slt, %iota3A, %lt3A_116 : vector<128x1xi32>
      %get3A_118 = arith.constant 128 : index
      %get3A_119 = arith.constant 0 : index
      %get3A_120 = vector.load %arg6[%get3A_118, %get3A_119] : memref<512x768xf32, #tpu.memory_space<vmem>>, vector<128x768xf32>
      %jit3A_121 = arith.constant 0.000000e+00 : f32
      %broadcast_in_dim3A_122 = vector.shape_cast %lt3A_117 : vector<128x1xi1> to vector<128x1xi1>
      %broadcast_in_dim3A_123 = vector.broadcast %broadcast_in_dim3A_122 : vector<128x1xi1> to vector<128x768xi1>
      %broadcast_in_dim3A_124 = vector.broadcast %jit3A_121 : f32 to vector<128x768xf32>
      %select_n3A_125 = arith.select %broadcast_in_dim3A_123, %get3A_120, %broadcast_in_dim3A_124 : vector<128x768xi1>, vector<128x768xf32>
      %get3A_126 = arith.constant 128 : index
      %get3A_127 = arith.constant 0 : index
      %get3A_128 = vector.load %arg7[%get3A_126, %get3A_127] : memref<512x128xf32, #tpu.memory_space<vmem>>, vector<128x1xf32>
      %jit3A_129 = arith.constant 0.000000e+00 : f32
      %broadcast_in_dim3A_130 = vector.broadcast %jit3A_129 : f32 to vector<128x1xf32>
      %select_n3A_131 = arith.select %lt3A_117, %get3A_128, %broadcast_in_dim3A_130 : vector<128x1xi1>, vector<128x1xf32>
      %get3A_132 = arith.constant 0 : index
      %get3A_133 = arith.constant 0 : index
      %get3A_134 = arith.constant 0 : index
      %get3A_135 = vector.load %arg16[%get3A_132, %get3A_133, %get3A_134] : memref<1x768x64xf32, #tpu.memory_space<vmem>>, vector<1x768x64xf32>
      %get3A_136 = vector.shape_cast %get3A_135 : vector<1x768x64xf32> to vector<768x64xf32>
      %dot_general3A_137 = arith.constant dense<0.000000e+00> : vector<128x64xf32>
      %dot_general3A_138 = tpu.matmul %select_n3A_125, %get3A_136, %dot_general3A_137 {dimension_numbers = #tpu.dot_dimension_numbers<[1], [0], [0], [1], [0, 0, 1, 1], [], []>, transpose_lhs_hint = false} : vector<128x768xf32>, vector<768x64xf32>, vector<128x64xf32> -> vector<128x64xf32>
      %get3A_139 = arith.constant 0 : index
      %get3A_140 = arith.constant 0 : index
      %get3A_141 = arith.constant 0 : index
      %get3A_142 = vector.load %arg17[%get3A_139, %get3A_140, %get3A_141] : memref<1x1x64xf32, #tpu.memory_space<vmem>>, vector<1x1x64xf32>
      %get3A_143 = vector.shape_cast %get3A_142 : vector<1x1x64xf32> to vector<1x64xf32>
      %add3A_144 = vector.broadcast %get3A_143 : vector<1x64xf32> to vector<128x64xf32>
      %add3A_145 = arith.addf %dot_general3A_138, %add3A_144 : vector<128x64xf32>
      %get3A_146 = arith.constant 0 : index
      %get3A_147 = arith.constant 0 : index
      %get3A_148 = arith.constant 0 : index
      %get3A_149 = vector.load %arg18[%get3A_146, %get3A_147, %get3A_148] : memref<1x768x64xf32, #tpu.memory_space<vmem>>, vector<1x768x64xf32>
      %get3A_150 = vector.shape_cast %get3A_149 : vector<1x768x64xf32> to vector<768x64xf32>
      %dot_general3A_151 = arith.constant dense<0.000000e+00> : vector<128x64xf32>
      %dot_general3A_152 = tpu.matmul %select_n3A_125, %get3A_150, %dot_general3A_151 {dimension_numbers = #tpu.dot_dimension_numbers<[1], [0], [0], [1], [0, 0, 1, 1], [], []>, transpose_lhs_hint = false} : vector<128x768xf32>, vector<768x64xf32>, vector<128x64xf32> -> vector<128x64xf32>
      %get3A_153 = arith.constant 0 : index
      %get3A_154 = arith.constant 0 : index
      %get3A_155 = arith.constant 0 : index
      %get3A_156 = vector.load %arg19[%get3A_153, %get3A_154, %get3A_155] : memref<1x1x64xf32, #tpu.memory_space<vmem>>, vector<1x1x64xf32>
      %get3A_157 = vector.shape_cast %get3A_156 : vector<1x1x64xf32> to vector<1x64xf32>
      %add3A_158 = vector.broadcast %get3A_157 : vector<1x64xf32> to vector<128x64xf32>
      %add3A_159 = arith.addf %dot_general3A_152, %add3A_158 : vector<128x64xf32>
      %get3A_160 = arith.constant 0 : index
      %get3A_161 = arith.constant 0 : index
      %get3A_162 = arith.constant 0 : index
      %get3A_163 = vector.load %arg20[%get3A_160, %get3A_161, %get3A_162] : memref<1x768x64xf32, #tpu.memory_space<vmem>>, vector<1x768x64xf32>
      %get3A_164 = vector.shape_cast %get3A_163 : vector<1x768x64xf32> to vector<768x64xf32>
      %dot_general3A_165 = arith.constant dense<0.000000e+00> : vector<128x64xf32>
      %dot_general3A_166 = tpu.matmul %select_n3A_125, %get3A_164, %dot_general3A_165 {dimension_numbers = #tpu.dot_dimension_numbers<[1], [0], [0], [1], [0, 0, 1, 1], [], []>, transpose_lhs_hint = false} : vector<128x768xf32>, vector<768x64xf32>, vector<128x64xf32> -> vector<128x64xf32>
      %get3A_167 = arith.constant 0 : index
      %get3A_168 = arith.constant 0 : index
      %get3A_169 = arith.constant 0 : index
      %get3A_170 = vector.load %arg21[%get3A_167, %get3A_168, %get3A_169] : memref<1x1x64xf32, #tpu.memory_space<vmem>>, vector<1x1x64xf32>
      %get3A_171 = vector.shape_cast %get3A_170 : vector<1x1x64xf32> to vector<1x64xf32>
      %add3A_172 = vector.broadcast %get3A_171 : vector<1x64xf32> to vector<128x64xf32>
      %add3A_173 = arith.addf %dot_general3A_166, %add3A_172 : vector<128x64xf32>
      %mul3A_174 = arith.constant 128 : i32
      %mul3A_175 = arith.muli %add3A_111, %mul3A_174 : i32
      %swap3A_176 = arith.index_cast %mul3A_175 : i32 to index
      %swap3A_177 = arith.constant 0 : index
      %swap3A_178 = vector.load %arg51[%swap3A_176, %swap3A_177] : memref<12288x64xf32, #tpu.memory_space<vmem>>, vector<128x64xf32>
      tpu.vector_store %arg51[%swap3A_176, %swap3A_177], %add3A_145 {strides = array<i32>} : memref<12288x64xf32, #tpu.memory_space<vmem>>, vector<128x64xf32>,
      %mul3A_179 = arith.constant 128 : i32
      %mul3A_180 = arith.muli %add3A_111, %mul3A_179 : i32
      %swap3A_181 = arith.index_cast %mul3A_180 : i32 to index
      %swap3A_182 = arith.constant 0 : index
      %swap3A_183 = vector.load %arg52[%swap3A_181, %swap3A_182] : memref<12288x1xf32, #tpu.memory_space<vmem>>, vector<128x1xf32>
      tpu.vector_store %arg52[%swap3A_181, %swap3A_182], %select_n3A_131 {strides = array<i32>} : memref<12288x1xf32, #tpu.memory_space<vmem>>, vector<128x1xf32>,
      %mul3A_184 = vector.broadcast %select_n3A_131 : vector<128x1xf32> to vector<128x64xf32>
      %mul3A_185 = arith.mulf %add3A_159, %mul3A_184 : vector<128x64xf32>
      %dot_general3A_186 = arith.constant dense<0.000000e+00> : vector<64x64xf32>
      %dot_general3A_187 = tpu.matmul %mul3A_185, %add3A_173, %dot_general3A_186 {dimension_numbers = #tpu.dot_dimension_numbers<[0], [0], [1], [1], [0, 1, 1, 1], [], []>, transpose_lhs_hint = false} : vector<128x64xf32>, vector<128x64xf32>, vector<64x64xf32> -> vector<64x64xf32>
      %reduce_sum3A_188 = arith.constant dense<0.000000e+00> : vector<64xf32>
      %reduce_sum3A_189 = vector.multi_reduction <add>, %mul3A_185, %reduce_sum3A_188 [0] : vector<128x64xf32> to vector<64xf32>
      %broadcast_in_dim3A_190 = vector.shape_cast %reduce_sum3A_189 : vector<64xf32> to vector<1x64xf32>
      %get3A_191 = arith.index_cast %add3A_111 : i32 to index
      %get3A_192 = memref.load %arg4[%get3A_191] : memref<96xi32, #tpu.memory_space<smem>>
      %eq3A_193 = arith.constant 1 : i32
      %eq3A_194 = arith.cmpi eq, %get3A_192, %eq3A_193 : i32
      %convert_element_type3A_195 = arith.extui %eq3A_194 : i1 to i32
      %cond3A_196 = arith.constant 0 : i32
      %cond3A_197 = arith.cmpi ne, %convert_element_type3A_195, %cond3A_196 : i32
      scf.if %cond3A_197 {
        %get3A_399 = arith.constant 0 : index
        %get3A_400 = arith.constant 0 : index
        %get3A_401 = arith.constant 0 : index
        %get3A_402 = vector.load %arg22[%get3A_399, %get3A_400, %get3A_401] : memref<1x64x64xf32, #tpu.memory_space<vmem>>, vector<1x64x64xf32>
        %broadcast_in_dim3A_403 = vector.shape_cast %dot_general3A_187 : vector<64x64xf32> to vector<1x64x64xf32>
        %add3A_404 = arith.addf %get3A_402, %broadcast_in_dim3A_403 : vector<1x64x64xf32>
        %swap3A_405 = arith.index_cast %get3A_113 : i32 to index
        %swap3A_406 = arith.constant 0 : index
        %swap3A_407 = arith.constant 0 : index
        %swap3A_408 = vector.load %arg53[%swap3A_405, %swap3A_406, %swap3A_407] : memref<64x64x64xf32, #tpu.memory_space<vmem>>, vector<1x64x64xf32>
        tpu.vector_store %arg53[%swap3A_405, %swap3A_406, %swap3A_407], %add3A_404 {strides = array<i32>} : memref<64x64x64xf32, #tpu.memory_space<vmem>>, vector<1x64x64xf32>,
        %get3A_409 = arith.constant 0 : index
        %get3A_410 = arith.constant 0 : index
        %get3A_411 = arith.constant 0 : index
        %get3A_412 = vector.load %arg23[%get3A_409, %get3A_410, %get3A_411] : memref<1x1x64xf32, #tpu.memory_space<vmem>>, vector<1x1x64xf32>
        %get3A_413 = vector.shape_cast %get3A_412 : vector<1x1x64xf32> to vector<1x64xf32>
        %add3A_414 = arith.addf %get3A_413, %broadcast_in_dim3A_190 : vector<1x64xf32>
        %swap3A_415 = arith.index_cast %get3A_113 : i32 to index
        %swap3A_416 = arith.constant 0 : index
        %swap3A_417 = vector.load %arg54[%swap3A_415, %swap3A_416] : memref<64x64xf32, #tpu.memory_space<vmem>>, vector<1x64xf32>
        tpu.vector_store %arg54[%swap3A_415, %swap3A_416], %add3A_414 {strides = array<i32>} : memref<64x64xf32, #tpu.memory_space<vmem>>, vector<1x64xf32>,
      } else {
      }
      %get3A_198 = arith.index_cast %add3A_111 : i32 to index
      %get3A_199 = memref.load %arg4[%get3A_198] : memref<96xi32, #tpu.memory_space<smem>>
      %eq3A_200 = arith.constant 0 : i32
      %eq3A_201 = arith.cmpi eq, %get3A_199, %eq3A_200 : i32
      %convert_element_type3A_202 = arith.extui %eq3A_201 : i1 to i32
      %cond3A_203 = arith.constant 0 : i32
      %cond3A_204 = arith.cmpi ne, %convert_element_type3A_202, %cond3A_203 : i32
      scf.if %cond3A_204 {
        %get3A_399 = arith.index_cast %get3A_113 : i32 to index
        %get3A_400 = arith.constant 0 : index
        %get3A_401 = arith.constant 0 : index
        %get3A_402 = vector.load %arg53[%get3A_399, %get3A_400, %get3A_401] : memref<64x64x64xf32, #tpu.memory_space<vmem>>, vector<1x64x64xf32>
        %broadcast_in_dim3A_403 = vector.shape_cast %dot_general3A_187 : vector<64x64xf32> to vector<1x64x64xf32>
        %add3A_404 = arith.addf %get3A_402, %broadcast_in_dim3A_403 : vector<1x64x64xf32>
        %swap3A_405 = arith.index_cast %get3A_113 : i32 to index
        %swap3A_406 = arith.constant 0 : index
        %swap3A_407 = arith.constant 0 : index
        %swap3A_408 = vector.load %arg53[%swap3A_405, %swap3A_406, %swap3A_407] : memref<64x64x64xf32, #tpu.memory_space<vmem>>, vector<1x64x64xf32>
        tpu.vector_store %arg53[%swap3A_405, %swap3A_406, %swap3A_407], %add3A_404 {strides = array<i32>} : memref<64x64x64xf32, #tpu.memory_space<vmem>>, vector<1x64x64xf32>,
        %get3A_409 = arith.index_cast %get3A_113 : i32 to index
        %get3A_410 = arith.constant 0 : index
        %get3A_411 = vector.load %arg54[%get3A_409, %get3A_410] : memref<64x64xf32, #tpu.memory_space<vmem>>, vector<1x64xf32>
        %add3A_412 = arith.addf %get3A_411, %broadcast_in_dim3A_190 : vector<1x64xf32>
        %swap3A_413 = arith.index_cast %get3A_113 : i32 to index
        %swap3A_414 = arith.constant 0 : index
        %swap3A_415 = vector.load %arg54[%swap3A_413, %swap3A_414] : memref<64x64xf32, #tpu.memory_space<vmem>>, vector<1x64xf32>
        tpu.vector_store %arg54[%swap3A_413, %swap3A_414], %add3A_412 {strides = array<i32>} : memref<64x64xf32, #tpu.memory_space<vmem>>, vector<1x64xf32>,
      } else {
      }
      %mul3A_205 = arith.constant 4 : i32
      %mul3A_206 = arith.muli %mul3A_205, %arg1 : i32
      %add3A_207 = arith.constant 2 : i32
      %add3A_208 = arith.addi %mul3A_206, %add3A_207 : i32
      %get3A_209 = arith.index_cast %add3A_208 : i32 to index
      %get3A_210 = memref.load %arg2[%get3A_209] : memref<96xi32, #tpu.memory_space<smem>>
      %get3A_211 = arith.index_cast %add3A_208 : i32 to index
      %get3A_212 = memref.load %arg3[%get3A_211] : memref<96xi32, #tpu.memory_space<smem>>
      %lt3A_213 = vector.broadcast %get3A_212 : i32 to vector<128x1xi32>
      %lt3A_214 = arith.cmpi slt, %iota3A, %lt3A_213 : vector<128x1xi32>
      %get3A_215 = arith.constant 256 : index
      %get3A_216 = arith.constant 0 : index
      %get3A_217 = vector.load %arg6[%get3A_215, %get3A_216] : memref<512x768xf32, #tpu.memory_space<vmem>>, vector<128x768xf32>
      %jit3A_218 = arith.constant 0.000000e+00 : f32
      %broadcast_in_dim3A_219 = vector.shape_cast %lt3A_214 : vector<128x1xi1> to vector<128x1xi1>
      %broadcast_in_dim3A_220 = vector.broadcast %broadcast_in_dim3A_219 : vector<128x1xi1> to vector<128x768xi1>
      %broadcast_in_dim3A_221 = vector.broadcast %jit3A_218 : f32 to vector<128x768xf32>
      %select_n3A_222 = arith.select %broadcast_in_dim3A_220, %get3A_217, %broadcast_in_dim3A_221 : vector<128x768xi1>, vector<128x768xf32>
      %get3A_223 = arith.constant 256 : index
      %get3A_224 = arith.constant 0 : index
      %get3A_225 = vector.load %arg7[%get3A_223, %get3A_224] : memref<512x128xf32, #tpu.memory_space<vmem>>, vector<128x1xf32>
      %jit3A_226 = arith.constant 0.000000e+00 : f32
      %broadcast_in_dim3A_227 = vector.broadcast %jit3A_226 : f32 to vector<128x1xf32>
      %select_n3A_228 = arith.select %lt3A_214, %get3A_225, %broadcast_in_dim3A_227 : vector<128x1xi1>, vector<128x1xf32>
      %get3A_229 = arith.constant 0 : index
      %get3A_230 = arith.constant 0 : index
      %get3A_231 = arith.constant 0 : index
      %get3A_232 = vector.load %arg24[%get3A_229, %get3A_230, %get3A_231] : memref<1x768x64xf32, #tpu.memory_space<vmem>>, vector<1x768x64xf32>
      %get3A_233 = vector.shape_cast %get3A_232 : vector<1x768x64xf32> to vector<768x64xf32>
      %dot_general3A_234 = arith.constant dense<0.000000e+00> : vector<128x64xf32>
      %dot_general3A_235 = tpu.matmul %select_n3A_222, %get3A_233, %dot_general3A_234 {dimension_numbers = #tpu.dot_dimension_numbers<[1], [0], [0], [1], [0, 0, 1, 1], [], []>, transpose_lhs_hint = false} : vector<128x768xf32>, vector<768x64xf32>, vector<128x64xf32> -> vector<128x64xf32>
      %get3A_236 = arith.constant 0 : index
      %get3A_237 = arith.constant 0 : index
      %get3A_238 = arith.constant 0 : index
      %get3A_239 = vector.load %arg25[%get3A_236, %get3A_237, %get3A_238] : memref<1x1x64xf32, #tpu.memory_space<vmem>>, vector<1x1x64xf32>
      %get3A_240 = vector.shape_cast %get3A_239 : vector<1x1x64xf32> to vector<1x64xf32>
      %add3A_241 = vector.broadcast %get3A_240 : vector<1x64xf32> to vector<128x64xf32>
      %add3A_242 = arith.addf %dot_general3A_235, %add3A_241 : vector<128x64xf32>
      %get3A_243 = arith.constant 0 : index
      %get3A_244 = arith.constant 0 : index
      %get3A_245 = arith.constant 0 : index
      %get3A_246 = vector.load %arg26[%get3A_243, %get3A_244, %get3A_245] : memref<1x768x64xf32, #tpu.memory_space<vmem>>, vector<1x768x64xf32>
      %get3A_247 = vector.shape_cast %get3A_246 : vector<1x768x64xf32> to vector<768x64xf32>
      %dot_general3A_248 = arith.constant dense<0.000000e+00> : vector<128x64xf32>
      %dot_general3A_249 = tpu.matmul %select_n3A_222, %get3A_247, %dot_general3A_248 {dimension_numbers = #tpu.dot_dimension_numbers<[1], [0], [0], [1], [0, 0, 1, 1], [], []>, transpose_lhs_hint = false} : vector<128x768xf32>, vector<768x64xf32>, vector<128x64xf32> -> vector<128x64xf32>
      %get3A_250 = arith.constant 0 : index
      %get3A_251 = arith.constant 0 : index
      %get3A_252 = arith.constant 0 : index
      %get3A_253 = vector.load %arg27[%get3A_250, %get3A_251, %get3A_252] : memref<1x1x64xf32, #tpu.memory_space<vmem>>, vector<1x1x64xf32>
      %get3A_254 = vector.shape_cast %get3A_253 : vector<1x1x64xf32> to vector<1x64xf32>
      %add3A_255 = vector.broadcast %get3A_254 : vector<1x64xf32> to vector<128x64xf32>
      %add3A_256 = arith.addf %dot_general3A_249, %add3A_255 : vector<128x64xf32>
      %get3A_257 = arith.constant 0 : index
      %get3A_258 = arith.constant 0 : index
      %get3A_259 = arith.constant 0 : index
      %get3A_260 = vector.load %arg28[%get3A_257, %get3A_258, %get3A_259] : memref<1x768x64xf32, #tpu.memory_space<vmem>>, vector<1x768x64xf32>
      %get3A_261 = vector.shape_cast %get3A_260 : vector<1x768x64xf32> to vector<768x64xf32>
      %dot_general3A_262 = arith.constant dense<0.000000e+00> : vector<128x64xf32>
      %dot_general3A_263 = tpu.matmul %select_n3A_222, %get3A_261, %dot_general3A_262 {dimension_numbers = #tpu.dot_dimension_numbers<[1], [0], [0], [1], [0, 0, 1, 1], [], []>, transpose_lhs_hint = false} : vector<128x768xf32>, vector<768x64xf32>, vector<128x64xf32> -> vector<128x64xf32>
      %get3A_264 = arith.constant 0 : index
      %get3A_265 = arith.constant 0 : index
      %get3A_266 = arith.constant 0 : index
      %get3A_267 = vector.load %arg29[%get3A_264, %get3A_265, %get3A_266] : memref<1x1x64xf32, #tpu.memory_space<vmem>>, vector<1x1x64xf32>
      %get3A_268 = vector.shape_cast %get3A_267 : vector<1x1x64xf32> to vector<1x64xf32>
      %add3A_269 = vector.broadcast %get3A_268 : vector<1x64xf32> to vector<128x64xf32>
      %add3A_270 = arith.addf %dot_general3A_263, %add3A_269 : vector<128x64xf32>
      %mul3A_271 = arith.constant 128 : i32
      %mul3A_272 = arith.muli %add3A_208, %mul3A_271 : i32
      %swap3A_273 = arith.index_cast %mul3A_272 : i32 to index
      %swap3A_274 = arith.constant 0 : index
      %swap3A_275 = vector.load %arg51[%swap3A_273, %swap3A_274] : memref<12288x64xf32, #tpu.memory_space<vmem>>, vector<128x64xf32>
      tpu.vector_store %arg51[%swap3A_273, %swap3A_274], %add3A_242 {strides = array<i32>} : memref<12288x64xf32, #tpu.memory_space<vmem>>, vector<128x64xf32>,
      %mul3A_276 = arith.constant 128 : i32
      %mul3A_277 = arith.muli %add3A_208, %mul3A_276 : i32
      %swap3A_278 = arith.index_cast %mul3A_277 : i32 to index
      %swap3A_279 = arith.constant 0 : index
      %swap3A_280 = vector.load %arg52[%swap3A_278, %swap3A_279] : memref<12288x1xf32, #tpu.memory_space<vmem>>, vector<128x1xf32>
      tpu.vector_store %arg52[%swap3A_278, %swap3A_279], %select_n3A_228 {strides = array<i32>} : memref<12288x1xf32, #tpu.memory_space<vmem>>, vector<128x1xf32>,
      %mul3A_281 = vector.broadcast %select_n3A_228 : vector<128x1xf32> to vector<128x64xf32>
      %mul3A_282 = arith.mulf %add3A_256, %mul3A_281 : vector<128x64xf32>
      %dot_general3A_283 = arith.constant dense<0.000000e+00> : vector<64x64xf32>
      %dot_general3A_284 = tpu.matmul %mul3A_282, %add3A_270, %dot_general3A_283 {dimension_numbers = #tpu.dot_dimension_numbers<[0], [0], [1], [1], [0, 1, 1, 1], [], []>, transpose_lhs_hint = false} : vector<128x64xf32>, vector<128x64xf32>, vector<64x64xf32> -> vector<64x64xf32>
      %reduce_sum3A_285 = arith.constant dense<0.000000e+00> : vector<64xf32>
      %reduce_sum3A_286 = vector.multi_reduction <add>, %mul3A_282, %reduce_sum3A_285 [0] : vector<128x64xf32> to vector<64xf32>
      %broadcast_in_dim3A_287 = vector.shape_cast %reduce_sum3A_286 : vector<64xf32> to vector<1x64xf32>
      %get3A_288 = arith.index_cast %add3A_208 : i32 to index
      %get3A_289 = memref.load %arg4[%get3A_288] : memref<96xi32, #tpu.memory_space<smem>>
      %eq3A_290 = arith.constant 1 : i32
      %eq3A_291 = arith.cmpi eq, %get3A_289, %eq3A_290 : i32
      %convert_element_type3A_292 = arith.extui %eq3A_291 : i1 to i32
      %cond3A_293 = arith.constant 0 : i32
      %cond3A_294 = arith.cmpi ne, %convert_element_type3A_292, %cond3A_293 : i32
      scf.if %cond3A_294 {
        %get3A_399 = arith.constant 0 : index
        %get3A_400 = arith.constant 0 : index
        %get3A_401 = arith.constant 0 : index
        %get3A_402 = vector.load %arg30[%get3A_399, %get3A_400, %get3A_401] : memref<1x64x64xf32, #tpu.memory_space<vmem>>, vector<1x64x64xf32>
        %broadcast_in_dim3A_403 = vector.shape_cast %dot_general3A_284 : vector<64x64xf32> to vector<1x64x64xf32>
        %add3A_404 = arith.addf %get3A_402, %broadcast_in_dim3A_403 : vector<1x64x64xf32>
        %swap3A_405 = arith.index_cast %get3A_210 : i32 to index
        %swap3A_406 = arith.constant 0 : index
        %swap3A_407 = arith.constant 0 : index
        %swap3A_408 = vector.load %arg53[%swap3A_405, %swap3A_406, %swap3A_407] : memref<64x64x64xf32, #tpu.memory_space<vmem>>, vector<1x64x64xf32>
        tpu.vector_store %arg53[%swap3A_405, %swap3A_406, %swap3A_407], %add3A_404 {strides = array<i32>} : memref<64x64x64xf32, #tpu.memory_space<vmem>>, vector<1x64x64xf32>,
        %get3A_409 = arith.constant 0 : index
        %get3A_410 = arith.constant 0 : index
        %get3A_411 = arith.constant 0 : index
        %get3A_412 = vector.load %arg31[%get3A_409, %get3A_410, %get3A_411] : memref<1x1x64xf32, #tpu.memory_space<vmem>>, vector<1x1x64xf32>
        %get3A_413 = vector.shape_cast %get3A_412 : vector<1x1x64xf32> to vector<1x64xf32>
        %add3A_414 = arith.addf %get3A_413, %broadcast_in_dim3A_287 : vector<1x64xf32>
        %swap3A_415 = arith.index_cast %get3A_210 : i32 to index
        %swap3A_416 = arith.constant 0 : index
        %swap3A_417 = vector.load %arg54[%swap3A_415, %swap3A_416] : memref<64x64xf32, #tpu.memory_space<vmem>>, vector<1x64xf32>
        tpu.vector_store %arg54[%swap3A_415, %swap3A_416], %add3A_414 {strides = array<i32>} : memref<64x64xf32, #tpu.memory_space<vmem>>, vector<1x64xf32>,
      } else {
      }
      %get3A_295 = arith.index_cast %add3A_208 : i32 to index
      %get3A_296 = memref.load %arg4[%get3A_295] : memref<96xi32, #tpu.memory_space<smem>>
      %eq3A_297 = arith.constant 0 : i32
      %eq3A_298 = arith.cmpi eq, %get3A_296, %eq3A_297 : i32
      %convert_element_type3A_299 = arith.extui %eq3A_298 : i1 to i32
      %cond3A_300 = arith.constant 0 : i32
      %cond3A_301 = arith.cmpi ne, %convert_element_type3A_299, %cond3A_300 : i32
      scf.if %cond3A_301 {
        %get3A_399 = arith.index_cast %get3A_210 : i32 to index
        %get3A_400 = arith.constant 0 : index
        %get3A_401 = arith.constant 0 : index
        %get3A_402 = vector.load %arg53[%get3A_399, %get3A_400, %get3A_401] : memref<64x64x64xf32, #tpu.memory_space<vmem>>, vector<1x64x64xf32>
        %broadcast_in_dim3A_403 = vector.shape_cast %dot_general3A_284 : vector<64x64xf32> to vector<1x64x64xf32>
        %add3A_404 = arith.addf %get3A_402, %broadcast_in_dim3A_403 : vector<1x64x64xf32>
        %swap3A_405 = arith.index_cast %get3A_210 : i32 to index
        %swap3A_406 = arith.constant 0 : index
        %swap3A_407 = arith.constant 0 : index
        %swap3A_408 = vector.load %arg53[%swap3A_405, %swap3A_406, %swap3A_407] : memref<64x64x64xf32, #tpu.memory_space<vmem>>, vector<1x64x64xf32>
        tpu.vector_store %arg53[%swap3A_405, %swap3A_406, %swap3A_407], %add3A_404 {strides = array<i32>} : memref<64x64x64xf32, #tpu.memory_space<vmem>>, vector<1x64x64xf32>,
        %get3A_409 = arith.index_cast %get3A_210 : i32 to index
        %get3A_410 = arith.constant 0 : index
        %get3A_411 = vector.load %arg54[%get3A_409, %get3A_410] : memref<64x64xf32, #tpu.memory_space<vmem>>, vector<1x64xf32>
        %add3A_412 = arith.addf %get3A_411, %broadcast_in_dim3A_287 : vector<1x64xf32>
        %swap3A_413 = arith.index_cast %get3A_210 : i32 to index
        %swap3A_414 = arith.constant 0 : index
        %swap3A_415 = vector.load %arg54[%swap3A_413, %swap3A_414] : memref<64x64xf32, #tpu.memory_space<vmem>>, vector<1x64xf32>
        tpu.vector_store %arg54[%swap3A_413, %swap3A_414], %add3A_412 {strides = array<i32>} : memref<64x64xf32, #tpu.memory_space<vmem>>, vector<1x64xf32>,
      } else {
      }
      %mul3A_302 = arith.constant 4 : i32
      %mul3A_303 = arith.muli %mul3A_302, %arg1 : i32
      %add3A_304 = arith.constant 3 : i32
      %add3A_305 = arith.addi %mul3A_303, %add3A_304 : i32
      %get3A_306 = arith.index_cast %add3A_305 : i32 to index
      %get3A_307 = memref.load %arg2[%get3A_306] : memref<96xi32, #tpu.memory_space<smem>>
      %get3A_308 = arith.index_cast %add3A_305 : i32 to index
      %get3A_309 = memref.load %arg3[%get3A_308] : memref<96xi32, #tpu.memory_space<smem>>
      %lt3A_310 = vector.broadcast %get3A_309 : i32 to vector<128x1xi32>
      %lt3A_311 = arith.cmpi slt, %iota3A, %lt3A_310 : vector<128x1xi32>
      %get3A_312 = arith.constant 384 : index
      %get3A_313 = arith.constant 0 : index
      %get3A_314 = vector.load %arg6[%get3A_312, %get3A_313] : memref<512x768xf32, #tpu.memory_space<vmem>>, vector<128x768xf32>
      %jit3A_315 = arith.constant 0.000000e+00 : f32
      %broadcast_in_dim3A_316 = vector.shape_cast %lt3A_311 : vector<128x1xi1> to vector<128x1xi1>
      %broadcast_in_dim3A_317 = vector.broadcast %broadcast_in_dim3A_316 : vector<128x1xi1> to vector<128x768xi1>
      %broadcast_in_dim3A_318 = vector.broadcast %jit3A_315 : f32 to vector<128x768xf32>
      %select_n3A_319 = arith.select %broadcast_in_dim3A_317, %get3A_314, %broadcast_in_dim3A_318 : vector<128x768xi1>, vector<128x768xf32>
      %get3A_320 = arith.constant 384 : index
      %get3A_321 = arith.constant 0 : index
      %get3A_322 = vector.load %arg7[%get3A_320, %get3A_321] : memref<512x128xf32, #tpu.memory_space<vmem>>, vector<128x1xf32>
      %jit3A_323 = arith.constant 0.000000e+00 : f32
      %broadcast_in_dim3A_324 = vector.broadcast %jit3A_323 : f32 to vector<128x1xf32>
      %select_n3A_325 = arith.select %lt3A_311, %get3A_322, %broadcast_in_dim3A_324 : vector<128x1xi1>, vector<128x1xf32>
      %get3A_326 = arith.constant 0 : index
      %get3A_327 = arith.constant 0 : index
      %get3A_328 = arith.constant 0 : index
      %get3A_329 = vector.load %arg32[%get3A_326, %get3A_327, %get3A_328] : memref<1x768x64xf32, #tpu.memory_space<vmem>>, vector<1x768x64xf32>
      %get3A_330 = vector.shape_cast %get3A_329 : vector<1x768x64xf32> to vector<768x64xf32>
      %dot_general3A_331 = arith.constant dense<0.000000e+00> : vector<128x64xf32>
      %dot_general3A_332 = tpu.matmul %select_n3A_319, %get3A_330, %dot_general3A_331 {dimension_numbers = #tpu.dot_dimension_numbers<[1], [0], [0], [1], [0, 0, 1, 1], [], []>, transpose_lhs_hint = false} : vector<128x768xf32>, vector<768x64xf32>, vector<128x64xf32> -> vector<128x64xf32>
      %get3A_333 = arith.constant 0 : index
      %get3A_334 = arith.constant 0 : index
      %get3A_335 = arith.constant 0 : index
      %get3A_336 = vector.load %arg33[%get3A_333, %get3A_334, %get3A_335] : memref<1x1x64xf32, #tpu.memory_space<vmem>>, vector<1x1x64xf32>
      %get3A_337 = vector.shape_cast %get3A_336 : vector<1x1x64xf32> to vector<1x64xf32>
      %add3A_338 = vector.broadcast %get3A_337 : vector<1x64xf32> to vector<128x64xf32>
      %add3A_339 = arith.addf %dot_general3A_332, %add3A_338 : vector<128x64xf32>
      %get3A_340 = arith.constant 0 : index
      %get3A_341 = arith.constant 0 : index
      %get3A_342 = arith.constant 0 : index
      %get3A_343 = vector.load %arg34[%get3A_340, %get3A_341, %get3A_342] : memref<1x768x64xf32, #tpu.memory_space<vmem>>, vector<1x768x64xf32>
      %get3A_344 = vector.shape_cast %get3A_343 : vector<1x768x64xf32> to vector<768x64xf32>
      %dot_general3A_345 = arith.constant dense<0.000000e+00> : vector<128x64xf32>
      %dot_general3A_346 = tpu.matmul %select_n3A_319, %get3A_344, %dot_general3A_345 {dimension_numbers = #tpu.dot_dimension_numbers<[1], [0], [0], [1], [0, 0, 1, 1], [], []>, transpose_lhs_hint = false} : vector<128x768xf32>, vector<768x64xf32>, vector<128x64xf32> -> vector<128x64xf32>
      %get3A_347 = arith.constant 0 : index
      %get3A_348 = arith.constant 0 : index
      %get3A_349 = arith.constant 0 : index
      %get3A_350 = vector.load %arg35[%get3A_347, %get3A_348, %get3A_349] : memref<1x1x64xf32, #tpu.memory_space<vmem>>, vector<1x1x64xf32>
      %get3A_351 = vector.shape_cast %get3A_350 : vector<1x1x64xf32> to vector<1x64xf32>
      %add3A_352 = vector.broadcast %get3A_351 : vector<1x64xf32> to vector<128x64xf32>
      %add3A_353 = arith.addf %dot_general3A_346, %add3A_352 : vector<128x64xf32>
      %get3A_354 = arith.constant 0 : index
      %get3A_355 = arith.constant 0 : index
      %get3A_356 = arith.constant 0 : index
      %get3A_357 = vector.load %arg36[%get3A_354, %get3A_355, %get3A_356] : memref<1x768x64xf32, #tpu.memory_space<vmem>>, vector<1x768x64xf32>
      %get3A_358 = vector.shape_cast %get3A_357 : vector<1x768x64xf32> to vector<768x64xf32>
      %dot_general3A_359 = arith.constant dense<0.000000e+00> : vector<128x64xf32>
      %dot_general3A_360 = tpu.matmul %select_n3A_319, %get3A_358, %dot_general3A_359 {dimension_numbers = #tpu.dot_dimension_numbers<[1], [0], [0], [1], [0, 0, 1, 1], [], []>, transpose_lhs_hint = false} : vector<128x768xf32>, vector<768x64xf32>, vector<128x64xf32> -> vector<128x64xf32>
      %get3A_361 = arith.constant 0 : index
      %get3A_362 = arith.constant 0 : index
      %get3A_363 = arith.constant 0 : index
      %get3A_364 = vector.load %arg37[%get3A_361, %get3A_362, %get3A_363] : memref<1x1x64xf32, #tpu.memory_space<vmem>>, vector<1x1x64xf32>
      %get3A_365 = vector.shape_cast %get3A_364 : vector<1x1x64xf32> to vector<1x64xf32>
      %add3A_366 = vector.broadcast %get3A_365 : vector<1x64xf32> to vector<128x64xf32>
      %add3A_367 = arith.addf %dot_general3A_360, %add3A_366 : vector<128x64xf32>
      %mul3A_368 = arith.constant 128 : i32
      %mul3A_369 = arith.muli %add3A_305, %mul3A_368 : i32
      %swap3A_370 = arith.index_cast %mul3A_369 : i32 to index
      %swap3A_371 = arith.constant 0 : index
      %swap3A_372 = vector.load %arg51[%swap3A_370, %swap3A_371] : memref<12288x64xf32, #tpu.memory_space<vmem>>, vector<128x64xf32>
      tpu.vector_store %arg51[%swap3A_370, %swap3A_371], %add3A_339 {strides = array<i32>} : memref<12288x64xf32, #tpu.memory_space<vmem>>, vector<128x64xf32>,
      %mul3A_373 = arith.constant 128 : i32
      %mul3A_374 = arith.muli %add3A_305, %mul3A_373 : i32
      %swap3A_375 = arith.index_cast %mul3A_374 : i32 to index
      %swap3A_376 = arith.constant 0 : index
      %swap3A_377 = vector.load %arg52[%swap3A_375, %swap3A_376] : memref<12288x1xf32, #tpu.memory_space<vmem>>, vector<128x1xf32>
      tpu.vector_store %arg52[%swap3A_375, %swap3A_376], %select_n3A_325 {strides = array<i32>} : memref<12288x1xf32, #tpu.memory_space<vmem>>, vector<128x1xf32>,
      %mul3A_378 = vector.broadcast %select_n3A_325 : vector<128x1xf32> to vector<128x64xf32>
      %mul3A_379 = arith.mulf %add3A_353, %mul3A_378 : vector<128x64xf32>
      %dot_general3A_380 = arith.constant dense<0.000000e+00> : vector<64x64xf32>
      %dot_general3A_381 = tpu.matmul %mul3A_379, %add3A_367, %dot_general3A_380 {dimension_numbers = #tpu.dot_dimension_numbers<[0], [0], [1], [1], [0, 1, 1, 1], [], []>, transpose_lhs_hint = false} : vector<128x64xf32>, vector<128x64xf32>, vector<64x64xf32> -> vector<64x64xf32>
      %reduce_sum3A_382 = arith.constant dense<0.000000e+00> : vector<64xf32>
      %reduce_sum3A_383 = vector.multi_reduction <add>, %mul3A_379, %reduce_sum3A_382 [0] : vector<128x64xf32> to vector<64xf32>
      %broadcast_in_dim3A_384 = vector.shape_cast %reduce_sum3A_383 : vector<64xf32> to vector<1x64xf32>
      %get3A_385 = arith.index_cast %add3A_305 : i32 to index
      %get3A_386 = memref.load %arg4[%get3A_385] : memref<96xi32, #tpu.memory_space<smem>>
      %eq3A_387 = arith.constant 1 : i32
      %eq3A_388 = arith.cmpi eq, %get3A_386, %eq3A_387 : i32
      %convert_element_type3A_389 = arith.extui %eq3A_388 : i1 to i32
      %cond3A_390 = arith.constant 0 : i32
      %cond3A_391 = arith.cmpi ne, %convert_element_type3A_389, %cond3A_390 : i32
      scf.if %cond3A_391 {
        %get3A_399 = arith.constant 0 : index
        %get3A_400 = arith.constant 0 : index
        %get3A_401 = arith.constant 0 : index
        %get3A_402 = vector.load %arg38[%get3A_399, %get3A_400, %get3A_401] : memref<1x64x64xf32, #tpu.memory_space<vmem>>, vector<1x64x64xf32>
        %broadcast_in_dim3A_403 = vector.shape_cast %dot_general3A_381 : vector<64x64xf32> to vector<1x64x64xf32>
        %add3A_404 = arith.addf %get3A_402, %broadcast_in_dim3A_403 : vector<1x64x64xf32>
        %swap3A_405 = arith.index_cast %get3A_307 : i32 to index
        %swap3A_406 = arith.constant 0 : index
        %swap3A_407 = arith.constant 0 : index
        %swap3A_408 = vector.load %arg53[%swap3A_405, %swap3A_406, %swap3A_407] : memref<64x64x64xf32, #tpu.memory_space<vmem>>, vector<1x64x64xf32>
        tpu.vector_store %arg53[%swap3A_405, %swap3A_406, %swap3A_407], %add3A_404 {strides = array<i32>} : memref<64x64x64xf32, #tpu.memory_space<vmem>>, vector<1x64x64xf32>,
        %get3A_409 = arith.constant 0 : index
        %get3A_410 = arith.constant 0 : index
        %get3A_411 = arith.constant 0 : index
        %get3A_412 = vector.load %arg39[%get3A_409, %get3A_410, %get3A_411] : memref<1x1x64xf32, #tpu.memory_space<vmem>>, vector<1x1x64xf32>
        %get3A_413 = vector.shape_cast %get3A_412 : vector<1x1x64xf32> to vector<1x64xf32>
        %add3A_414 = arith.addf %get3A_413, %broadcast_in_dim3A_384 : vector<1x64xf32>
        %swap3A_415 = arith.index_cast %get3A_307 : i32 to index
        %swap3A_416 = arith.constant 0 : index
        %swap3A_417 = vector.load %arg54[%swap3A_415, %swap3A_416] : memref<64x64xf32, #tpu.memory_space<vmem>>, vector<1x64xf32>
        tpu.vector_store %arg54[%swap3A_415, %swap3A_416], %add3A_414 {strides = array<i32>} : memref<64x64xf32, #tpu.memory_space<vmem>>, vector<1x64xf32>,
      } else {
      }
      %get3A_392 = arith.index_cast %add3A_305 : i32 to index
      %get3A_393 = memref.load %arg4[%get3A_392] : memref<96xi32, #tpu.memory_space<smem>>
      %eq3A_394 = arith.constant 0 : i32
      %eq3A_395 = arith.cmpi eq, %get3A_393, %eq3A_394 : i32
      %convert_element_type3A_396 = arith.extui %eq3A_395 : i1 to i32
      %cond3A_397 = arith.constant 0 : i32
      %cond3A_398 = arith.cmpi ne, %convert_element_type3A_396, %cond3A_397 : i32
      scf.if %cond3A_398 {
        %get3A_399 = arith.index_cast %get3A_307 : i32 to index
        %get3A_400 = arith.constant 0 : index
        %get3A_401 = arith.constant 0 : index
        %get3A_402 = vector.load %arg53[%get3A_399, %get3A_400, %get3A_401] : memref<64x64x64xf32, #tpu.memory_space<vmem>>, vector<1x64x64xf32>
        %broadcast_in_dim3A_403 = vector.shape_cast %dot_general3A_381 : vector<64x64xf32> to vector<1x64x64xf32>
        %add3A_404 = arith.addf %get3A_402, %broadcast_in_dim3A_403 : vector<1x64x64xf32>
        %swap3A_405 = arith.index_cast %get3A_307 : i32 to index
        %swap3A_406 = arith.constant 0 : index
        %swap3A_407 = arith.constant 0 : index
        %swap3A_408 = vector.load %arg53[%swap3A_405, %swap3A_406, %swap3A_407] : memref<64x64x64xf32, #tpu.memory_space<vmem>>, vector<1x64x64xf32>
        tpu.vector_store %arg53[%swap3A_405, %swap3A_406, %swap3A_407], %add3A_404 {strides = array<i32>} : memref<64x64x64xf32, #tpu.memory_space<vmem>>, vector<1x64x64xf32>,
        %get3A_409 = arith.index_cast %get3A_307 : i32 to index
        %get3A_410 = arith.constant 0 : index
        %get3A_411 = vector.load %arg54[%get3A_409, %get3A_410] : memref<64x64xf32, #tpu.memory_space<vmem>>, vector<1x64xf32>
        %add3A_412 = arith.addf %get3A_411, %broadcast_in_dim3A_384 : vector<1x64xf32>
        %swap3A_413 = arith.index_cast %get3A_307 : i32 to index
        %swap3A_414 = arith.constant 0 : index
        %swap3A_415 = vector.load %arg54[%swap3A_413, %swap3A_414] : memref<64x64xf32, #tpu.memory_space<vmem>>, vector<1x64xf32>
        tpu.vector_store %arg54[%swap3A_413, %swap3A_414], %add3A_412 {strides = array<i32>} : memref<64x64xf32, #tpu.memory_space<vmem>>, vector<1x64xf32>,
      } else {
      }
    } else {
    }
    %eq3A_4 = arith.constant 1 : i32
    %eq3A_5 = arith.cmpi eq, %arg0, %eq3A_4 : i32
    %and3A_6 = arith.andi %eq3A_5, %lt3A : i1
    %convert_element_type3A_7 = arith.extui %and3A_6 : i1 to i32
    %cond3A_8 = arith.constant 0 : i32
    %cond3A_9 = arith.cmpi ne, %convert_element_type3A_7, %cond3A_8 : i32
    scf.if %cond3A_9 {
      %mul3A_18 = arith.constant 4 : i32
      %mul3A_19 = arith.muli %mul3A_18, %arg1 : i32
      %add3A = arith.constant 0 : i32
      %add3A_20 = arith.addi %mul3A_19, %add3A : i32
      %get3A_21 = arith.index_cast %add3A_20 : i32 to index
      %get3A_22 = memref.load %arg2[%get3A_21] : memref<96xi32, #tpu.memory_space<smem>>
      %mul3A_23 = arith.constant 128 : i32
      %mul3A_24 = arith.muli %add3A_20, %mul3A_23 : i32
      %get3A_25 = arith.index_cast %mul3A_24 : i32 to index
      %get3A_26 = arith.constant 0 : index
      %get3A_27 = vector.load %arg51[%get3A_25, %get3A_26] : memref<12288x64xf32, #tpu.memory_space<vmem>>, vector<128x64xf32>
      %mul3A_28 = arith.constant 128 : i32
      %mul3A_29 = arith.muli %add3A_20, %mul3A_28 : i32
      %get3A_30 = arith.index_cast %mul3A_29 : i32 to index
      %get3A_31 = arith.constant 0 : index
      %get3A_32 = vector.load %arg52[%get3A_30, %get3A_31] : memref<12288x1xf32, #tpu.memory_space<vmem>>, vector<128x1xf32>
      %get3A_33 = arith.index_cast %get3A_22 : i32 to index
      %get3A_34 = arith.constant 0 : index
      %get3A_35 = arith.constant 0 : index
      %get3A_36 = vector.load %arg53[%get3A_33, %get3A_34, %get3A_35] : memref<64x64x64xf32, #tpu.memory_space<vmem>>, vector<1x64x64xf32>
      %squeeze3A = vector.shape_cast %get3A_36 : vector<1x64x64xf32> to vector<64x64xf32>
      %get3A_37 = arith.index_cast %get3A_22 : i32 to index
      %get3A_38 = arith.constant 0 : index
      %get3A_39 = vector.load %arg54[%get3A_37, %get3A_38] : memref<64x64xf32, #tpu.memory_space<vmem>>, vector<1x64xf32>
      %dot_general3A = arith.constant dense<0.000000e+00> : vector<128x64xf32>
      %dot_general3A_40 = tpu.matmul %get3A_27, %squeeze3A, %dot_general3A {dimension_numbers = #tpu.dot_dimension_numbers<[1], [0], [0], [1], [0, 0, 1, 1], [], []>, transpose_lhs_hint = false} : vector<128x64xf32>, vector<64x64xf32>, vector<128x64xf32> -> vector<128x64xf32>
      %mul3A_41 = vector.broadcast %get3A_39 : vector<1x64xf32> to vector<128x64xf32>
      %mul3A_42 = arith.mulf %get3A_27, %mul3A_41 : vector<128x64xf32>
      %reduce_sum3A = arith.constant dense<0.000000e+00> : vector<128xf32>
      %reduce_sum3A_43 = vector.multi_reduction <add>, %mul3A_42, %reduce_sum3A [1] : vector<128x64xf32> to vector<128xf32>
      %broadcast_in_dim3A = vector.shape_cast %reduce_sum3A_43 : vector<128xf32> to vector<128x1xf32>
      %add3A_44 = arith.constant 9.99999997E-7 : f32
      %add3A_45 = vector.broadcast %add3A_44 : f32 to vector<128x1xf32>
      %add3A_46 = arith.addf %broadcast_in_dim3A, %add3A_45 : vector<128x1xf32>
      %ne3A = arith.constant 0.000000e+00 : f32
      %ne3A_47 = vector.broadcast %ne3A : f32 to vector<128x1xf32>
      %ne3A_48 = arith.cmpf one, %get3A_32, %ne3A_47 : vector<128x1xf32>
      %div3A = vector.broadcast %add3A_46 : vector<128x1xf32> to vector<128x64xf32>
      %div3A_49 = arith.divf %dot_general3A_40, %div3A : vector<128x64xf32>
      %mul3A_50 = vector.broadcast %get3A_32 : vector<128x1xf32> to vector<128x64xf32>
      %mul3A_51 = arith.mulf %div3A_49, %mul3A_50 : vector<128x64xf32>
      %jit3A = arith.constant 0.000000e+00 : f32
      %broadcast_in_dim3A_52 = vector.shape_cast %ne3A_48 : vector<128x1xi1> to vector<128x1xi1>
      %broadcast_in_dim3A_53 = vector.broadcast %broadcast_in_dim3A_52 : vector<128x1xi1> to vector<128x64xi1>
      %broadcast_in_dim3A_54 = vector.broadcast %jit3A : f32 to vector<128x64xf32>
      %select_n3A = arith.select %broadcast_in_dim3A_53, %mul3A_51, %broadcast_in_dim3A_54 : vector<128x64xi1>, vector<128x64xf32>
      %get3A_55 = arith.constant 0 : index
      %get3A_56 = arith.constant 0 : index
      %get3A_57 = arith.constant 0 : index
      %get3A_58 = vector.load %arg40[%get3A_55, %get3A_56, %get3A_57] : memref<1x64x768xf32, #tpu.memory_space<vmem>>, vector<1x64x768xf32>
      %get3A_59 = vector.shape_cast %get3A_58 : vector<1x64x768xf32> to vector<64x768xf32>
      %dot_general3A_60 = arith.constant dense<0.000000e+00> : vector<128x768xf32>
      %dot_general3A_61 = tpu.matmul %select_n3A, %get3A_59, %dot_general3A_60 {dimension_numbers = #tpu.dot_dimension_numbers<[1], [0], [0], [1], [0, 0, 1, 1], [], []>, transpose_lhs_hint = false} : vector<128x64xf32>, vector<64x768xf32>, vector<128x768xf32> -> vector<128x768xf32>
      %get3A_62 = arith.constant 0 : index
      %get3A_63 = arith.constant 0 : index
      %get3A_64 = arith.constant 0 : index
      %get3A_65 = vector.load %arg41[%get3A_62, %get3A_63, %get3A_64] : memref<1x1x768xf32, #tpu.memory_space<vmem>>, vector<1x1x768xf32>
      %get3A_66 = vector.shape_cast %get3A_65 : vector<1x1x768xf32> to vector<1x768xf32>
      %mul3A_67 = vector.broadcast %get3A_32 : vector<128x1xf32> to vector<128x768xf32>
      %mul3A_68 = vector.broadcast %get3A_66 : vector<1x768xf32> to vector<128x768xf32>
      %mul3A_69 = arith.mulf %mul3A_67, %mul3A_68 : vector<128x768xf32>
      %add3A_70 = arith.addf %dot_general3A_61, %mul3A_69 : vector<128x768xf32>
      %swap3A = arith.constant 0 : index
      %swap3A_71 = arith.constant 0 : index
      %swap3A_72 = vector.load %arg50[%swap3A, %swap3A_71] : memref<512x768xf32, #tpu.memory_space<vmem>>, vector<128x768xf32>
      tpu.vector_store %arg50[%swap3A, %swap3A_71], %add3A_70 {strides = array<i32>} : memref<512x768xf32, #tpu.memory_space<vmem>>, vector<128x768xf32>,
      %mul3A_73 = arith.constant 4 : i32
      %mul3A_74 = arith.muli %mul3A_73, %arg1 : i32
      %add3A_75 = arith.constant 1 : i32
      %add3A_76 = arith.addi %mul3A_74, %add3A_75 : i32
      %get3A_77 = arith.index_cast %add3A_76 : i32 to index
      %get3A_78 = memref.load %arg2[%get3A_77] : memref<96xi32, #tpu.memory_space<smem>>
      %mul3A_79 = arith.constant 128 : i32
      %mul3A_80 = arith.muli %add3A_76, %mul3A_79 : i32
      %get3A_81 = arith.index_cast %mul3A_80 : i32 to index
      %get3A_82 = arith.constant 0 : index
      %get3A_83 = vector.load %arg51[%get3A_81, %get3A_82] : memref<12288x64xf32, #tpu.memory_space<vmem>>, vector<128x64xf32>
      %mul3A_84 = arith.constant 128 : i32
      %mul3A_85 = arith.muli %add3A_76, %mul3A_84 : i32
      %get3A_86 = arith.index_cast %mul3A_85 : i32 to index
      %get3A_87 = arith.constant 0 : index
      %get3A_88 = vector.load %arg52[%get3A_86, %get3A_87] : memref<12288x1xf32, #tpu.memory_space<vmem>>, vector<128x1xf32>
      %get3A_89 = arith.index_cast %get3A_78 : i32 to index
      %get3A_90 = arith.constant 0 : index
      %get3A_91 = arith.constant 0 : index
      %get3A_92 = vector.load %arg53[%get3A_89, %get3A_90, %get3A_91] : memref<64x64x64xf32, #tpu.memory_space<vmem>>, vector<1x64x64xf32>
      %squeeze3A_93 = vector.shape_cast %get3A_92 : vector<1x64x64xf32> to vector<64x64xf32>
      %get3A_94 = arith.index_cast %get3A_78 : i32 to index
      %get3A_95 = arith.constant 0 : index
      %get3A_96 = vector.load %arg54[%get3A_94, %get3A_95] : memref<64x64xf32, #tpu.memory_space<vmem>>, vector<1x64xf32>
      %dot_general3A_97 = arith.constant dense<0.000000e+00> : vector<128x64xf32>
      %dot_general3A_98 = tpu.matmul %get3A_83, %squeeze3A_93, %dot_general3A_97 {dimension_numbers = #tpu.dot_dimension_numbers<[1], [0], [0], [1], [0, 0, 1, 1], [], []>, transpose_lhs_hint = false} : vector<128x64xf32>, vector<64x64xf32>, vector<128x64xf32> -> vector<128x64xf32>
      %mul3A_99 = vector.broadcast %get3A_96 : vector<1x64xf32> to vector<128x64xf32>
      %mul3A_100 = arith.mulf %get3A_83, %mul3A_99 : vector<128x64xf32>
      %reduce_sum3A_101 = arith.constant dense<0.000000e+00> : vector<128xf32>
      %reduce_sum3A_102 = vector.multi_reduction <add>, %mul3A_100, %reduce_sum3A_101 [1] : vector<128x64xf32> to vector<128xf32>
      %broadcast_in_dim3A_103 = vector.shape_cast %reduce_sum3A_102 : vector<128xf32> to vector<128x1xf32>
      %add3A_104 = arith.constant 9.99999997E-7 : f32
      %add3A_105 = vector.broadcast %add3A_104 : f32 to vector<128x1xf32>
      %add3A_106 = arith.addf %broadcast_in_dim3A_103, %add3A_105 : vector<128x1xf32>
      %ne3A_107 = arith.constant 0.000000e+00 : f32
      %ne3A_108 = vector.broadcast %ne3A_107 : f32 to vector<128x1xf32>
      %ne3A_109 = arith.cmpf one, %get3A_88, %ne3A_108 : vector<128x1xf32>
      %div3A_110 = vector.broadcast %add3A_106 : vector<128x1xf32> to vector<128x64xf32>
      %div3A_111 = arith.divf %dot_general3A_98, %div3A_110 : vector<128x64xf32>
      %mul3A_112 = vector.broadcast %get3A_88 : vector<128x1xf32> to vector<128x64xf32>
      %mul3A_113 = arith.mulf %div3A_111, %mul3A_112 : vector<128x64xf32>
      %jit3A_114 = arith.constant 0.000000e+00 : f32
      %broadcast_in_dim3A_115 = vector.shape_cast %ne3A_109 : vector<128x1xi1> to vector<128x1xi1>
      %broadcast_in_dim3A_116 = vector.broadcast %broadcast_in_dim3A_115 : vector<128x1xi1> to vector<128x64xi1>
      %broadcast_in_dim3A_117 = vector.broadcast %jit3A_114 : f32 to vector<128x64xf32>
      %select_n3A_118 = arith.select %broadcast_in_dim3A_116, %mul3A_113, %broadcast_in_dim3A_117 : vector<128x64xi1>, vector<128x64xf32>
      %get3A_119 = arith.constant 0 : index
      %get3A_120 = arith.constant 0 : index
      %get3A_121 = arith.constant 0 : index
      %get3A_122 = vector.load %arg42[%get3A_119, %get3A_120, %get3A_121] : memref<1x64x768xf32, #tpu.memory_space<vmem>>, vector<1x64x768xf32>
      %get3A_123 = vector.shape_cast %get3A_122 : vector<1x64x768xf32> to vector<64x768xf32>
      %dot_general3A_124 = arith.constant dense<0.000000e+00> : vector<128x768xf32>
      %dot_general3A_125 = tpu.matmul %select_n3A_118, %get3A_123, %dot_general3A_124 {dimension_numbers = #tpu.dot_dimension_numbers<[1], [0], [0], [1], [0, 0, 1, 1], [], []>, transpose_lhs_hint = false} : vector<128x64xf32>, vector<64x768xf32>, vector<128x768xf32> -> vector<128x768xf32>
      %get3A_126 = arith.constant 0 : index
      %get3A_127 = arith.constant 0 : index
      %get3A_128 = arith.constant 0 : index
      %get3A_129 = vector.load %arg43[%get3A_126, %get3A_127, %get3A_128] : memref<1x1x768xf32, #tpu.memory_space<vmem>>, vector<1x1x768xf32>
      %get3A_130 = vector.shape_cast %get3A_129 : vector<1x1x768xf32> to vector<1x768xf32>
      %mul3A_131 = vector.broadcast %get3A_88 : vector<128x1xf32> to vector<128x768xf32>
      %mul3A_132 = vector.broadcast %get3A_130 : vector<1x768xf32> to vector<128x768xf32>
      %mul3A_133 = arith.mulf %mul3A_131, %mul3A_132 : vector<128x768xf32>
      %add3A_134 = arith.addf %dot_general3A_125, %mul3A_133 : vector<128x768xf32>
      %swap3A_135 = arith.constant 128 : index
      %swap3A_136 = arith.constant 0 : index
      %swap3A_137 = vector.load %arg50[%swap3A_135, %swap3A_136] : memref<512x768xf32, #tpu.memory_space<vmem>>, vector<128x768xf32>
      tpu.vector_store %arg50[%swap3A_135, %swap3A_136], %add3A_134 {strides = array<i32>} : memref<512x768xf32, #tpu.memory_space<vmem>>, vector<128x768xf32>,
      %mul3A_138 = arith.constant 4 : i32
      %mul3A_139 = arith.muli %mul3A_138, %arg1 : i32
      %add3A_140 = arith.constant 2 : i32
      %add3A_141 = arith.addi %mul3A_139, %add3A_140 : i32
      %get3A_142 = arith.index_cast %add3A_141 : i32 to index
      %get3A_143 = memref.load %arg2[%get3A_142] : memref<96xi32, #tpu.memory_space<smem>>
      %mul3A_144 = arith.constant 128 : i32
      %mul3A_145 = arith.muli %add3A_141, %mul3A_144 : i32
      %get3A_146 = arith.index_cast %mul3A_145 : i32 to index
      %get3A_147 = arith.constant 0 : index
      %get3A_148 = vector.load %arg51[%get3A_146, %get3A_147] : memref<12288x64xf32, #tpu.memory_space<vmem>>, vector<128x64xf32>
      %mul3A_149 = arith.constant 128 : i32
      %mul3A_150 = arith.muli %add3A_141, %mul3A_149 : i32
      %get3A_151 = arith.index_cast %mul3A_150 : i32 to index
      %get3A_152 = arith.constant 0 : index
      %get3A_153 = vector.load %arg52[%get3A_151, %get3A_152] : memref<12288x1xf32, #tpu.memory_space<vmem>>, vector<128x1xf32>
      %get3A_154 = arith.index_cast %get3A_143 : i32 to index
      %get3A_155 = arith.constant 0 : index
      %get3A_156 = arith.constant 0 : index
      %get3A_157 = vector.load %arg53[%get3A_154, %get3A_155, %get3A_156] : memref<64x64x64xf32, #tpu.memory_space<vmem>>, vector<1x64x64xf32>
      %squeeze3A_158 = vector.shape_cast %get3A_157 : vector<1x64x64xf32> to vector<64x64xf32>
      %get3A_159 = arith.index_cast %get3A_143 : i32 to index
      %get3A_160 = arith.constant 0 : index
      %get3A_161 = vector.load %arg54[%get3A_159, %get3A_160] : memref<64x64xf32, #tpu.memory_space<vmem>>, vector<1x64xf32>
      %dot_general3A_162 = arith.constant dense<0.000000e+00> : vector<128x64xf32>
      %dot_general3A_163 = tpu.matmul %get3A_148, %squeeze3A_158, %dot_general3A_162 {dimension_numbers = #tpu.dot_dimension_numbers<[1], [0], [0], [1], [0, 0, 1, 1], [], []>, transpose_lhs_hint = false} : vector<128x64xf32>, vector<64x64xf32>, vector<128x64xf32> -> vector<128x64xf32>
      %mul3A_164 = vector.broadcast %get3A_161 : vector<1x64xf32> to vector<128x64xf32>
      %mul3A_165 = arith.mulf %get3A_148, %mul3A_164 : vector<128x64xf32>
      %reduce_sum3A_166 = arith.constant dense<0.000000e+00> : vector<128xf32>
      %reduce_sum3A_167 = vector.multi_reduction <add>, %mul3A_165, %reduce_sum3A_166 [1] : vector<128x64xf32> to vector<128xf32>
      %broadcast_in_dim3A_168 = vector.shape_cast %reduce_sum3A_167 : vector<128xf32> to vector<128x1xf32>
      %add3A_169 = arith.constant 9.99999997E-7 : f32
      %add3A_170 = vector.broadcast %add3A_169 : f32 to vector<128x1xf32>
      %add3A_171 = arith.addf %broadcast_in_dim3A_168, %add3A_170 : vector<128x1xf32>
      %ne3A_172 = arith.constant 0.000000e+00 : f32
      %ne3A_173 = vector.broadcast %ne3A_172 : f32 to vector<128x1xf32>
      %ne3A_174 = arith.cmpf one, %get3A_153, %ne3A_173 : vector<128x1xf32>
      %div3A_175 = vector.broadcast %add3A_171 : vector<128x1xf32> to vector<128x64xf32>
      %div3A_176 = arith.divf %dot_general3A_163, %div3A_175 : vector<128x64xf32>
      %mul3A_177 = vector.broadcast %get3A_153 : vector<128x1xf32> to vector<128x64xf32>
      %mul3A_178 = arith.mulf %div3A_176, %mul3A_177 : vector<128x64xf32>
      %jit3A_179 = arith.constant 0.000000e+00 : f32
      %broadcast_in_dim3A_180 = vector.shape_cast %ne3A_174 : vector<128x1xi1> to vector<128x1xi1>
      %broadcast_in_dim3A_181 = vector.broadcast %broadcast_in_dim3A_180 : vector<128x1xi1> to vector<128x64xi1>
      %broadcast_in_dim3A_182 = vector.broadcast %jit3A_179 : f32 to vector<128x64xf32>
      %select_n3A_183 = arith.select %broadcast_in_dim3A_181, %mul3A_178, %broadcast_in_dim3A_182 : vector<128x64xi1>, vector<128x64xf32>
      %get3A_184 = arith.constant 0 : index
      %get3A_185 = arith.constant 0 : index
      %get3A_186 = arith.constant 0 : index
      %get3A_187 = vector.load %arg44[%get3A_184, %get3A_185, %get3A_186] : memref<1x64x768xf32, #tpu.memory_space<vmem>>, vector<1x64x768xf32>
      %get3A_188 = vector.shape_cast %get3A_187 : vector<1x64x768xf32> to vector<64x768xf32>
      %dot_general3A_189 = arith.constant dense<0.000000e+00> : vector<128x768xf32>
      %dot_general3A_190 = tpu.matmul %select_n3A_183, %get3A_188, %dot_general3A_189 {dimension_numbers = #tpu.dot_dimension_numbers<[1], [0], [0], [1], [0, 0, 1, 1], [], []>, transpose_lhs_hint = false} : vector<128x64xf32>, vector<64x768xf32>, vector<128x768xf32> -> vector<128x768xf32>
      %get3A_191 = arith.constant 0 : index
      %get3A_192 = arith.constant 0 : index
      %get3A_193 = arith.constant 0 : index
      %get3A_194 = vector.load %arg45[%get3A_191, %get3A_192, %get3A_193] : memref<1x1x768xf32, #tpu.memory_space<vmem>>, vector<1x1x768xf32>
      %get3A_195 = vector.shape_cast %get3A_194 : vector<1x1x768xf32> to vector<1x768xf32>
      %mul3A_196 = vector.broadcast %get3A_153 : vector<128x1xf32> to vector<128x768xf32>
      %mul3A_197 = vector.broadcast %get3A_195 : vector<1x768xf32> to vector<128x768xf32>
      %mul3A_198 = arith.mulf %mul3A_196, %mul3A_197 : vector<128x768xf32>
      %add3A_199 = arith.addf %dot_general3A_190, %mul3A_198 : vector<128x768xf32>
      %swap3A_200 = arith.constant 256 : index
      %swap3A_201 = arith.constant 0 : index
      %swap3A_202 = vector.load %arg50[%swap3A_200, %swap3A_201] : memref<512x768xf32, #tpu.memory_space<vmem>>, vector<128x768xf32>
      tpu.vector_store %arg50[%swap3A_200, %swap3A_201], %add3A_199 {strides = array<i32>} : memref<512x768xf32, #tpu.memory_space<vmem>>, vector<128x768xf32>,
      %mul3A_203 = arith.constant 4 : i32
      %mul3A_204 = arith.muli %mul3A_203, %arg1 : i32
      %add3A_205 = arith.constant 3 : i32
      %add3A_206 = arith.addi %mul3A_204, %add3A_205 : i32
      %get3A_207 = arith.index_cast %add3A_206 : i32 to index
      %get3A_208 = memref.load %arg2[%get3A_207] : memref<96xi32, #tpu.memory_space<smem>>
      %mul3A_209 = arith.constant 128 : i32
      %mul3A_210 = arith.muli %add3A_206, %mul3A_209 : i32
      %get3A_211 = arith.index_cast %mul3A_210 : i32 to index
      %get3A_212 = arith.constant 0 : index
      %get3A_213 = vector.load %arg51[%get3A_211, %get3A_212] : memref<12288x64xf32, #tpu.memory_space<vmem>>, vector<128x64xf32>
      %mul3A_214 = arith.constant 128 : i32
      %mul3A_215 = arith.muli %add3A_206, %mul3A_214 : i32
      %get3A_216 = arith.index_cast %mul3A_215 : i32 to index
      %get3A_217 = arith.constant 0 : index
      %get3A_218 = vector.load %arg52[%get3A_216, %get3A_217] : memref<12288x1xf32, #tpu.memory_space<vmem>>, vector<128x1xf32>
      %get3A_219 = arith.index_cast %get3A_208 : i32 to index
      %get3A_220 = arith.constant 0 : index
      %get3A_221 = arith.constant 0 : index
      %get3A_222 = vector.load %arg53[%get3A_219, %get3A_220, %get3A_221] : memref<64x64x64xf32, #tpu.memory_space<vmem>>, vector<1x64x64xf32>
      %squeeze3A_223 = vector.shape_cast %get3A_222 : vector<1x64x64xf32> to vector<64x64xf32>
      %get3A_224 = arith.index_cast %get3A_208 : i32 to index
      %get3A_225 = arith.constant 0 : index
      %get3A_226 = vector.load %arg54[%get3A_224, %get3A_225] : memref<64x64xf32, #tpu.memory_space<vmem>>, vector<1x64xf32>
      %dot_general3A_227 = arith.constant dense<0.000000e+00> : vector<128x64xf32>
      %dot_general3A_228 = tpu.matmul %get3A_213, %squeeze3A_223, %dot_general3A_227 {dimension_numbers = #tpu.dot_dimension_numbers<[1], [0], [0], [1], [0, 0, 1, 1], [], []>, transpose_lhs_hint = false} : vector<128x64xf32>, vector<64x64xf32>, vector<128x64xf32> -> vector<128x64xf32>
      %mul3A_229 = vector.broadcast %get3A_226 : vector<1x64xf32> to vector<128x64xf32>
      %mul3A_230 = arith.mulf %get3A_213, %mul3A_229 : vector<128x64xf32>
      %reduce_sum3A_231 = arith.constant dense<0.000000e+00> : vector<128xf32>
      %reduce_sum3A_232 = vector.multi_reduction <add>, %mul3A_230, %reduce_sum3A_231 [1] : vector<128x64xf32> to vector<128xf32>
      %broadcast_in_dim3A_233 = vector.shape_cast %reduce_sum3A_232 : vector<128xf32> to vector<128x1xf32>
      %add3A_234 = arith.constant 9.99999997E-7 : f32
      %add3A_235 = vector.broadcast %add3A_234 : f32 to vector<128x1xf32>
      %add3A_236 = arith.addf %broadcast_in_dim3A_233, %add3A_235 : vector<128x1xf32>
      %ne3A_237 = arith.constant 0.000000e+00 : f32
      %ne3A_238 = vector.broadcast %ne3A_237 : f32 to vector<128x1xf32>
      %ne3A_239 = arith.cmpf one, %get3A_218, %ne3A_238 : vector<128x1xf32>
      %div3A_240 = vector.broadcast %add3A_236 : vector<128x1xf32> to vector<128x64xf32>
      %div3A_241 = arith.divf %dot_general3A_228, %div3A_240 : vector<128x64xf32>
      %mul3A_242 = vector.broadcast %get3A_218 : vector<128x1xf32> to vector<128x64xf32>
      %mul3A_243 = arith.mulf %div3A_241, %mul3A_242 : vector<128x64xf32>
      %jit3A_244 = arith.constant 0.000000e+00 : f32
      %broadcast_in_dim3A_245 = vector.shape_cast %ne3A_239 : vector<128x1xi1> to vector<128x1xi1>
      %broadcast_in_dim3A_246 = vector.broadcast %broadcast_in_dim3A_245 : vector<128x1xi1> to vector<128x64xi1>
      %broadcast_in_dim3A_247 = vector.broadcast %jit3A_244 : f32 to vector<128x64xf32>
      %select_n3A_248 = arith.select %broadcast_in_dim3A_246, %mul3A_243, %broadcast_in_dim3A_247 : vector<128x64xi1>, vector<128x64xf32>
      %get3A_249 = arith.constant 0 : index
      %get3A_250 = arith.constant 0 : index
      %get3A_251 = arith.constant 0 : index
      %get3A_252 = vector.load %arg46[%get3A_249, %get3A_250, %get3A_251] : memref<1x64x768xf32, #tpu.memory_space<vmem>>, vector<1x64x768xf32>
      %get3A_253 = vector.shape_cast %get3A_252 : vector<1x64x768xf32> to vector<64x768xf32>
      %dot_general3A_254 = arith.constant dense<0.000000e+00> : vector<128x768xf32>
      %dot_general3A_255 = tpu.matmul %select_n3A_248, %get3A_253, %dot_general3A_254 {dimension_numbers = #tpu.dot_dimension_numbers<[1], [0], [0], [1], [0, 0, 1, 1], [], []>, transpose_lhs_hint = false} : vector<128x64xf32>, vector<64x768xf32>, vector<128x768xf32> -> vector<128x768xf32>
      %get3A_256 = arith.constant 0 : index
      %get3A_257 = arith.constant 0 : index
      %get3A_258 = arith.constant 0 : index
      %get3A_259 = vector.load %arg47[%get3A_256, %get3A_257, %get3A_258] : memref<1x1x768xf32, #tpu.memory_space<vmem>>, vector<1x1x768xf32>
      %get3A_260 = vector.shape_cast %get3A_259 : vector<1x1x768xf32> to vector<1x768xf32>
      %mul3A_261 = vector.broadcast %get3A_218 : vector<128x1xf32> to vector<128x768xf32>
      %mul3A_262 = vector.broadcast %get3A_260 : vector<1x768xf32> to vector<128x768xf32>
      %mul3A_263 = arith.mulf %mul3A_261, %mul3A_262 : vector<128x768xf32>
      %add3A_264 = arith.addf %dot_general3A_255, %mul3A_263 : vector<128x768xf32>
      %swap3A_265 = arith.constant 384 : index
      %swap3A_266 = arith.constant 0 : index
      %swap3A_267 = vector.load %arg50[%swap3A_265, %swap3A_266] : memref<512x768xf32, #tpu.memory_space<vmem>>, vector<128x768xf32>
      tpu.vector_store %arg50[%swap3A_265, %swap3A_266], %add3A_264 {strides = array<i32>} : memref<512x768xf32, #tpu.memory_space<vmem>>, vector<128x768xf32>,
    } else {
    }
    %eq3A_10 = arith.constant 1 : i32
    %eq3A_11 = arith.cmpi eq, %arg0, %eq3A_10 : i32
    %eq3A_12 = arith.constant 23 : i32
    %eq3A_13 = arith.cmpi eq, %arg1, %eq3A_12 : i32
    %and3A_14 = arith.andi %eq3A_11, %eq3A_13 : i1
    %convert_element_type3A_15 = arith.extui %and3A_14 : i1 to i32
    %cond3A_16 = arith.constant 0 : i32
    %cond3A_17 = arith.cmpi ne, %convert_element_type3A_15, %cond3A_16 : i32
    scf.if %cond3A_17 {
      %get3A_18 = arith.constant 0 : index
      %get3A_19 = arith.constant 0 : index
      %get3A_20 = arith.constant 0 : index
      %get3A_21 = vector.load %arg53[%get3A_18, %get3A_19, %get3A_20] : memref<64x64x64xf32, #tpu.memory_space<vmem>>, vector<64x64x64xf32>
      %swap3A = arith.constant 0 : index
      %swap3A_22 = arith.constant 0 : index
      %swap3A_23 = arith.constant 0 : index
      %swap3A_24 = vector.load %arg48[%swap3A, %swap3A_22, %swap3A_23] : memref<64x64x64xf32, #tpu.memory_space<vmem>>, vector<64x64x64xf32>
      tpu.vector_store %arg48[%swap3A, %swap3A_22, %swap3A_23], %get3A_21 {strides = array<i32>} : memref<64x64x64xf32, #tpu.memory_space<vmem>>, vector<64x64x64xf32>,
      %get3A_25 = arith.constant 0 : index
      %get3A_26 = arith.constant 0 : index
      %get3A_27 = vector.load %arg54[%get3A_25, %get3A_26] : memref<64x64xf32, #tpu.memory_space<vmem>>, vector<64x64xf32>
      %broadcast_in_dim3A = vector.shape_cast %get3A_27 : vector<64x64xf32> to vector<64x1x64xf32>
      %swap3A_28 = arith.constant 0 : index
      %swap3A_29 = arith.constant 0 : index
      %swap3A_30 = arith.constant 0 : index
      %swap3A_31 = vector.load %arg49[%swap3A_28, %swap3A_29, %swap3A_30] : memref<64x1x64xf32, #tpu.memory_space<vmem>>, vector<64x1x64xf32>
      tpu.vector_store %arg49[%swap3A_28, %swap3A_29, %swap3A_30], %broadcast_in_dim3A {strides = array<i32>} : memref<64x1x64xf32, #tpu.memory_space<vmem>>, vector<64x1x64xf32>,
    } else {
    }
    return
  }
  func.func @transform_0(%arg0: i32, %arg1: i32, %arg2: memref<96xi32, #tpu.memory_space<smem>>, %arg3: memref<96xi32, #tpu.memory_space<smem>>, %arg4: memref<96xi32, #tpu.memory_space<smem>>, %arg5: memref<1xi32, #tpu.memory_space<smem>>) -> (i32, i32) {
    %eq3A = arith.constant 0 : i32
    %eq3A_0 = arith.cmpi eq, %arg0, %eq3A : i32
    %mul3A = arith.constant 4 : i32
    %mul3A_1 = arith.muli %mul3A, %arg1 : i32
    %get3A = arith.constant 0 : index
    %get3A_2 = memref.load %arg5[%get3A] : memref<1xi32, #tpu.memory_space<smem>>
    %lt3A = arith.cmpi slt, %mul3A_1, %get3A_2 : i32
    %and3A = arith.andi %eq3A_0, %lt3A : i1
    %jit3A = arith.constant 0 : i32
    %select_n3A = arith.select %and3A, %arg1, %jit3A : i32
    %c0_i32 = arith.constant 0 : i32
    %c0_i32_3 = arith.constant 0 : i32
    return %select_n3A, %c0_i32 : i32, i32
  }
  func.func @transform_1(%arg0: i32, %arg1: i32, %arg2: memref<96xi32, #tpu.memory_space<smem>>, %arg3: memref<96xi32, #tpu.memory_space<smem>>, %arg4: memref<96xi32, #tpu.memory_space<smem>>, %arg5: memref<1xi32, #tpu.memory_space<smem>>) -> (i32, i32) {
    %eq3A = arith.constant 0 : i32
    %eq3A_0 = arith.cmpi eq, %arg0, %eq3A : i32
    %mul3A = arith.constant 4 : i32
    %mul3A_1 = arith.muli %mul3A, %arg1 : i32
    %get3A = arith.constant 0 : index
    %get3A_2 = memref.load %arg5[%get3A] : memref<1xi32, #tpu.memory_space<smem>>
    %lt3A = arith.cmpi slt, %mul3A_1, %get3A_2 : i32
    %and3A = arith.andi %eq3A_0, %lt3A : i1
    %jit3A = arith.constant 0 : i32
    %select_n3A = arith.select %and3A, %arg1, %jit3A : i32
    %c0_i32 = arith.constant 0 : i32
    %c0_i32_3 = arith.constant 0 : i32
    return %select_n3A, %c0_i32 : i32, i32
  }
  func.func @transform_2(%arg0: i32, %arg1: i32, %arg2: memref<96xi32, #tpu.memory_space<smem>>, %arg3: memref<96xi32, #tpu.memory_space<smem>>, %arg4: memref<96xi32, #tpu.memory_space<smem>>, %arg5: memref<1xi32, #tpu.memory_space<smem>>) -> (i32, i32, i32) {
    %eq3A = arith.constant 0 : i32
    %eq3A_0 = arith.cmpi eq, %arg0, %eq3A : i32
    %mul3A = arith.constant 4 : i32
    %mul3A_1 = arith.muli %mul3A, %arg1 : i32
    %add3A = arith.constant 0 : i32
    %add3A_2 = arith.addi %mul3A_1, %add3A : i32
    %get3A = arith.index_cast %add3A_2 : i32 to index
    %get3A_3 = memref.load %arg2[%get3A] : memref<96xi32, #tpu.memory_space<smem>>
    %jit3A = arith.constant 0 : i32
    %select_n3A = arith.select %eq3A_0, %get3A_3, %jit3A : i32
    %c0_i32 = arith.constant 0 : i32
    %c0_i32_4 = arith.constant 0 : i32
    %c0_i32_5 = arith.constant 0 : i32
    return %select_n3A, %c0_i32, %c0_i32_4 : i32, i32, i32
  }
  func.func @transform_3(%arg0: i32, %arg1: i32, %arg2: memref<96xi32, #tpu.memory_space<smem>>, %arg3: memref<96xi32, #tpu.memory_space<smem>>, %arg4: memref<96xi32, #tpu.memory_space<smem>>, %arg5: memref<1xi32, #tpu.memory_space<smem>>) -> (i32, i32, i32) {
    %eq3A = arith.constant 0 : i32
    %eq3A_0 = arith.cmpi eq, %arg0, %eq3A : i32
    %mul3A = arith.constant 4 : i32
    %mul3A_1 = arith.muli %mul3A, %arg1 : i32
    %add3A = arith.constant 0 : i32
    %add3A_2 = arith.addi %mul3A_1, %add3A : i32
    %get3A = arith.index_cast %add3A_2 : i32 to index
    %get3A_3 = memref.load %arg2[%get3A] : memref<96xi32, #tpu.memory_space<smem>>
    %jit3A = arith.constant 0 : i32
    %select_n3A = arith.select %eq3A_0, %get3A_3, %jit3A : i32
    %c0_i32 = arith.constant 0 : i32
    %c0_i32_4 = arith.constant 0 : i32
    %c0_i32_5 = arith.constant 0 : i32
    return %select_n3A, %c0_i32, %c0_i32_4 : i32, i32, i32
  }
  func.func @transform_4(%arg0: i32, %arg1: i32, %arg2: memref<96xi32, #tpu.memory_space<smem>>, %arg3: memref<96xi32, #tpu.memory_space<smem>>, %arg4: memref<96xi32, #tpu.memory_space<smem>>, %arg5: memref<1xi32, #tpu.memory_space<smem>>) -> (i32, i32, i32) {
    %eq3A = arith.constant 0 : i32
    %eq3A_0 = arith.cmpi eq, %arg0, %eq3A : i32
    %mul3A = arith.constant 4 : i32
    %mul3A_1 = arith.muli %mul3A, %arg1 : i32
    %add3A = arith.constant 0 : i32
    %add3A_2 = arith.addi %mul3A_1, %add3A : i32
    %get3A = arith.index_cast %add3A_2 : i32 to index
    %get3A_3 = memref.load %arg2[%get3A] : memref<96xi32, #tpu.memory_space<smem>>
    %jit3A = arith.constant 0 : i32
    %select_n3A = arith.select %eq3A_0, %get3A_3, %jit3A : i32
    %c0_i32 = arith.constant 0 : i32
    %c0_i32_4 = arith.constant 0 : i32
    %c0_i32_5 = arith.constant 0 : i32
    return %select_n3A, %c0_i32, %c0_i32_4 : i32, i32, i32
  }
  func.func @transform_5(%arg0: i32, %arg1: i32, %arg2: memref<96xi32, #tpu.memory_space<smem>>, %arg3: memref<96xi32, #tpu.memory_space<smem>>, %arg4: memref<96xi32, #tpu.memory_space<smem>>, %arg5: memref<1xi32, #tpu.memory_space<smem>>) -> (i32, i32, i32) {
    %eq3A = arith.constant 0 : i32
    %eq3A_0 = arith.cmpi eq, %arg0, %eq3A : i32
    %mul3A = arith.constant 4 : i32
    %mul3A_1 = arith.muli %mul3A, %arg1 : i32
    %add3A = arith.constant 0 : i32
    %add3A_2 = arith.addi %mul3A_1, %add3A : i32
    %get3A = arith.index_cast %add3A_2 : i32 to index
    %get3A_3 = memref.load %arg2[%get3A] : memref<96xi32, #tpu.memory_space<smem>>
    %jit3A = arith.constant 0 : i32
    %select_n3A = arith.select %eq3A_0, %get3A_3, %jit3A : i32
    %c0_i32 = arith.constant 0 : i32
    %c0_i32_4 = arith.constant 0 : i32
    %c0_i32_5 = arith.constant 0 : i32
    return %select_n3A, %c0_i32, %c0_i32_4 : i32, i32, i32
  }
  func.func @transform_6(%arg0: i32, %arg1: i32, %arg2: memref<96xi32, #tpu.memory_space<smem>>, %arg3: memref<96xi32, #tpu.memory_space<smem>>, %arg4: memref<96xi32, #tpu.memory_space<smem>>, %arg5: memref<1xi32, #tpu.memory_space<smem>>) -> (i32, i32, i32) {
    %eq3A = arith.constant 0 : i32
    %eq3A_0 = arith.cmpi eq, %arg0, %eq3A : i32
    %mul3A = arith.constant 4 : i32
    %mul3A_1 = arith.muli %mul3A, %arg1 : i32
    %add3A = arith.constant 0 : i32
    %add3A_2 = arith.addi %mul3A_1, %add3A : i32
    %get3A = arith.index_cast %add3A_2 : i32 to index
    %get3A_3 = memref.load %arg2[%get3A] : memref<96xi32, #tpu.memory_space<smem>>
    %jit3A = arith.constant 0 : i32
    %select_n3A = arith.select %eq3A_0, %get3A_3, %jit3A : i32
    %c0_i32 = arith.constant 0 : i32
    %c0_i32_4 = arith.constant 0 : i32
    %c0_i32_5 = arith.constant 0 : i32
    return %select_n3A, %c0_i32, %c0_i32_4 : i32, i32, i32
  }
  func.func @transform_7(%arg0: i32, %arg1: i32, %arg2: memref<96xi32, #tpu.memory_space<smem>>, %arg3: memref<96xi32, #tpu.memory_space<smem>>, %arg4: memref<96xi32, #tpu.memory_space<smem>>, %arg5: memref<1xi32, #tpu.memory_space<smem>>) -> (i32, i32, i32) {
    %eq3A = arith.constant 0 : i32
    %eq3A_0 = arith.cmpi eq, %arg0, %eq3A : i32
    %mul3A = arith.constant 4 : i32
    %mul3A_1 = arith.muli %mul3A, %arg1 : i32
    %add3A = arith.constant 0 : i32
    %add3A_2 = arith.addi %mul3A_1, %add3A : i32
    %get3A = arith.index_cast %add3A_2 : i32 to index
    %get3A_3 = memref.load %arg2[%get3A] : memref<96xi32, #tpu.memory_space<smem>>
    %jit3A = arith.constant 0 : i32
    %select_n3A = arith.select %eq3A_0, %get3A_3, %jit3A : i32
    %c0_i32 = arith.constant 0 : i32
    %c0_i32_4 = arith.constant 0 : i32
    %c0_i32_5 = arith.constant 0 : i32
    return %select_n3A, %c0_i32, %c0_i32_4 : i32, i32, i32
  }
  func.func @transform_8(%arg0: i32, %arg1: i32, %arg2: memref<96xi32, #tpu.memory_space<smem>>, %arg3: memref<96xi32, #tpu.memory_space<smem>>, %arg4: memref<96xi32, #tpu.memory_space<smem>>, %arg5: memref<1xi32, #tpu.memory_space<smem>>) -> (i32, i32, i32) {
    %eq3A = arith.constant 0 : i32
    %eq3A_0 = arith.cmpi eq, %arg0, %eq3A : i32
    %mul3A = arith.constant 4 : i32
    %mul3A_1 = arith.muli %mul3A, %arg1 : i32
    %add3A = arith.constant 0 : i32
    %add3A_2 = arith.addi %mul3A_1, %add3A : i32
    %get3A = arith.index_cast %add3A_2 : i32 to index
    %get3A_3 = memref.load %arg2[%get3A] : memref<96xi32, #tpu.memory_space<smem>>
    %jit3A = arith.constant 0 : i32
    %select_n3A = arith.select %eq3A_0, %get3A_3, %jit3A : i32
    %c0_i32 = arith.constant 0 : i32
    %c0_i32_4 = arith.constant 0 : i32
    %c0_i32_5 = arith.constant 0 : i32
    return %select_n3A, %c0_i32, %c0_i32_4 : i32, i32, i32
  }
  func.func @transform_9(%arg0: i32, %arg1: i32, %arg2: memref<96xi32, #tpu.memory_space<smem>>, %arg3: memref<96xi32, #tpu.memory_space<smem>>, %arg4: memref<96xi32, #tpu.memory_space<smem>>, %arg5: memref<1xi32, #tpu.memory_space<smem>>) -> (i32, i32, i32) {
    %eq3A = arith.constant 0 : i32
    %eq3A_0 = arith.cmpi eq, %arg0, %eq3A : i32
    %mul3A = arith.constant 4 : i32
    %mul3A_1 = arith.muli %mul3A, %arg1 : i32
    %add3A = arith.constant 0 : i32
    %add3A_2 = arith.addi %mul3A_1, %add3A : i32
    %get3A = arith.index_cast %add3A_2 : i32 to index
    %get3A_3 = memref.load %arg2[%get3A] : memref<96xi32, #tpu.memory_space<smem>>
    %jit3A = arith.constant 0 : i32
    %select_n3A = arith.select %eq3A_0, %get3A_3, %jit3A : i32
    %c0_i32 = arith.constant 0 : i32
    %c0_i32_4 = arith.constant 0 : i32
    %c0_i32_5 = arith.constant 0 : i32
    return %select_n3A, %c0_i32, %c0_i32_4 : i32, i32, i32
  }
  func.func @transform_10(%arg0: i32, %arg1: i32, %arg2: memref<96xi32, #tpu.memory_space<smem>>, %arg3: memref<96xi32, #tpu.memory_space<smem>>, %arg4: memref<96xi32, #tpu.memory_space<smem>>, %arg5: memref<1xi32, #tpu.memory_space<smem>>) -> (i32, i32, i32) {
    %eq3A = arith.constant 0 : i32
    %eq3A_0 = arith.cmpi eq, %arg0, %eq3A : i32
    %mul3A = arith.constant 4 : i32
    %mul3A_1 = arith.muli %mul3A, %arg1 : i32
    %add3A = arith.constant 1 : i32
    %add3A_2 = arith.addi %mul3A_1, %add3A : i32
    %get3A = arith.index_cast %add3A_2 : i32 to index
    %get3A_3 = memref.load %arg2[%get3A] : memref<96xi32, #tpu.memory_space<smem>>
    %jit3A = arith.constant 0 : i32
    %select_n3A = arith.select %eq3A_0, %get3A_3, %jit3A : i32
    %c0_i32 = arith.constant 0 : i32
    %c0_i32_4 = arith.constant 0 : i32
    %c0_i32_5 = arith.constant 0 : i32
    return %select_n3A, %c0_i32, %c0_i32_4 : i32, i32, i32
  }
  func.func @transform_11(%arg0: i32, %arg1: i32, %arg2: memref<96xi32, #tpu.memory_space<smem>>, %arg3: memref<96xi32, #tpu.memory_space<smem>>, %arg4: memref<96xi32, #tpu.memory_space<smem>>, %arg5: memref<1xi32, #tpu.memory_space<smem>>) -> (i32, i32, i32) {
    %eq3A = arith.constant 0 : i32
    %eq3A_0 = arith.cmpi eq, %arg0, %eq3A : i32
    %mul3A = arith.constant 4 : i32
    %mul3A_1 = arith.muli %mul3A, %arg1 : i32
    %add3A = arith.constant 1 : i32
    %add3A_2 = arith.addi %mul3A_1, %add3A : i32
    %get3A = arith.index_cast %add3A_2 : i32 to index
    %get3A_3 = memref.load %arg2[%get3A] : memref<96xi32, #tpu.memory_space<smem>>
    %jit3A = arith.constant 0 : i32
    %select_n3A = arith.select %eq3A_0, %get3A_3, %jit3A : i32
    %c0_i32 = arith.constant 0 : i32
    %c0_i32_4 = arith.constant 0 : i32
    %c0_i32_5 = arith.constant 0 : i32
    return %select_n3A, %c0_i32, %c0_i32_4 : i32, i32, i32
  }
  func.func @transform_12(%arg0: i32, %arg1: i32, %arg2: memref<96xi32, #tpu.memory_space<smem>>, %arg3: memref<96xi32, #tpu.memory_space<smem>>, %arg4: memref<96xi32, #tpu.memory_space<smem>>, %arg5: memref<1xi32, #tpu.memory_space<smem>>) -> (i32, i32, i32) {
    %eq3A = arith.constant 0 : i32
    %eq3A_0 = arith.cmpi eq, %arg0, %eq3A : i32
    %mul3A = arith.constant 4 : i32
    %mul3A_1 = arith.muli %mul3A, %arg1 : i32
    %add3A = arith.constant 1 : i32
    %add3A_2 = arith.addi %mul3A_1, %add3A : i32
    %get3A = arith.index_cast %add3A_2 : i32 to index
    %get3A_3 = memref.load %arg2[%get3A] : memref<96xi32, #tpu.memory_space<smem>>
    %jit3A = arith.constant 0 : i32
    %select_n3A = arith.select %eq3A_0, %get3A_3, %jit3A : i32
    %c0_i32 = arith.constant 0 : i32
    %c0_i32_4 = arith.constant 0 : i32
    %c0_i32_5 = arith.constant 0 : i32
    return %select_n3A, %c0_i32, %c0_i32_4 : i32, i32, i32
  }
  func.func @transform_13(%arg0: i32, %arg1: i32, %arg2: memref<96xi32, #tpu.memory_space<smem>>, %arg3: memref<96xi32, #tpu.memory_space<smem>>, %arg4: memref<96xi32, #tpu.memory_space<smem>>, %arg5: memref<1xi32, #tpu.memory_space<smem>>) -> (i32, i32, i32) {
    %eq3A = arith.constant 0 : i32
    %eq3A_0 = arith.cmpi eq, %arg0, %eq3A : i32
    %mul3A = arith.constant 4 : i32
    %mul3A_1 = arith.muli %mul3A, %arg1 : i32
    %add3A = arith.constant 1 : i32
    %add3A_2 = arith.addi %mul3A_1, %add3A : i32
    %get3A = arith.index_cast %add3A_2 : i32 to index
    %get3A_3 = memref.load %arg2[%get3A] : memref<96xi32, #tpu.memory_space<smem>>
    %jit3A = arith.constant 0 : i32
    %select_n3A = arith.select %eq3A_0, %get3A_3, %jit3A : i32
    %c0_i32 = arith.constant 0 : i32
    %c0_i32_4 = arith.constant 0 : i32
    %c0_i32_5 = arith.constant 0 : i32
    return %select_n3A, %c0_i32, %c0_i32_4 : i32, i32, i32
  }
  func.func @transform_14(%arg0: i32, %arg1: i32, %arg2: memref<96xi32, #tpu.memory_space<smem>>, %arg3: memref<96xi32, #tpu.memory_space<smem>>, %arg4: memref<96xi32, #tpu.memory_space<smem>>, %arg5: memref<1xi32, #tpu.memory_space<smem>>) -> (i32, i32, i32) {
    %eq3A = arith.constant 0 : i32
    %eq3A_0 = arith.cmpi eq, %arg0, %eq3A : i32
    %mul3A = arith.constant 4 : i32
    %mul3A_1 = arith.muli %mul3A, %arg1 : i32
    %add3A = arith.constant 1 : i32
    %add3A_2 = arith.addi %mul3A_1, %add3A : i32
    %get3A = arith.index_cast %add3A_2 : i32 to index
    %get3A_3 = memref.load %arg2[%get3A] : memref<96xi32, #tpu.memory_space<smem>>
    %jit3A = arith.constant 0 : i32
    %select_n3A = arith.select %eq3A_0, %get3A_3, %jit3A : i32
    %c0_i32 = arith.constant 0 : i32
    %c0_i32_4 = arith.constant 0 : i32
    %c0_i32_5 = arith.constant 0 : i32
    return %select_n3A, %c0_i32, %c0_i32_4 : i32, i32, i32
  }
  func.func @transform_15(%arg0: i32, %arg1: i32, %arg2: memref<96xi32, #tpu.memory_space<smem>>, %arg3: memref<96xi32, #tpu.memory_space<smem>>, %arg4: memref<96xi32, #tpu.memory_space<smem>>, %arg5: memref<1xi32, #tpu.memory_space<smem>>) -> (i32, i32, i32) {
    %eq3A = arith.constant 0 : i32
    %eq3A_0 = arith.cmpi eq, %arg0, %eq3A : i32
    %mul3A = arith.constant 4 : i32
    %mul3A_1 = arith.muli %mul3A, %arg1 : i32
    %add3A = arith.constant 1 : i32
    %add3A_2 = arith.addi %mul3A_1, %add3A : i32
    %get3A = arith.index_cast %add3A_2 : i32 to index
    %get3A_3 = memref.load %arg2[%get3A] : memref<96xi32, #tpu.memory_space<smem>>
    %jit3A = arith.constant 0 : i32
    %select_n3A = arith.select %eq3A_0, %get3A_3, %jit3A : i32
    %c0_i32 = arith.constant 0 : i32
    %c0_i32_4 = arith.constant 0 : i32
    %c0_i32_5 = arith.constant 0 : i32
    return %select_n3A, %c0_i32, %c0_i32_4 : i32, i32, i32
  }
  func.func @transform_16(%arg0: i32, %arg1: i32, %arg2: memref<96xi32, #tpu.memory_space<smem>>, %arg3: memref<96xi32, #tpu.memory_space<smem>>, %arg4: memref<96xi32, #tpu.memory_space<smem>>, %arg5: memref<1xi32, #tpu.memory_space<smem>>) -> (i32, i32, i32) {
    %eq3A = arith.constant 0 : i32
    %eq3A_0 = arith.cmpi eq, %arg0, %eq3A : i32
    %mul3A = arith.constant 4 : i32
    %mul3A_1 = arith.muli %mul3A, %arg1 : i32
    %add3A = arith.constant 1 : i32
    %add3A_2 = arith.addi %mul3A_1, %add3A : i32
    %get3A = arith.index_cast %add3A_2 : i32 to index
    %get3A_3 = memref.load %arg2[%get3A] : memref<96xi32, #tpu.memory_space<smem>>
    %jit3A = arith.constant 0 : i32
    %select_n3A = arith.select %eq3A_0, %get3A_3, %jit3A : i32
    %c0_i32 = arith.constant 0 : i32
    %c0_i32_4 = arith.constant 0 : i32
    %c0_i32_5 = arith.constant 0 : i32
    return %select_n3A, %c0_i32, %c0_i32_4 : i32, i32, i32
  }
  func.func @transform_17(%arg0: i32, %arg1: i32, %arg2: memref<96xi32, #tpu.memory_space<smem>>, %arg3: memref<96xi32, #tpu.memory_space<smem>>, %arg4: memref<96xi32, #tpu.memory_space<smem>>, %arg5: memref<1xi32, #tpu.memory_space<smem>>) -> (i32, i32, i32) {
    %eq3A = arith.constant 0 : i32
    %eq3A_0 = arith.cmpi eq, %arg0, %eq3A : i32
    %mul3A = arith.constant 4 : i32
    %mul3A_1 = arith.muli %mul3A, %arg1 : i32
    %add3A = arith.constant 1 : i32
    %add3A_2 = arith.addi %mul3A_1, %add3A : i32
    %get3A = arith.index_cast %add3A_2 : i32 to index
    %get3A_3 = memref.load %arg2[%get3A] : memref<96xi32, #tpu.memory_space<smem>>
    %jit3A = arith.constant 0 : i32
    %select_n3A = arith.select %eq3A_0, %get3A_3, %jit3A : i32
    %c0_i32 = arith.constant 0 : i32
    %c0_i32_4 = arith.constant 0 : i32
    %c0_i32_5 = arith.constant 0 : i32
    return %select_n3A, %c0_i32, %c0_i32_4 : i32, i32, i32
  }
  func.func @transform_18(%arg0: i32, %arg1: i32, %arg2: memref<96xi32, #tpu.memory_space<smem>>, %arg3: memref<96xi32, #tpu.memory_space<smem>>, %arg4: memref<96xi32, #tpu.memory_space<smem>>, %arg5: memref<1xi32, #tpu.memory_space<smem>>) -> (i32, i32, i32) {
    %eq3A = arith.constant 0 : i32
    %eq3A_0 = arith.cmpi eq, %arg0, %eq3A : i32
    %mul3A = arith.constant 4 : i32
    %mul3A_1 = arith.muli %mul3A, %arg1 : i32
    %add3A = arith.constant 2 : i32
    %add3A_2 = arith.addi %mul3A_1, %add3A : i32
    %get3A = arith.index_cast %add3A_2 : i32 to index
    %get3A_3 = memref.load %arg2[%get3A] : memref<96xi32, #tpu.memory_space<smem>>
    %jit3A = arith.constant 0 : i32
    %select_n3A = arith.select %eq3A_0, %get3A_3, %jit3A : i32
    %c0_i32 = arith.constant 0 : i32
    %c0_i32_4 = arith.constant 0 : i32
    %c0_i32_5 = arith.constant 0 : i32
    return %select_n3A, %c0_i32, %c0_i32_4 : i32, i32, i32
  }
  func.func @transform_19(%arg0: i32, %arg1: i32, %arg2: memref<96xi32, #tpu.memory_space<smem>>, %arg3: memref<96xi32, #tpu.memory_space<smem>>, %arg4: memref<96xi32, #tpu.memory_space<smem>>, %arg5: memref<1xi32, #tpu.memory_space<smem>>) -> (i32, i32, i32) {
    %eq3A = arith.constant 0 : i32
    %eq3A_0 = arith.cmpi eq, %arg0, %eq3A : i32
    %mul3A = arith.constant 4 : i32
    %mul3A_1 = arith.muli %mul3A, %arg1 : i32
    %add3A = arith.constant 2 : i32
    %add3A_2 = arith.addi %mul3A_1, %add3A : i32
    %get3A = arith.index_cast %add3A_2 : i32 to index
    %get3A_3 = memref.load %arg2[%get3A] : memref<96xi32, #tpu.memory_space<smem>>
    %jit3A = arith.constant 0 : i32
    %select_n3A = arith.select %eq3A_0, %get3A_3, %jit3A : i32
    %c0_i32 = arith.constant 0 : i32
    %c0_i32_4 = arith.constant 0 : i32
    %c0_i32_5 = arith.constant 0 : i32
    return %select_n3A, %c0_i32, %c0_i32_4 : i32, i32, i32
  }
  func.func @transform_20(%arg0: i32, %arg1: i32, %arg2: memref<96xi32, #tpu.memory_space<smem>>, %arg3: memref<96xi32, #tpu.memory_space<smem>>, %arg4: memref<96xi32, #tpu.memory_space<smem>>, %arg5: memref<1xi32, #tpu.memory_space<smem>>) -> (i32, i32, i32) {
    %eq3A = arith.constant 0 : i32
    %eq3A_0 = arith.cmpi eq, %arg0, %eq3A : i32
    %mul3A = arith.constant 4 : i32
    %mul3A_1 = arith.muli %mul3A, %arg1 : i32
    %add3A = arith.constant 2 : i32
    %add3A_2 = arith.addi %mul3A_1, %add3A : i32
    %get3A = arith.index_cast %add3A_2 : i32 to index
    %get3A_3 = memref.load %arg2[%get3A] : memref<96xi32, #tpu.memory_space<smem>>
    %jit3A = arith.constant 0 : i32
    %select_n3A = arith.select %eq3A_0, %get3A_3, %jit3A : i32
    %c0_i32 = arith.constant 0 : i32
    %c0_i32_4 = arith.constant 0 : i32
    %c0_i32_5 = arith.constant 0 : i32
    return %select_n3A, %c0_i32, %c0_i32_4 : i32, i32, i32
  }
  func.func @transform_21(%arg0: i32, %arg1: i32, %arg2: memref<96xi32, #tpu.memory_space<smem>>, %arg3: memref<96xi32, #tpu.memory_space<smem>>, %arg4: memref<96xi32, #tpu.memory_space<smem>>, %arg5: memref<1xi32, #tpu.memory_space<smem>>) -> (i32, i32, i32) {
    %eq3A = arith.constant 0 : i32
    %eq3A_0 = arith.cmpi eq, %arg0, %eq3A : i32
    %mul3A = arith.constant 4 : i32
    %mul3A_1 = arith.muli %mul3A, %arg1 : i32
    %add3A = arith.constant 2 : i32
    %add3A_2 = arith.addi %mul3A_1, %add3A : i32
    %get3A = arith.index_cast %add3A_2 : i32 to index
    %get3A_3 = memref.load %arg2[%get3A] : memref<96xi32, #tpu.memory_space<smem>>
    %jit3A = arith.constant 0 : i32
    %select_n3A = arith.select %eq3A_0, %get3A_3, %jit3A : i32
    %c0_i32 = arith.constant 0 : i32
    %c0_i32_4 = arith.constant 0 : i32
    %c0_i32_5 = arith.constant 0 : i32
    return %select_n3A, %c0_i32, %c0_i32_4 : i32, i32, i32
  }
  func.func @transform_22(%arg0: i32, %arg1: i32, %arg2: memref<96xi32, #tpu.memory_space<smem>>, %arg3: memref<96xi32, #tpu.memory_space<smem>>, %arg4: memref<96xi32, #tpu.memory_space<smem>>, %arg5: memref<1xi32, #tpu.memory_space<smem>>) -> (i32, i32, i32) {
    %eq3A = arith.constant 0 : i32
    %eq3A_0 = arith.cmpi eq, %arg0, %eq3A : i32
    %mul3A = arith.constant 4 : i32
    %mul3A_1 = arith.muli %mul3A, %arg1 : i32
    %add3A = arith.constant 2 : i32
    %add3A_2 = arith.addi %mul3A_1, %add3A : i32
    %get3A = arith.index_cast %add3A_2 : i32 to index
    %get3A_3 = memref.load %arg2[%get3A] : memref<96xi32, #tpu.memory_space<smem>>
    %jit3A = arith.constant 0 : i32
    %select_n3A = arith.select %eq3A_0, %get3A_3, %jit3A : i32
    %c0_i32 = arith.constant 0 : i32
    %c0_i32_4 = arith.constant 0 : i32
    %c0_i32_5 = arith.constant 0 : i32
    return %select_n3A, %c0_i32, %c0_i32_4 : i32, i32, i32
  }
  func.func @transform_23(%arg0: i32, %arg1: i32, %arg2: memref<96xi32, #tpu.memory_space<smem>>, %arg3: memref<96xi32, #tpu.memory_space<smem>>, %arg4: memref<96xi32, #tpu.memory_space<smem>>, %arg5: memref<1xi32, #tpu.memory_space<smem>>) -> (i32, i32, i32) {
    %eq3A = arith.constant 0 : i32
    %eq3A_0 = arith.cmpi eq, %arg0, %eq3A : i32
    %mul3A = arith.constant 4 : i32
    %mul3A_1 = arith.muli %mul3A, %arg1 : i32
    %add3A = arith.constant 2 : i32
    %add3A_2 = arith.addi %mul3A_1, %add3A : i32
    %get3A = arith.index_cast %add3A_2 : i32 to index
    %get3A_3 = memref.load %arg2[%get3A] : memref<96xi32, #tpu.memory_space<smem>>
    %jit3A = arith.constant 0 : i32
    %select_n3A = arith.select %eq3A_0, %get3A_3, %jit3A : i32
    %c0_i32 = arith.constant 0 : i32
    %c0_i32_4 = arith.constant 0 : i32
    %c0_i32_5 = arith.constant 0 : i32
    return %select_n3A, %c0_i32, %c0_i32_4 : i32, i32, i32
  }
  func.func @transform_24(%arg0: i32, %arg1: i32, %arg2: memref<96xi32, #tpu.memory_space<smem>>, %arg3: memref<96xi32, #tpu.memory_space<smem>>, %arg4: memref<96xi32, #tpu.memory_space<smem>>, %arg5: memref<1xi32, #tpu.memory_space<smem>>) -> (i32, i32, i32) {
    %eq3A = arith.constant 0 : i32
    %eq3A_0 = arith.cmpi eq, %arg0, %eq3A : i32
    %mul3A = arith.constant 4 : i32
    %mul3A_1 = arith.muli %mul3A, %arg1 : i32
    %add3A = arith.constant 2 : i32
    %add3A_2 = arith.addi %mul3A_1, %add3A : i32
    %get3A = arith.index_cast %add3A_2 : i32 to index
    %get3A_3 = memref.load %arg2[%get3A] : memref<96xi32, #tpu.memory_space<smem>>
    %jit3A = arith.constant 0 : i32
    %select_n3A = arith.select %eq3A_0, %get3A_3, %jit3A : i32
    %c0_i32 = arith.constant 0 : i32
    %c0_i32_4 = arith.constant 0 : i32
    %c0_i32_5 = arith.constant 0 : i32
    return %select_n3A, %c0_i32, %c0_i32_4 : i32, i32, i32
  }
  func.func @transform_25(%arg0: i32, %arg1: i32, %arg2: memref<96xi32, #tpu.memory_space<smem>>, %arg3: memref<96xi32, #tpu.memory_space<smem>>, %arg4: memref<96xi32, #tpu.memory_space<smem>>, %arg5: memref<1xi32, #tpu.memory_space<smem>>) -> (i32, i32, i32) {
    %eq3A = arith.constant 0 : i32
    %eq3A_0 = arith.cmpi eq, %arg0, %eq3A : i32
    %mul3A = arith.constant 4 : i32
    %mul3A_1 = arith.muli %mul3A, %arg1 : i32
    %add3A = arith.constant 2 : i32
    %add3A_2 = arith.addi %mul3A_1, %add3A : i32
    %get3A = arith.index_cast %add3A_2 : i32 to index
    %get3A_3 = memref.load %arg2[%get3A] : memref<96xi32, #tpu.memory_space<smem>>
    %jit3A = arith.constant 0 : i32
    %select_n3A = arith.select %eq3A_0, %get3A_3, %jit3A : i32
    %c0_i32 = arith.constant 0 : i32
    %c0_i32_4 = arith.constant 0 : i32
    %c0_i32_5 = arith.constant 0 : i32
    return %select_n3A, %c0_i32, %c0_i32_4 : i32, i32, i32
  }
  func.func @transform_26(%arg0: i32, %arg1: i32, %arg2: memref<96xi32, #tpu.memory_space<smem>>, %arg3: memref<96xi32, #tpu.memory_space<smem>>, %arg4: memref<96xi32, #tpu.memory_space<smem>>, %arg5: memref<1xi32, #tpu.memory_space<smem>>) -> (i32, i32, i32) {
    %eq3A = arith.constant 0 : i32
    %eq3A_0 = arith.cmpi eq, %arg0, %eq3A : i32
    %mul3A = arith.constant 4 : i32
    %mul3A_1 = arith.muli %mul3A, %arg1 : i32
    %add3A = arith.constant 3 : i32
    %add3A_2 = arith.addi %mul3A_1, %add3A : i32
    %get3A = arith.index_cast %add3A_2 : i32 to index
    %get3A_3 = memref.load %arg2[%get3A] : memref<96xi32, #tpu.memory_space<smem>>
    %jit3A = arith.constant 0 : i32
    %select_n3A = arith.select %eq3A_0, %get3A_3, %jit3A : i32
    %c0_i32 = arith.constant 0 : i32
    %c0_i32_4 = arith.constant 0 : i32
    %c0_i32_5 = arith.constant 0 : i32
    return %select_n3A, %c0_i32, %c0_i32_4 : i32, i32, i32
  }
  func.func @transform_27(%arg0: i32, %arg1: i32, %arg2: memref<96xi32, #tpu.memory_space<smem>>, %arg3: memref<96xi32, #tpu.memory_space<smem>>, %arg4: memref<96xi32, #tpu.memory_space<smem>>, %arg5: memref<1xi32, #tpu.memory_space<smem>>) -> (i32, i32, i32) {
    %eq3A = arith.constant 0 : i32
    %eq3A_0 = arith.cmpi eq, %arg0, %eq3A : i32
    %mul3A = arith.constant 4 : i32
    %mul3A_1 = arith.muli %mul3A, %arg1 : i32
    %add3A = arith.constant 3 : i32
    %add3A_2 = arith.addi %mul3A_1, %add3A : i32
    %get3A = arith.index_cast %add3A_2 : i32 to index
    %get3A_3 = memref.load %arg2[%get3A] : memref<96xi32, #tpu.memory_space<smem>>
    %jit3A = arith.constant 0 : i32
    %select_n3A = arith.select %eq3A_0, %get3A_3, %jit3A : i32
    %c0_i32 = arith.constant 0 : i32
    %c0_i32_4 = arith.constant 0 : i32
    %c0_i32_5 = arith.constant 0 : i32
    return %select_n3A, %c0_i32, %c0_i32_4 : i32, i32, i32
  }
  func.func @transform_28(%arg0: i32, %arg1: i32, %arg2: memref<96xi32, #tpu.memory_space<smem>>, %arg3: memref<96xi32, #tpu.memory_space<smem>>, %arg4: memref<96xi32, #tpu.memory_space<smem>>, %arg5: memref<1xi32, #tpu.memory_space<smem>>) -> (i32, i32, i32) {
    %eq3A = arith.constant 0 : i32
    %eq3A_0 = arith.cmpi eq, %arg0, %eq3A : i32
    %mul3A = arith.constant 4 : i32
    %mul3A_1 = arith.muli %mul3A, %arg1 : i32
    %add3A = arith.constant 3 : i32
    %add3A_2 = arith.addi %mul3A_1, %add3A : i32
    %get3A = arith.index_cast %add3A_2 : i32 to index
    %get3A_3 = memref.load %arg2[%get3A] : memref<96xi32, #tpu.memory_space<smem>>
    %jit3A = arith.constant 0 : i32
    %select_n3A = arith.select %eq3A_0, %get3A_3, %jit3A : i32
    %c0_i32 = arith.constant 0 : i32
    %c0_i32_4 = arith.constant 0 : i32
    %c0_i32_5 = arith.constant 0 : i32
    return %select_n3A, %c0_i32, %c0_i32_4 : i32, i32, i32
  }
  func.func @transform_29(%arg0: i32, %arg1: i32, %arg2: memref<96xi32, #tpu.memory_space<smem>>, %arg3: memref<96xi32, #tpu.memory_space<smem>>, %arg4: memref<96xi32, #tpu.memory_space<smem>>, %arg5: memref<1xi32, #tpu.memory_space<smem>>) -> (i32, i32, i32) {
    %eq3A = arith.constant 0 : i32
    %eq3A_0 = arith.cmpi eq, %arg0, %eq3A : i32
    %mul3A = arith.constant 4 : i32
    %mul3A_1 = arith.muli %mul3A, %arg1 : i32
    %add3A = arith.constant 3 : i32
    %add3A_2 = arith.addi %mul3A_1, %add3A : i32
    %get3A = arith.index_cast %add3A_2 : i32 to index
    %get3A_3 = memref.load %arg2[%get3A] : memref<96xi32, #tpu.memory_space<smem>>
    %jit3A = arith.constant 0 : i32
    %select_n3A = arith.select %eq3A_0, %get3A_3, %jit3A : i32
    %c0_i32 = arith.constant 0 : i32
    %c0_i32_4 = arith.constant 0 : i32
    %c0_i32_5 = arith.constant 0 : i32
    return %select_n3A, %c0_i32, %c0_i32_4 : i32, i32, i32
  }
  func.func @transform_30(%arg0: i32, %arg1: i32, %arg2: memref<96xi32, #tpu.memory_space<smem>>, %arg3: memref<96xi32, #tpu.memory_space<smem>>, %arg4: memref<96xi32, #tpu.memory_space<smem>>, %arg5: memref<1xi32, #tpu.memory_space<smem>>) -> (i32, i32, i32) {
    %eq3A = arith.constant 0 : i32
    %eq3A_0 = arith.cmpi eq, %arg0, %eq3A : i32
    %mul3A = arith.constant 4 : i32
    %mul3A_1 = arith.muli %mul3A, %arg1 : i32
    %add3A = arith.constant 3 : i32
    %add3A_2 = arith.addi %mul3A_1, %add3A : i32
    %get3A = arith.index_cast %add3A_2 : i32 to index
    %get3A_3 = memref.load %arg2[%get3A] : memref<96xi32, #tpu.memory_space<smem>>
    %jit3A = arith.constant 0 : i32
    %select_n3A = arith.select %eq3A_0, %get3A_3, %jit3A : i32
    %c0_i32 = arith.constant 0 : i32
    %c0_i32_4 = arith.constant 0 : i32
    %c0_i32_5 = arith.constant 0 : i32
    return %select_n3A, %c0_i32, %c0_i32_4 : i32, i32, i32
  }
  func.func @transform_31(%arg0: i32, %arg1: i32, %arg2: memref<96xi32, #tpu.memory_space<smem>>, %arg3: memref<96xi32, #tpu.memory_space<smem>>, %arg4: memref<96xi32, #tpu.memory_space<smem>>, %arg5: memref<1xi32, #tpu.memory_space<smem>>) -> (i32, i32, i32) {
    %eq3A = arith.constant 0 : i32
    %eq3A_0 = arith.cmpi eq, %arg0, %eq3A : i32
    %mul3A = arith.constant 4 : i32
    %mul3A_1 = arith.muli %mul3A, %arg1 : i32
    %add3A = arith.constant 3 : i32
    %add3A_2 = arith.addi %mul3A_1, %add3A : i32
    %get3A = arith.index_cast %add3A_2 : i32 to index
    %get3A_3 = memref.load %arg2[%get3A] : memref<96xi32, #tpu.memory_space<smem>>
    %jit3A = arith.constant 0 : i32
    %select_n3A = arith.select %eq3A_0, %get3A_3, %jit3A : i32
    %c0_i32 = arith.constant 0 : i32
    %c0_i32_4 = arith.constant 0 : i32
    %c0_i32_5 = arith.constant 0 : i32
    return %select_n3A, %c0_i32, %c0_i32_4 : i32, i32, i32
  }
  func.func @transform_32(%arg0: i32, %arg1: i32, %arg2: memref<96xi32, #tpu.memory_space<smem>>, %arg3: memref<96xi32, #tpu.memory_space<smem>>, %arg4: memref<96xi32, #tpu.memory_space<smem>>, %arg5: memref<1xi32, #tpu.memory_space<smem>>) -> (i32, i32, i32) {
    %eq3A = arith.constant 0 : i32
    %eq3A_0 = arith.cmpi eq, %arg0, %eq3A : i32
    %mul3A = arith.constant 4 : i32
    %mul3A_1 = arith.muli %mul3A, %arg1 : i32
    %add3A = arith.constant 3 : i32
    %add3A_2 = arith.addi %mul3A_1, %add3A : i32
    %get3A = arith.index_cast %add3A_2 : i32 to index
    %get3A_3 = memref.load %arg2[%get3A] : memref<96xi32, #tpu.memory_space<smem>>
    %jit3A = arith.constant 0 : i32
    %select_n3A = arith.select %eq3A_0, %get3A_3, %jit3A : i32
    %c0_i32 = arith.constant 0 : i32
    %c0_i32_4 = arith.constant 0 : i32
    %c0_i32_5 = arith.constant 0 : i32
    return %select_n3A, %c0_i32, %c0_i32_4 : i32, i32, i32
  }
  func.func @transform_33(%arg0: i32, %arg1: i32, %arg2: memref<96xi32, #tpu.memory_space<smem>>, %arg3: memref<96xi32, #tpu.memory_space<smem>>, %arg4: memref<96xi32, #tpu.memory_space<smem>>, %arg5: memref<1xi32, #tpu.memory_space<smem>>) -> (i32, i32, i32) {
    %eq3A = arith.constant 0 : i32
    %eq3A_0 = arith.cmpi eq, %arg0, %eq3A : i32
    %mul3A = arith.constant 4 : i32
    %mul3A_1 = arith.muli %mul3A, %arg1 : i32
    %add3A = arith.constant 3 : i32
    %add3A_2 = arith.addi %mul3A_1, %add3A : i32
    %get3A = arith.index_cast %add3A_2 : i32 to index
    %get3A_3 = memref.load %arg2[%get3A] : memref<96xi32, #tpu.memory_space<smem>>
    %jit3A = arith.constant 0 : i32
    %select_n3A = arith.select %eq3A_0, %get3A_3, %jit3A : i32
    %c0_i32 = arith.constant 0 : i32
    %c0_i32_4 = arith.constant 0 : i32
    %c0_i32_5 = arith.constant 0 : i32
    return %select_n3A, %c0_i32, %c0_i32_4 : i32, i32, i32
  }
  func.func @transform_34(%arg0: i32, %arg1: i32, %arg2: memref<96xi32, #tpu.memory_space<smem>>, %arg3: memref<96xi32, #tpu.memory_space<smem>>, %arg4: memref<96xi32, #tpu.memory_space<smem>>, %arg5: memref<1xi32, #tpu.memory_space<smem>>) -> (i32, i32, i32) {
    %eq3A = arith.constant 1 : i32
    %eq3A_0 = arith.cmpi eq, %arg0, %eq3A : i32
    %mul3A = arith.constant 4 : i32
    %mul3A_1 = arith.muli %mul3A, %arg1 : i32
    %add3A = arith.constant 0 : i32
    %add3A_2 = arith.addi %mul3A_1, %add3A : i32
    %get3A = arith.index_cast %add3A_2 : i32 to index
    %get3A_3 = memref.load %arg2[%get3A] : memref<96xi32, #tpu.memory_space<smem>>
    %jit3A = arith.constant 0 : i32
    %select_n3A = arith.select %eq3A_0, %get3A_3, %jit3A : i32
    %c0_i32 = arith.constant 0 : i32
    %c0_i32_4 = arith.constant 0 : i32
    %c0_i32_5 = arith.constant 0 : i32
    return %select_n3A, %c0_i32, %c0_i32_4 : i32, i32, i32
  }
  func.func @transform_35(%arg0: i32, %arg1: i32, %arg2: memref<96xi32, #tpu.memory_space<smem>>, %arg3: memref<96xi32, #tpu.memory_space<smem>>, %arg4: memref<96xi32, #tpu.memory_space<smem>>, %arg5: memref<1xi32, #tpu.memory_space<smem>>) -> (i32, i32, i32) {
    %eq3A = arith.constant 1 : i32
    %eq3A_0 = arith.cmpi eq, %arg0, %eq3A : i32
    %mul3A = arith.constant 4 : i32
    %mul3A_1 = arith.muli %mul3A, %arg1 : i32
    %add3A = arith.constant 0 : i32
    %add3A_2 = arith.addi %mul3A_1, %add3A : i32
    %get3A = arith.index_cast %add3A_2 : i32 to index
    %get3A_3 = memref.load %arg2[%get3A] : memref<96xi32, #tpu.memory_space<smem>>
    %jit3A = arith.constant 0 : i32
    %select_n3A = arith.select %eq3A_0, %get3A_3, %jit3A : i32
    %c0_i32 = arith.constant 0 : i32
    %c0_i32_4 = arith.constant 0 : i32
    %c0_i32_5 = arith.constant 0 : i32
    return %select_n3A, %c0_i32, %c0_i32_4 : i32, i32, i32
  }
  func.func @transform_36(%arg0: i32, %arg1: i32, %arg2: memref<96xi32, #tpu.memory_space<smem>>, %arg3: memref<96xi32, #tpu.memory_space<smem>>, %arg4: memref<96xi32, #tpu.memory_space<smem>>, %arg5: memref<1xi32, #tpu.memory_space<smem>>) -> (i32, i32, i32) {
    %eq3A = arith.constant 1 : i32
    %eq3A_0 = arith.cmpi eq, %arg0, %eq3A : i32
    %mul3A = arith.constant 4 : i32
    %mul3A_1 = arith.muli %mul3A, %arg1 : i32
    %add3A = arith.constant 1 : i32
    %add3A_2 = arith.addi %mul3A_1, %add3A : i32
    %get3A = arith.index_cast %add3A_2 : i32 to index
    %get3A_3 = memref.load %arg2[%get3A] : memref<96xi32, #tpu.memory_space<smem>>
    %jit3A = arith.constant 0 : i32
    %select_n3A = arith.select %eq3A_0, %get3A_3, %jit3A : i32
    %c0_i32 = arith.constant 0 : i32
    %c0_i32_4 = arith.constant 0 : i32
    %c0_i32_5 = arith.constant 0 : i32
    return %select_n3A, %c0_i32, %c0_i32_4 : i32, i32, i32
  }
  func.func @transform_37(%arg0: i32, %arg1: i32, %arg2: memref<96xi32, #tpu.memory_space<smem>>, %arg3: memref<96xi32, #tpu.memory_space<smem>>, %arg4: memref<96xi32, #tpu.memory_space<smem>>, %arg5: memref<1xi32, #tpu.memory_space<smem>>) -> (i32, i32, i32) {
    %eq3A = arith.constant 1 : i32
    %eq3A_0 = arith.cmpi eq, %arg0, %eq3A : i32
    %mul3A = arith.constant 4 : i32
    %mul3A_1 = arith.muli %mul3A, %arg1 : i32
    %add3A = arith.constant 1 : i32
    %add3A_2 = arith.addi %mul3A_1, %add3A : i32
    %get3A = arith.index_cast %add3A_2 : i32 to index
    %get3A_3 = memref.load %arg2[%get3A] : memref<96xi32, #tpu.memory_space<smem>>
    %jit3A = arith.constant 0 : i32
    %select_n3A = arith.select %eq3A_0, %get3A_3, %jit3A : i32
    %c0_i32 = arith.constant 0 : i32
    %c0_i32_4 = arith.constant 0 : i32
    %c0_i32_5 = arith.constant 0 : i32
    return %select_n3A, %c0_i32, %c0_i32_4 : i32, i32, i32
  }
  func.func @transform_38(%arg0: i32, %arg1: i32, %arg2: memref<96xi32, #tpu.memory_space<smem>>, %arg3: memref<96xi32, #tpu.memory_space<smem>>, %arg4: memref<96xi32, #tpu.memory_space<smem>>, %arg5: memref<1xi32, #tpu.memory_space<smem>>) -> (i32, i32, i32) {
    %eq3A = arith.constant 1 : i32
    %eq3A_0 = arith.cmpi eq, %arg0, %eq3A : i32
    %mul3A = arith.constant 4 : i32
    %mul3A_1 = arith.muli %mul3A, %arg1 : i32
    %add3A = arith.constant 2 : i32
    %add3A_2 = arith.addi %mul3A_1, %add3A : i32
    %get3A = arith.index_cast %add3A_2 : i32 to index
    %get3A_3 = memref.load %arg2[%get3A] : memref<96xi32, #tpu.memory_space<smem>>
    %jit3A = arith.constant 0 : i32
    %select_n3A = arith.select %eq3A_0, %get3A_3, %jit3A : i32
    %c0_i32 = arith.constant 0 : i32
    %c0_i32_4 = arith.constant 0 : i32
    %c0_i32_5 = arith.constant 0 : i32
    return %select_n3A, %c0_i32, %c0_i32_4 : i32, i32, i32
  }
  func.func @transform_39(%arg0: i32, %arg1: i32, %arg2: memref<96xi32, #tpu.memory_space<smem>>, %arg3: memref<96xi32, #tpu.memory_space<smem>>, %arg4: memref<96xi32, #tpu.memory_space<smem>>, %arg5: memref<1xi32, #tpu.memory_space<smem>>) -> (i32, i32, i32) {
    %eq3A = arith.constant 1 : i32
    %eq3A_0 = arith.cmpi eq, %arg0, %eq3A : i32
    %mul3A = arith.constant 4 : i32
    %mul3A_1 = arith.muli %mul3A, %arg1 : i32
    %add3A = arith.constant 2 : i32
    %add3A_2 = arith.addi %mul3A_1, %add3A : i32
    %get3A = arith.index_cast %add3A_2 : i32 to index
    %get3A_3 = memref.load %arg2[%get3A] : memref<96xi32, #tpu.memory_space<smem>>
    %jit3A = arith.constant 0 : i32
    %select_n3A = arith.select %eq3A_0, %get3A_3, %jit3A : i32
    %c0_i32 = arith.constant 0 : i32
    %c0_i32_4 = arith.constant 0 : i32
    %c0_i32_5 = arith.constant 0 : i32
    return %select_n3A, %c0_i32, %c0_i32_4 : i32, i32, i32
  }
  func.func @transform_40(%arg0: i32, %arg1: i32, %arg2: memref<96xi32, #tpu.memory_space<smem>>, %arg3: memref<96xi32, #tpu.memory_space<smem>>, %arg4: memref<96xi32, #tpu.memory_space<smem>>, %arg5: memref<1xi32, #tpu.memory_space<smem>>) -> (i32, i32, i32) {
    %eq3A = arith.constant 1 : i32
    %eq3A_0 = arith.cmpi eq, %arg0, %eq3A : i32
    %mul3A = arith.constant 4 : i32
    %mul3A_1 = arith.muli %mul3A, %arg1 : i32
    %add3A = arith.constant 3 : i32
    %add3A_2 = arith.addi %mul3A_1, %add3A : i32
    %get3A = arith.index_cast %add3A_2 : i32 to index
    %get3A_3 = memref.load %arg2[%get3A] : memref<96xi32, #tpu.memory_space<smem>>
    %jit3A = arith.constant 0 : i32
    %select_n3A = arith.select %eq3A_0, %get3A_3, %jit3A : i32
    %c0_i32 = arith.constant 0 : i32
    %c0_i32_4 = arith.constant 0 : i32
    %c0_i32_5 = arith.constant 0 : i32
    return %select_n3A, %c0_i32, %c0_i32_4 : i32, i32, i32
  }
  func.func @transform_41(%arg0: i32, %arg1: i32, %arg2: memref<96xi32, #tpu.memory_space<smem>>, %arg3: memref<96xi32, #tpu.memory_space<smem>>, %arg4: memref<96xi32, #tpu.memory_space<smem>>, %arg5: memref<1xi32, #tpu.memory_space<smem>>) -> (i32, i32, i32) {
    %eq3A = arith.constant 1 : i32
    %eq3A_0 = arith.cmpi eq, %arg0, %eq3A : i32
    %mul3A = arith.constant 4 : i32
    %mul3A_1 = arith.muli %mul3A, %arg1 : i32
    %add3A = arith.constant 3 : i32
    %add3A_2 = arith.addi %mul3A_1, %add3A : i32
    %get3A = arith.index_cast %add3A_2 : i32 to index
    %get3A_3 = memref.load %arg2[%get3A] : memref<96xi32, #tpu.memory_space<smem>>
    %jit3A = arith.constant 0 : i32
    %select_n3A = arith.select %eq3A_0, %get3A_3, %jit3A : i32
    %c0_i32 = arith.constant 0 : i32
    %c0_i32_4 = arith.constant 0 : i32
    %c0_i32_5 = arith.constant 0 : i32
    return %select_n3A, %c0_i32, %c0_i32_4 : i32, i32, i32
  }
  func.func @transform_42(%arg0: i32, %arg1: i32, %arg2: memref<96xi32, #tpu.memory_space<smem>>, %arg3: memref<96xi32, #tpu.memory_space<smem>>, %arg4: memref<96xi32, #tpu.memory_space<smem>>, %arg5: memref<1xi32, #tpu.memory_space<smem>>) -> (i32, i32, i32) {
    %c0_i32 = arith.constant 0 : i32
    %c0_i32_0 = arith.constant 0 : i32
    %c0_i32_1 = arith.constant 0 : i32
    %c0_i32_2 = arith.constant 0 : i32
    return %c0_i32, %c0_i32_0, %c0_i32_1 : i32, i32, i32
  }
  func.func @transform_43(%arg0: i32, %arg1: i32, %arg2: memref<96xi32, #tpu.memory_space<smem>>, %arg3: memref<96xi32, #tpu.memory_space<smem>>, %arg4: memref<96xi32, #tpu.memory_space<smem>>, %arg5: memref<1xi32, #tpu.memory_space<smem>>) -> (i32, i32, i32) {
    %c0_i32 = arith.constant 0 : i32
    %c0_i32_0 = arith.constant 0 : i32
    %c0_i32_1 = arith.constant 0 : i32
    %c0_i32_2 = arith.constant 0 : i32
    return %c0_i32, %c0_i32_0, %c0_i32_1 : i32, i32, i32
  }
  func.func @transform_44(%arg0: i32, %arg1: i32, %arg2: memref<96xi32, #tpu.memory_space<smem>>, %arg3: memref<96xi32, #tpu.memory_space<smem>>, %arg4: memref<96xi32, #tpu.memory_space<smem>>, %arg5: memref<1xi32, #tpu.memory_space<smem>>) -> (i32, i32) {
    %eq3A = arith.constant 1 : i32
    %eq3A_0 = arith.cmpi eq, %arg0, %eq3A : i32
    %mul3A = arith.constant 4 : i32
    %mul3A_1 = arith.muli %mul3A, %arg1 : i32
    %get3A = arith.constant 0 : index
    %get3A_2 = memref.load %arg5[%get3A] : memref<1xi32, #tpu.memory_space<smem>>
    %lt3A = arith.cmpi slt, %mul3A_1, %get3A_2 : i32
    %and3A = arith.andi %eq3A_0, %lt3A : i1
    %jit3A = arith.constant 23 : i32
    %select_n3A = arith.select %and3A, %arg1, %jit3A : i32
    %c0_i32 = arith.constant 0 : i32
    %c0_i32_3 = arith.constant 0 : i32
    return %select_n3A, %c0_i32 : i32, i32
  }
}

</mosaic_0001>

<sc_bundles>
// kernel: kernel.6.cloned.1.call-start
scs
__scs_entry_jumppad:
0x0: {  	(pc) =	sbr.rel $0x88, $3  }
0x1: {  	(tag) =	ssettag $0x0;
	lr =	simm.s32 $0x1  }
0x2: {  	[smem:$0x3F95] =	sst lr;
	_ =	strace $0xD0000000  }
0x3: {  	_ = 	snop  }
0x4: {  	_ = 	snop  }
0x5: {  	_ = 	snop  }
0x6: {  	_ = 	snop  }
0x7: {  	_ = 	snop  }
__scs_overlays_trampoline_lowered:
0x8: {  	[smem:$0x3FA4] =	sst s0  }
0x9: {  	[smem:$0x3FA5] =	sst s1  }
0xa: {  	[smem:$0x3FA6] =	sst s2  }
0xb: {  	[smem:$0x3FA7] =	sst s3  }
0xc: {  	[smem:$0x3FA8] =	sst s4  }
0xd: {  	[smem:$0x3FA9] =	sst s5  }
0xe: {  	[smem:$0x3FAA] =	sst s6  }
0xf: {  	[smem:$0x3FAB] =	sst s7  }
0x10: {  	[smem:$0x3FAC] =	sst s8  }
0x11: {  	[smem:$0x3FAD] =	sst s9;
	s0 =	simm.s32 @!p0 $0x0  }
0x12: {  	s1 =	sld [smem:$0x3F93];
	s0 =	simm.s32 @p0 $0x1  }
0x13: {  	[smem:$0x3FAE] =	sst s0;
	s0 =	simm.s32 @!p1 $0x0  }
0x14: {  	s2 =	sld [smem:$0x3F92];
	s0 =	simm.s32 @p1 $0x1  }
0x15: {  	[smem:$0x3FAF] =	sst s0;
	s0 =	simm.s32 @!p2 $0x0  }
0x16: {  	s3 =	sld [smem:$0x3FDB];
	s0 =	simm.s32 @p2 $0x1  }
0x17: {  	s4 =	simm.s32 $0x1BF5;
	[smem:$0x3FB1] =	sst s0  }
0x18: {  	s0 =	sld [smem:$0x3F94];
	_ =	swait.ge [sflag:s4], $0x0  }
0x19: {  	s7 =	sld [smem:$0x3F95]  }
0x1a: {  	s8 =	sadd.s32 $0xFFFFE003, lr  }
0x1b: {  	s9 =	sadd.s32 $0xFFFFFEF7, lr;
	s5 =	simm.s32 $0xFFFFFFFF;
	p2 =	slt.u32 s8, $0xFFFFF086  }
0x1c: {  	p1 =	slt.u32 s9, $0xF7A;
	s5 =	simm.s32 @!p2 $0x0  }
0x1d: {  	s5 =	simm.s32 @p1 $0x1;
	p0 =	seq.s32 s7, s2  }
0x1e: {  	s7 =	smul.u32 @!p0 $0xF7A, s2;
	p2 =	seq.s32 @!p0 s5, $0x0  }
0x1f: {  	s9 =	smul.u32 $0xF7A, s1;
	s8 =	simm.s32 @!p0 $0x1BF5;
	p2 =	por !p2, p0  }
0x20: {  	[sflag:s8] =	ssyncset.s32 @!p0 $0xFFFFF086;
	s6 =	sadd.s32 @!p0 s3, s7;
	s7 =	simm.s32 @!p0 $0x108  }
0x21: {  	s3 =	sadd.s32 s3, s9;
	s6 =	sadd.s32 @!p0 $0x88, s6;
	s7 =	simm.s32 @p2 $0x1082  }
0x22: {  	[simem:s7], [sflag:s8] =	dma.local @!p0 [hbm:s6], $0xF7A  }
0x23: {  	s9 =	sor.u32 $0xD0000000, s2;
	s6 =	simm.s32 $0x108;
	_ =	swait.ge @!p0 [sflag:s8], $0x0  }
0x24: {  	s3 =	sadd.s32 $0x88, s3;
	s6 =	simm.s32 @!p1 $0x1082;
	[sflag:s4] =	ssyncset.s32 $0xFFFFF086  }
0x25: {  	[simem:s6], [sflag:s4] =	dma.local [hbm:s3], $0xF7A  }
0x26: {  	[smem:$0x3F95] =	sst s1;
	(tag) =	ssettag s2;
	_ =	strace s9  }
0x27: {  	s1 =	sld [smem:$0x3FA5]  }
0x28: {  	s2 =	sld [smem:$0x3FA6]  }
0x29: {  	s4 =	sld [smem:$0x3FA8]  }
0x2a: {  	p0 =	seq.s32 s5, $0x0;
	s5 =	sld [smem:$0x3FA9]  }
0x2b: {  	s6 =	sld [smem:$0x3FAA]  }
0x2c: {  	s7 =	sld [smem:$0x3FAB]  }
0x2d: {  	s3 =	simm.s32 $0x108;
	s8 =	sld [smem:$0x3FAC]  }
0x2e: {  	s3 =	simm.s32 @!p0 $0x1082;
	s9 =	sld [smem:$0x3FAD]  }
0x2f: {  	lr =	sadd.s32 s0, s3;
	s0 =	sld [smem:$0x3FA4]  }
0x30: {  	s3 =	sld [smem:$0x3FA7]  }
0x31: {  	[smem:$0x3FB0] =	sst s10  }
0x32: {  	s10 =	sld [smem:$0x3FAE];
	_ =	sdelay $0x3  }
0x33: {  	p0 =	seq.s32 s10, $0x1;
	s10 =	sld [smem:$0x3FB0];
	_ =	sdelay $0x3  }
0x34: {  	[smem:$0x3FB0] =	sst s10  }
0x35: {  	s10 =	sld [smem:$0x3FAF];
	_ =	sdelay $0x3  }
0x36: {  	p1 =	seq.s32 s10, $0x1;
	s10 =	sld [smem:$0x3FB0];
	_ =	sdelay $0x3  }
0x37: {  	[smem:$0x3FB0] =	sst s10  }
0x38: {  	s10 =	sld [smem:$0x3FB1]  }
0x39: {  	_ = 	snop;
	(pc) =	sbr.ind lr, $3  }
0x3a: {  	_ = 	snop  }
0x3b: {  	_ = 	snop  }
0x3c: {  	p2 =	seq.s32 s10, $0x1;
	s10 =	sld [smem:$0x3FB0]  }
0x3d: {  	_ =	shalt  }
0x3e: {  	_ =	shalt  }
0x3f: {  	_ =	shalt  }
0x40: {  	_ =	shalt  }
0x41: {  	_ =	shalt  }
0x42: {  	_ =	shalt  }
0x43: {  	_ =	shalt  }
0x44: {  	_ =	shalt  }
0x45: {  	_ =	shalt  }
0x46: {  	_ =	shalt  }
0x47: {  	_ =	shalt  }
0x48: {  	_ =	shalt  }
0x49: {  	_ =	shalt  }
0x4a: {  	_ =	shalt  }
0x4b: {  	_ =	shalt  }
0x4c: {  	_ =	shalt  }
0x4d: {  	_ =	shalt  }
0x4e: {  	_ =	shalt  }
0x4f: {  	_ =	shalt  }
0x50: {  	_ =	shalt  }
0x51: {  	_ =	shalt  }
0x52: {  	_ =	shalt  }
0x53: {  	_ =	shalt  }
0x54: {  	_ =	shalt  }
0x55: {  	_ =	shalt  }
0x56: {  	_ =	shalt  }
0x57: {  	_ =	shalt  }
0x58: {  	_ =	shalt  }
0x59: {  	_ =	shalt  }
0x5a: {  	_ =	shalt  }
0x5b: {  	_ =	shalt  }
0x5c: {  	_ =	shalt  }
0x5d: {  	_ =	shalt  }
0x5e: {  	_ =	shalt  }
0x5f: {  	_ =	shalt  }
0x60: {  	_ =	shalt  }
0x61: {  	_ =	shalt  }
0x62: {  	_ =	shalt  }
0x63: {  	_ =	shalt  }
0x64: {  	_ =	shalt  }
0x65: {  	_ =	shalt  }
0x66: {  	_ =	shalt  }
0x67: {  	_ =	shalt  }
0x68: {  	_ =	shalt  }
0x69: {  	_ =	shalt  }
0x6a: {  	_ =	shalt  }
0x6b: {  	_ =	shalt  }
0x6c: {  	_ =	shalt  }
0x6d: {  	_ =	shalt  }
0x6e: {  	_ =	shalt  }
0x6f: {  	_ =	shalt  }
0x70: {  	_ =	shalt  }
0x71: {  	_ =	shalt  }
0x72: {  	_ =	shalt  }
0x73: {  	_ =	shalt  }
0x74: {  	_ =	shalt  }
0x75: {  	_ =	shalt  }
0x76: {  	_ =	shalt  }
0x77: {  	_ =	shalt  }
0x78: {  	_ =	shalt  }
0x79: {  	_ =	shalt  }
0x7a: {  	_ =	shalt  }
0x7b: {  	_ =	shalt  }
0x7c: {  	_ =	shalt  }
0x7d: {  	_ =	shalt  }
0x7e: {  	_ =	shalt  }
0x7f: {  	_ =	shalt  }
0x80: {  	_ =	shalt  }
0x81: {  	_ =	shalt  }
0x82: {  	_ =	shalt  }
0x83: {  	_ =	shalt  }
0x84: {  	_ =	shalt  }
0x85: {  	_ =	shalt  }
0x86: {  	_ =	shalt  }
0x87: {  	_ =	shalt  }
.Lfunc_end0:
.L_simem_size_0:
called_computation_lowered:
.L_overlay_start_0:
0x88: {  	s2 =	sld [smem:$0x3FD9]  }
0x89: {  	s3 =	sld [smem:$0x3FFE];
	_ =	sdelay $0x1  }
0x8a: {  	s1 =	srdreg.scid  }
0x8b: {  	s0 =	sand.u32 $0x1, s1  }
0x8c: {  	s14 =	sshll.u32 s0, $0xA;
	s2 =	sadd.s32 s3, s2  }
0x8d: {  	s2 =	sadd.s32 s2, s14  }
0x8e: {  	[smem:$0x3FBC] =	sst s2  }
0x8f: {  	_ = 	snop  }
0x90: {  	s2 =	sld [smem:$0x3FD0];
	_ =	sdelay $0x2  }
0x91: {  	s4 =	simm.s32 $0xA;
	s5 =	simm.s32 $0x10;
	s15 =	sld [smem:$0x3FC9]  }
0x92: {  	[smem:s5], [sflag:s4] =	dma.local [hbm:s2], $0x1  }
0x93: {  	_ =	swait.eq [sflag:s4], $0x1  }
0x94: {  	[sflag:s4] =	ssyncset.done $0x0  }
0x95: {  	s16 =	sld [smem:$0x10];
	[sflag:s4] =	ssyncadd.s32 $0xFFFFFFFF  }
0x96: {  	s17 =	sld [smem:$0x11];
	(tm) =	ssettm $0x1  }
0x97: {  	s18 =	sld [smem:$0x3FFB];
	_ =	sdelay $0x3  }
0x98: {  	_ =	strace s18  }
0x99: {  	s5 =	sld [smem:$0x3FFC];
	_ =	sdelay $0x3  }
0x9a: {  	_ =	strace s5  }
0x9b: {  	s5 =	sld [smem:$0x3FFD];
	_ =	sdelay $0x3  }
0x9c: {  	_ =	strace s5  }
0x9d: {  	_ =	strace $0x8FFFFFFF  }
0x9e: {  	s19 =	sld [smem:$0x3FDB];
	_ =	sdelay $0x1  }
0x9f: {  	s6 =	simm.s32 $_scs_section_size  }
0xa0: {  	s7 =	simm.s32 $_size__tile_overlayer_lowered;
	s8 =	simm.s32 $_tile_overlayer_lowered  }
0xa1: {  	s22 =	simm.s32 $0x1BFF;
	s21 =	sshll.u32 s8, $0x1;
	s5 =	sadd.s32 s6, s19  }
0xa2: {  	s9 =	simm.s32 $0x0;
	s20 =	sshll.u32 s7, $0x1;
	s7 =	sadd.s32 s21, s5  }
0xa3: {  	[timem:s9], [sflag:s22] =	dma.local [hbm:s7], s20  }
0xa4: {  	_ =	swait.ge [sflag:s22], s20  }
0xa5: {  	s6 =	ssub.s32 $0x0, s20;
	[sflag:s22] =	ssyncset.done $0x0  }
0xa6: {  	[sflag:s22] =	ssyncadd.s32 s6;
	_ =	sdelay $0x1  }
0xa7: {  	s23 =	simm.s32 $0x1B8B  }
0xa8: {  	_ =	swait.ge [sflag:s23], $0x1  }
0xa9: {  	[sflag:s23] =	ssyncset.done $0x0  }
0xaa: {  	s25 =	simm.s32 $0x1B8E;
	s24 =	sld [smem:$0x3FFE];
	[sflag:s23] =	ssyncadd.s32 $0xFFFFFFFF  }
0xab: {  	s26 =	simm.s32 $execute0_lowered;
	[smem:$0x3FD2] =	sst s25  }
0xac: {  	s7 =	sshll.u32 s26, $0x1;
	_ =	strace $0x80000046;
	[dreg:$0x1] =	wrdreg $0xFFFFFFFF  }
0xad: {  	s28 =	simm.s32 $_size_execute0_lowered;
	s5 =	sadd.s32 s5, s7;
	[dreg:$0x0] =	wrdreg $0x0  }
0xae: {  	s7 =	sshll.u32 s28, $0x1;
	[dreg:$0x2] =	wrdreg s5  }
0xaf: {  	[dreg:$0x3] =	wrdreg s7  }
0xb0: {  	[dreg:$0x4] =	wrdreg $0xC0  }
0xb1: {  	_ =	task [dreg:s9], $0x5FFFF  }
0xb2: {  	[dreg:$0x1] =	wrdreg $0xFFFFFFFF  }
0xb3: {  	[dreg:$0x0] =	wrdreg $0x60  }
0xb4: {  	[dreg:$0x2] =	wrdreg s15  }
0xb5: {  	[dreg:$0x3] =	wrdreg s24  }
0xb6: {  	[dreg:$0x4] =	wrdreg s17  }
0xb7: {  	[dreg:$0x5] =	wrdreg s16  }
0xb8: {  	[dreg:$0x6] =	wrdreg $0x9  }
0xb9: {  	_ =	task.clear_ibuf [dreg:s9], $0x7FFFF;
	_ =	strace $0x90000046  }
0xba: {  	s29 =	simm.s32 $0x9;
	_ =	strace $0x80000048  }
0xbb: {  	_ =	swait.ge [sflag:s29], $0x1  }
0xbc: {  	[sflag:s29] =	ssyncadd.s32 $0xFFFFFFFF  }
0xbd: {  	_ =	strace $0x90000048  }
0xbe: {  	_ =	sfence  }
0xbf: {  	s30 =	sld [smem:$0x0];
	_ =	sdelay $0x2  }
0xc0: {  	s31 =	sshll.u32 s1, $0xD;
	s1 =	sshrl.u32 s1, $0x2  }
0xc1: {  	s3 =	sand.u32 $0x4000, s31;
	s1 =	sadd.s32 s1, s30  }
0xc2: {  	s0 =	sor.u32 s3, s0;
	s1 =	sshll.u32 s1, $0x11  }
0xc3: {  	s0 =	sor.u32 s1, s0  }
0xc4: {  	s0 =	sadd.s32 $0x8F2B, s0  }
0xc5: {  	[sflag:s0] =	ssyncadd.remote.s32 $0x1  }
0xc6: {  	_ =	sfence.sel $0xFFFF  }
0xc7: {  	[dreg:$0x0] =	wrdreg $0xFFFFFFFF;
	(pc) =	sbr.abs _section_cstart, $3  }
0xc8: {  	[dreg:$0x1] =	wrdreg $0xFFFFFFFF  }
0xc9: {  	_ =	task.clear_ibuf [dreg:s9], $0x2FFFF;
	_ =	strace $0x9FFFFFFF  }
0xca: {  	(tm) =	ssettm $0x7FFFFFFF  }
0xcb: {  	_ =	shalt  }
tec
execute0_lowered:
.L_overlay_start_1:
0x0: {  	(tag) =	ssettag $0x1  }
0x1: {  	s0 =	rddreg [dreg:$0x0]  }
0x2: {  	s1 =	rddreg [dreg:$0x1];
	s2 =	srdreg.scid  }
0x3: {  	s5 =	rddreg [dreg:$0x2];
	s3 =	stileid.u32  }
0x4: {  	s12 =	simm.s32 $0x1;
	s16 =	simm.s32 $0xC100;
	s15 =	simm.s32 $0xE100  }
0x5: {  	s17 =	simm.s32 $0x1000;
	s18 =	simm.s32 $0x1800;
	s19 =	simm.s32 $0x2000  }
0x6: {  	s20 =	simm.s32 $0x2800;
	s21 =	simm.s32 $0x3000;
	s22 =	simm.s32 $0x3800  }
0x7: {  	s23 =	simm.s32 $0x4000;
	s28 =	simm.s32 $0x6000;
	s29 =	simm.s32 $0x6800  }
0x8: {  	s30 =	simm.s32 $0x7000;
	s31 =	simm.s32 $0x7800;
	s14 =	simm.s32 $0xB800  }
0x9: {  	s2 =	sand.u32 $0x1, s2;
	s4 =	sshll.u32 s3, $0x7;
	s3 =	simm.s32 $0x0  }
0xa: {  	s6 =	sshll.u32 s2, $0x6;
	[smem:$0x7FF] =	sst s3;
	s2 =	ssub.s32 $0x2, s2  }
0xb: {  	s4 =	sor.u32 s6, s4;
	_ =	strace $0x80000047;
	s24 =	sshrl.u32 s2, $0x1  }
0xc: {  	s6 =	sshrl.u32 s4, $0x3;
	s8 =	sshll.u32 s4, $0x4;
	s4 =	sadd.s32 $0xB200, s1  }
0xd: {  	s2 =	ssub.s32 s2, s24;
	s24 =	simm.s32 $0x4800;
	s7 =	sadd.s32 s6, s1  }
0xe: {  	s9 =	sadd.s32 s8, s1;
	s6 =	smul.u32 $0x300, s6;
	s25 =	sadd.s32 s5, s8  }
0xf: {  	s5 =	sadd.s32 $0xB300, s1;
	s10 =	sadd.s32 $0xAE00, s7;
	[dreg:$0x8] =	wrdreg s25  }
0x10: {  	s8 =	simm.s32 $0x9800;
	s7 =	sadd.s32 $0xB000, s7;
	[dreg:$0x5] =	wrdreg s10  }
0x11: {  	s26 =	sadd.s32 $0x2E00, s9;
	s25 =	simm.s32 $0x5000;
	[dreg:$0x6] =	wrdreg s7  }
0x12: {  	v2 =	vlaneseq.u32;
	s9 =	simm.s32 $0xA000;
	s0 =	sadd.s32 s0, s6;
	[dreg:$0x9] =	wrdreg s26  }
0x13: {  	vm0 =	vmmov $0xffff;
	v1 =	vshrl.u32 v2, $0x3;
	s6 =	sadd.s32 $0xB400, s1;
	s7 =	smax.u32 s2, $0x1;
	s26 =	simm.s32 $0x5800  }
0x14: {  	v0 =	vand.u32 $0x7, v2;
	v2 =	vor.u32 $0x8, v2;
	v1 =	vmul.u32 $0x8, v1;
	s2 =	simm.s32 $0x9000;
	s10 =	simm.s32 $0xA800;
	[dreg:$0x7] =	wrdreg s0  }
.LBB2_1:
0x15: {  	s11 =	rddreg [dreg:$0x5];
	s0 =	simm.s32 $0xC000  }
0x16: {  	[tilespmem:s0], [sflag:$0x1] =	stream.linear.gather [hbm4b:s11+s3], $0x40, $0x38;
	[tilespmem:$0x10100] =	vst v63  }
0x17: {  	s13 =	rddreg [dreg:$0x6];
	s1 =	simm.s32 $0xC080  }
0x18: {  	[tilespmem:s1], [sflag:$0x1] =	stream.linear.gather [hbm4b:s13+s3], $0x40, $0x38;
	[tilespmem:$0x10100] =	vst v63  }
0x19: {  	s11 =	rddreg [dreg:$0x7]  }
0x1a: {  	[tilespmem:s3], [sflag:$0x1] =	stream.linear.gather [hbm4b:s11+s3], $0xC000, $0x38;
	[tilespmem:$0x10100] =	vst v63  }
0x1b: {  	s0 =	rddreg [dreg:$0x8]  }
0x1c: {  	[tilespmem:s16], [sflag:$0x1] =	stream.linear.gather [hbm4b:s0+s3], $0x2000, $0x38;
	[tilespmem:$0x10100] =	vst v63  }
0x1d: {  	s1 =	rddreg [dreg:$0x9]  }
0x1e: {  	[tilespmem:s15], [sflag:$0x1] =	stream.linear.gather [hbm4b:s1+s3], $0x2000, $0x38;
	[tilespmem:$0x10100] =	vst v63  }
0x1f: {  	_ =	swait.ge [sflag:s12], $0x40  }
0x20: {  	[sflag:s12] =	ssyncset.done $0x0  }
0x21: {  	[sflag:s12] =	ssyncadd.s32 $0xFFFFFFC0  }
0x22: {  	_ =	swait.ge [sflag:s12], $0x40  }
0x23: {  	[sflag:s12] =	ssyncset.done $0x0  }
0x24: {  	[sflag:s12] =	ssyncadd.s32 $0xFFFFFFC0  }
0x25: {  	_ =	swait.ge [sflag:s12], $0xC000  }
0x26: {  	[sflag:s12] =	ssyncset.done $0x0  }
0x27: {  	[sflag:s12] =	ssyncadd.s32 $0xFFFF4000  }
0x28: {  	_ =	swait.ge [sflag:s12], $0x2000  }
0x29: {  	[sflag:s12] =	ssyncset.done $0x0  }
0x2a: {  	[sflag:s12] =	ssyncadd.s32 $0xFFFFE000  }
0x2b: {  	_ =	swait.ge [sflag:s12], $0x2000  }
0x2c: {  	[sflag:s12] =	ssyncset.done $0x0  }
0x2d: {  	[sflag:s12] =	ssyncadd.s32 $0xFFFFE000  }
0x2e: {  	v3 =	vld [tilespmem:$0xC000];
	_ =	sdelay $0x4  }
0x2f: {  	v4 =	vshrl.u32 v3, $0x3  }
0x30: {  	v4 =	vmul.u32 $0x30, v4  }
0x31: {  	v3 =	vand.u32 $0x7, v3  }
0x32: {  	v3 =	vor.u32 v3, v4  }
0x33: {  	v4 =	vperm.xlane v3, v0;
	_ =	sdelay $0x1  }
0x34: {  	v4 =	vadd.s32 v1, v4;
	_ =	sdelay $0x3  }
0x35: {  	v3 =	vperm.xlane v3, v2  }
0x36: {  	[hbm4b:s4+s3] =	stream.indirect_vreg.scatter [tilespmem:s3], [sflag:$0x1], $0x80, v4, vm0, $0xb8;
	[tilespmem:$0x10100] =	vst v63  }
0x37: {  	s11 =	simm.s32 $0x800;
	v3 =	vadd.s32 v1, v3  }
0x38: {  	[hbm4b:s5+s3] =	stream.indirect_vreg.scatter [tilespmem:s11], [sflag:$0x1], $0x80, v4, vm0, $0xb8;
	[tilespmem:$0x10100] =	vst v63  }
0x39: {  	_ = 	snop  }
0x3a: {  	[hbm4b:s6+s3] =	stream.indirect_vreg.scatter [tilespmem:s17], [sflag:$0x1], $0x80, v4, vm0, $0xb8;
	[tilespmem:$0x10100] =	vst v63  }
0x3b: {  	_ = 	snop  }
0x3c: {  	[hbm4b:s4+s3] =	stream.indirect_vreg.scatter [tilespmem:s18], [sflag:$0x1], $0x80, v3, vm0, $0xb8;
	[tilespmem:$0x10100] =	vst v63  }
0x3d: {  	_ = 	snop  }
0x3e: {  	[hbm4b:s5+s3] =	stream.indirect_vreg.scatter [tilespmem:s19], [sflag:$0x1], $0x80, v3, vm0, $0xb8;
	[tilespmem:$0x10100] =	vst v63  }
0x3f: {  	_ = 	snop  }
0x40: {  	[hbm4b:s6+s3] =	stream.indirect_vreg.scatter [tilespmem:s20], [sflag:$0x1], $0x80, v3, vm0, $0xb8;
	[tilespmem:$0x10100] =	vst v63  }
0x41: {  	v3 =	vld [tilespmem:$0xC010];
	_ =	sdelay $0x4  }
0x42: {  	v57 =	vshrl.u32 v3, $0x3  }
0x43: {  	v4 =	vmul.u32 $0x30, v57  }
0x44: {  	v3 =	vand.u32 $0x7, v3  }
0x45: {  	v3 =	vor.u32 v3, v4  }
0x46: {  	v4 =	vperm.xlane v3, v0;
	_ =	sdelay $0x1  }
0x47: {  	v4 =	vadd.s32 v1, v4;
	_ =	sdelay $0x3  }
0x48: {  	v3 =	vperm.xlane v3, v2  }
0x49: {  	[hbm4b:s4+s3] =	stream.indirect_vreg.scatter [tilespmem:s21], [sflag:$0x1], $0x80, v4, vm0, $0xb8;
	[tilespmem:$0x10100] =	vst v63  }
0x4a: {  	v3 =	vadd.s32 v1, v3  }
0x4b: {  	[hbm4b:s5+s3] =	stream.indirect_vreg.scatter [tilespmem:s22], [sflag:$0x1], $0x80, v4, vm0, $0xb8;
	[tilespmem:$0x10100] =	vst v63  }
0x4c: {  	_ = 	snop  }
0x4d: {  	[hbm4b:s6+s3] =	stream.indirect_vreg.scatter [tilespmem:s23], [sflag:$0x1], $0x80, v4, vm0, $0xb8;
	[tilespmem:$0x10100] =	vst v63  }
0x4e: {  	_ = 	snop  }
0x4f: {  	[hbm4b:s4+s3] =	stream.indirect_vreg.scatter [tilespmem:s24], [sflag:$0x1], $0x80, v3, vm0, $0xb8;
	[tilespmem:$0x10100] =	vst v63  }
0x50: {  	_ = 	snop  }
0x51: {  	[hbm4b:s5+s3] =	stream.indirect_vreg.scatter [tilespmem:s25], [sflag:$0x1], $0x80, v3, vm0, $0xb8;
	[tilespmem:$0x10100] =	vst v63  }
0x52: {  	_ = 	snop  }
0x53: {  	[hbm4b:s6+s3] =	stream.indirect_vreg.scatter [tilespmem:s26], [sflag:$0x1], $0x80, v3, vm0, $0xb8;
	[tilespmem:$0x10100] =	vst v63  }
0x54: {  	v3 =	vld [tilespmem:$0xC020];
	_ =	sdelay $0x4  }
0x55: {  	v58 =	vshrl.u32 v3, $0x3  }
0x56: {  	v4 =	vmul.u32 $0x30, v58  }
0x57: {  	v3 =	vand.u32 $0x7, v3  }
0x58: {  	v3 =	vor.u32 v3, v4  }
0x59: {  	v4 =	vperm.xlane v3, v0;
	_ =	sdelay $0x1  }
0x5a: {  	v4 =	vadd.s32 v1, v4;
	_ =	sdelay $0x3  }
0x5b: {  	v3 =	vperm.xlane v3, v2  }
0x5c: {  	[hbm4b:s4+s3] =	stream.indirect_vreg.scatter [tilespmem:s28], [sflag:$0x1], $0x80, v4, vm0, $0xb8;
	[tilespmem:$0x10100] =	vst v63  }
0x5d: {  	v3 =	vadd.s32 v1, v3  }
0x5e: {  	[hbm4b:s5+s3] =	stream.indirect_vreg.scatter [tilespmem:s29], [sflag:$0x1], $0x80, v4, vm0, $0xb8;
	[tilespmem:$0x10100] =	vst v63  }
0x5f: {  	_ = 	snop  }
0x60: {  	[hbm4b:s6+s3] =	stream.indirect_vreg.scatter [tilespmem:s30], [sflag:$0x1], $0x80, v4, vm0, $0xb8;
	[tilespmem:$0x10100] =	vst v63  }
0x61: {  	_ = 	snop  }
0x62: {  	[hbm4b:s4+s3] =	stream.indirect_vreg.scatter [tilespmem:s31], [sflag:$0x1], $0x80, v3, vm0, $0xb8;
	[tilespmem:$0x10100] =	vst v63  }
0x63: {  	s1 =	simm.s32 $0x8000  }
0x64: {  	[hbm4b:s5+s3] =	stream.indirect_vreg.scatter [tilespmem:s1], [sflag:$0x1], $0x80, v3, vm0, $0xb8;
	[tilespmem:$0x10100] =	vst v63  }
0x65: {  	s0 =	simm.s32 $0x8800  }
0x66: {  	[hbm4b:s6+s3] =	stream.indirect_vreg.scatter [tilespmem:s0], [sflag:$0x1], $0x80, v3, vm0, $0xb8;
	[tilespmem:$0x10100] =	vst v63  }
0x67: {  	v3 =	vld [tilespmem:$0xC030];
	_ =	sdelay $0x4  }
0x68: {  	v59 =	vshrl.u32 v3, $0x3  }
0x69: {  	v4 =	vmul.u32 $0x30, v59  }
0x6a: {  	v3 =	vand.u32 $0x7, v3  }
0x6b: {  	v3 =	vor.u32 v3, v4  }
0x6c: {  	v4 =	vperm.xlane v3, v0;
	_ =	sdelay $0x1  }
0x6d: {  	v4 =	vadd.s32 v1, v4;
	_ =	sdelay $0x3  }
0x6e: {  	v3 =	vperm.xlane v3, v2  }
0x6f: {  	[hbm4b:s4+s3] =	stream.indirect_vreg.scatter [tilespmem:s2], [sflag:$0x1], $0x80, v4, vm0, $0xb8;
	[tilespmem:$0x10100] =	vst v63  }
0x70: {  	v3 =	vadd.s32 v1, v3  }
0x71: {  	[hbm4b:s5+s3] =	stream.indirect_vreg.scatter [tilespmem:s8], [sflag:$0x1], $0x80, v4, vm0, $0xb8;
	[tilespmem:$0x10100] =	vst v63  }
0x72: {  	_ = 	snop  }
0x73: {  	[hbm4b:s6+s3] =	stream.indirect_vreg.scatter [tilespmem:s9], [sflag:$0x1], $0x80, v4, vm0, $0xb8;
	[tilespmem:$0x10100] =	vst v63  }
0x74: {  	_ = 	snop  }
0x75: {  	[hbm4b:s4+s3] =	stream.indirect_vreg.scatter [tilespmem:s10], [sflag:$0x1], $0x80, v3, vm0, $0xb8;
	[tilespmem:$0x10100] =	vst v63  }
0x76: {  	s13 =	simm.s32 $0xB000  }
0x77: {  	[hbm4b:s5+s3] =	stream.indirect_vreg.scatter [tilespmem:s13], [sflag:$0x1], $0x80, v3, vm0, $0xb8;
	[tilespmem:$0x10100] =	vst v63  }
0x78: {  	_ = 	snop  }
0x79: {  	[hbm4b:s6+s3] =	stream.indirect_vreg.scatter [tilespmem:s14], [sflag:$0x1], $0x80, v3, vm0, $0xb8;
	[tilespmem:$0x10100] =	vst v63  }
0x7a: {  	v3 =	vld [tilespmem:$0xC080];
	_ =	sdelay $0x4  }
0x7b: {  	v60 =	vshrl.u32 v3, $0x3  }
0x7c: {  	v4 =	vmul.u32 $0x30, v60  }
0x7d: {  	v3 =	vand.u32 $0x7, v3  }
0x7e: {  	v3 =	vor.u32 v3, v4  }
0x7f: {  	v4 =	vperm.xlane v3, v0;
	_ =	sdelay $0x1  }
0x80: {  	v4 =	vadd.s32 v1, v4;
	_ =	sdelay $0x3  }
0x81: {  	v3 =	vperm.xlane v3, v2  }
0x82: {  	[hbm4b:s4+s3] =	stream.indirect_vreg.scatter [tilespmem:s3], [sflag:$0x1], $0x80, v4, vm0, $0xb8;
	[tilespmem:$0x10100] =	vst v63  }
0x83: {  	v3 =	vadd.s32 v1, v3  }
0x84: {  	[hbm4b:s5+s3] =	stream.indirect_vreg.scatter [tilespmem:s11], [sflag:$0x1], $0x80, v4, vm0, $0xb8;
	[tilespmem:$0x10100] =	vst v63  }
0x85: {  	_ = 	snop  }
0x86: {  	[hbm4b:s6+s3] =	stream.indirect_vreg.scatter [tilespmem:s17], [sflag:$0x1], $0x80, v4, vm0, $0xb8;
	[tilespmem:$0x10100] =	vst v63  }
0x87: {  	_ = 	snop  }
0x88: {  	[hbm4b:s4+s3] =	stream.indirect_vreg.scatter [tilespmem:s18], [sflag:$0x1], $0x80, v3, vm0, $0xb8;
	[tilespmem:$0x10100] =	vst v63  }
0x89: {  	_ = 	snop  }
0x8a: {  	[hbm4b:s5+s3] =	stream.indirect_vreg.scatter [tilespmem:s19], [sflag:$0x1], $0x80, v3, vm0, $0xb8;
	[tilespmem:$0x10100] =	vst v63  }
0x8b: {  	_ = 	snop  }
0x8c: {  	[hbm4b:s6+s3] =	stream.indirect_vreg.scatter [tilespmem:s20], [sflag:$0x1], $0x80, v3, vm0, $0xb8;
	[tilespmem:$0x10100] =	vst v63  }
0x8d: {  	v3 =	vld [tilespmem:$0xC090];
	_ =	sdelay $0x4  }
0x8e: {  	v61 =	vshrl.u32 v3, $0x3  }
0x8f: {  	v4 =	vmul.u32 $0x30, v61  }
0x90: {  	v3 =	vand.u32 $0x7, v3  }
0x91: {  	v3 =	vor.u32 v3, v4  }
0x92: {  	v4 =	vperm.xlane v3, v0;
	_ =	sdelay $0x1  }
0x93: {  	v4 =	vadd.s32 v1, v4;
	_ =	sdelay $0x3  }
0x94: {  	v3 =	vperm.xlane v3, v2  }
0x95: {  	[hbm4b:s4+s3] =	stream.indirect_vreg.scatter [tilespmem:s21], [sflag:$0x1], $0x80, v4, vm0, $0xb8;
	[tilespmem:$0x10100] =	vst v63  }
0x96: {  	v3 =	vadd.s32 v1, v3  }
0x97: {  	[hbm4b:s5+s3] =	stream.indirect_vreg.scatter [tilespmem:s22], [sflag:$0x1], $0x80, v4, vm0, $0xb8;
	[tilespmem:$0x10100] =	vst v63  }
0x98: {  	_ = 	snop  }
0x99: {  	[hbm4b:s6+s3] =	stream.indirect_vreg.scatter [tilespmem:s23], [sflag:$0x1], $0x80, v4, vm0, $0xb8;
	[tilespmem:$0x10100] =	vst v63  }
0x9a: {  	_ = 	snop  }
0x9b: {  	[hbm4b:s4+s3] =	stream.indirect_vreg.scatter [tilespmem:s24], [sflag:$0x1], $0x80, v3, vm0, $0xb8;
	[tilespmem:$0x10100] =	vst v63  }
0x9c: {  	_ = 	snop  }
0x9d: {  	[hbm4b:s5+s3] =	stream.indirect_vreg.scatter [tilespmem:s25], [sflag:$0x1], $0x80, v3, vm0, $0xb8;
	[tilespmem:$0x10100] =	vst v63  }
0x9e: {  	_ = 	snop  }
0x9f: {  	[hbm4b:s6+s3] =	stream.indirect_vreg.scatter [tilespmem:s26], [sflag:$0x1], $0x80, v3, vm0, $0xb8;
	[tilespmem:$0x10100] =	vst v63  }
0xa0: {  	v3 =	vld [tilespmem:$0xC0A0];
	_ =	sdelay $0x4  }
0xa1: {  	v62 =	vshrl.u32 v3, $0x3  }
0xa2: {  	v4 =	vmul.u32 $0x30, v62  }
0xa3: {  	v3 =	vand.u32 $0x7, v3  }
0xa4: {  	v3 =	vor.u32 v3, v4  }
0xa5: {  	v4 =	vperm.xlane v3, v0;
	_ =	sdelay $0x1  }
0xa6: {  	v4 =	vadd.s32 v1, v4;
	_ =	sdelay $0x3  }
0xa7: {  	v3 =	vperm.xlane v3, v2  }
0xa8: {  	[hbm4b:s4+s3] =	stream.indirect_vreg.scatter [tilespmem:s28], [sflag:$0x1], $0x80, v4, vm0, $0xb8;
	[tilespmem:$0x10100] =	vst v63  }
0xa9: {  	v3 =	vadd.s32 v1, v3  }
0xaa: {  	[hbm4b:s5+s3] =	stream.indirect_vreg.scatter [tilespmem:s29], [sflag:$0x1], $0x80, v4, vm0, $0xb8;
	[tilespmem:$0x10100] =	vst v63  }
0xab: {  	_ = 	snop  }
0xac: {  	[hbm4b:s6+s3] =	stream.indirect_vreg.scatter [tilespmem:s30], [sflag:$0x1], $0x80, v4, vm0, $0xb8;
	[tilespmem:$0x10100] =	vst v63  }
0xad: {  	_ = 	snop  }
0xae: {  	[hbm4b:s4+s3] =	stream.indirect_vreg.scatter [tilespmem:s31], [sflag:$0x1], $0x80, v3, vm0, $0xb8;
	[tilespmem:$0x10100] =	vst v63  }
0xaf: {  	_ = 	snop  }
0xb0: {  	[hbm4b:s5+s3] =	stream.indirect_vreg.scatter [tilespmem:s1], [sflag:$0x1], $0x80, v3, vm0, $0xb8;
	[tilespmem:$0x10100] =	vst v63  }
0xb1: {  	_ = 	snop  }
0xb2: {  	[hbm4b:s6+s3] =	stream.indirect_vreg.scatter [tilespmem:s0], [sflag:$0x1], $0x80, v3, vm0, $0xb8;
	[tilespmem:$0x10100] =	vst v63  }
0xb3: {  	v3 =	vld [tilespmem:$0xC0B0];
	_ =	sdelay $0x4  }
0xb4: {  	v63 =	vshrl.u32 v3, $0x3  }
0xb5: {  	v4 =	vmul.u32 $0x30, v63  }
0xb6: {  	v3 =	vand.u32 $0x7, v3  }
0xb7: {  	v3 =	vor.u32 v3, v4  }
0xb8: {  	v4 =	vperm.xlane v3, v0;
	_ =	sdelay $0x1  }
0xb9: {  	v4 =	vadd.s32 v1, v4;
	_ =	sdelay $0x3  }
0xba: {  	v3 =	vperm.xlane v3, v2  }
0xbb: {  	[hbm4b:s4+s3] =	stream.indirect_vreg.scatter [tilespmem:s2], [sflag:$0x1], $0x80, v4, vm0, $0xb8;
	[tilespmem:$0x10100] =	vst v63  }
0xbc: {  	v3 =	vadd.s32 v1, v3  }
0xbd: {  	[hbm4b:s5+s3] =	stream.indirect_vreg.scatter [tilespmem:s8], [sflag:$0x1], $0x80, v4, vm0, $0xb8;
	[tilespmem:$0x10100] =	vst v63  }
0xbe: {  	_ = 	snop  }
0xbf: {  	[hbm4b:s6+s3] =	stream.indirect_vreg.scatter [tilespmem:s9], [sflag:$0x1], $0x80, v4, vm0, $0xb8;
	[tilespmem:$0x10100] =	vst v63  }
0xc0: {  	_ = 	snop  }
0xc1: {  	[hbm4b:s4+s3] =	stream.indirect_vreg.scatter [tilespmem:s10], [sflag:$0x1], $0x80, v3, vm0, $0xb8;
	[tilespmem:$0x10100] =	vst v63  }
0xc2: {  	_ = 	snop  }
0xc3: {  	[hbm4b:s5+s3] =	stream.indirect_vreg.scatter [tilespmem:s13], [sflag:$0x1], $0x80, v3, vm0, $0xb8;
	[tilespmem:$0x10100] =	vst v63  }
0xc4: {  	_ = 	snop  }
0xc5: {  	[hbm4b:s6+s3] =	stream.indirect_vreg.scatter [tilespmem:s14], [sflag:$0x1], $0x80, v3, vm0, $0xb8;
	[tilespmem:$0x10100] =	vst v63  }
0xc6: {  	s11 =	rddreg [dreg:$0x3];
	s0 =	simm.s32 $0x40;
	s13 =	simm.s32 $0xC000  }
0xc7: {  	[hbm4b:s11+s0] =	stream.indirect.scatter [tilespmem:s16], [sflag:$0x1], $0x80, s13, s0, $0xb8;
	[tilespmem:$0x10100] =	vst v63  }
0xc8: {  	s13 =	simm.s32 $0xC080  }
0xc9: {  	[hbm4b:s11+s0] =	stream.indirect.scatter [tilespmem:s15], [sflag:$0x1], $0x80, s13, s0, $0xb8;
	[tilespmem:$0x10100] =	vst v63  }
0xca: {  	_ =	swait.ge [sflag:s12], $0xC000  }
0xcb: {  	[sflag:s12] =	ssyncset.done $0x0  }
0xcc: {  	[sflag:s12] =	ssyncadd.s32 $0xFFFF4000  }
0xcd: {  	_ =	swait.ge [sflag:s12], $0xC000  }
0xce: {  	[sflag:s12] =	ssyncset.done $0x0  }
0xcf: {  	[sflag:s12] =	ssyncadd.s32 $0xFFFF4000  }
0xd0: {  	p0 =	sne.s32 s7, $0x1;
	_ =	swait.ge [sflag:s12], $0x2000  }
.Ltmp0:
0xd1: {  	[sflag:s12] =	ssyncset.done $0x0;
	(pc) =	sbr.rel @p0 .LBB2_1-.Ltmp0, $4  }
0xd2: {  	[sflag:s12] =	ssyncadd.s32 $0xFFFFE000  }
0xd3: {  	_ =	swait.ge [sflag:s12], $0x2000  }
0xd4: {  	[sflag:s12] =	ssyncset.done $0x0  }
0xd5: {  	s7 =	sadd.s32 $0xFFFFFFFF, s7;
	[sflag:s12] =	ssyncadd.s32 $0xFFFFE000  }
0xd6: {  	_ =	sfence.sel $0x180000  }
0xd7: {  	[bflag:$0x0] =	sbarrier.arrive $0xFFFF  }
0xd8: {  	_ =	strace $0x90000047  }
0xd9: {  	s0 =	stileid.u32;
	[bflag:$0x2] =	sbarrier.arrive $0xFFFF  }
0xda: {  	p0 =	sne.s32 s0, $0x0;
	s0 =	rddreg [dreg:$0x4]  }
0xdb: {  	s0 =	sadd.s32 @!p0 $0x100000, s0  }
0xdc: {  	[sflag:s0] =	ssyncadd.tile.s32 @!p0 $0x1;
	_ =	shalt  }
.Lfunc_end2:
_tile_overlayer_lowered:
.L_overlay_start_2:
0xdd: {  	(tag) =	ssettag $0x2  }
0xde: {  	s0 =	rddreg [dreg:$0x0];
	s2 =	stileid.u32  }
0xdf: {  	s1 =	rddreg [dreg:$0x1];
	p0 =	sne.s32 s2, $0x0  }
0xe0: {  	s3 =	rddreg [dreg:$0x2];
	[bflag:$0x3] =	sbarrier.arrive $0xFFFF;
	s2 =	simm.s32 @!p0 $0x1C02  }
0xe1: {  	[timem:s3], [sflag:s2] =	dma.local @!p0 [hbm:s0], s1  }
0xe2: {  	s0 =	simm.s32 @!p0 $0x2  }
0xe3: {  	_ =	swait.ge @!p0 [sflag:s0], s1  }
0xe4: {  	s1 =	ssub.s32 @!p0 $0x0, s1;
	[sflag:s0] =	ssyncset.done @!p0 $0x0  }
0xe5: {  	[sflag:s0] =	ssyncadd.s32 @!p0 s1  }
0xe6: {  	[bflag:$0x3] =	sbarrier.arrive $0xFFFF  }
0xe7: {  	_ =	shalt  }

// kernel: kernel.9.cloned.1.call-start
scs
__scs_entry_jumppad:
0x0: {  	(pc) =	sbr.rel $0x88, $3  }
0x1: {  	(tag) =	ssettag $0x0;
	lr =	simm.s32 $0x1  }
0x2: {  	[smem:$0x3F95] =	sst lr;
	_ =	strace $0xD0000000  }
0x3: {  	_ = 	snop  }
0x4: {  	_ = 	snop  }
0x5: {  	_ = 	snop  }
0x6: {  	_ = 	snop  }
0x7: {  	_ = 	snop  }
__scs_overlays_trampoline_lowered:
0x8: {  	[smem:$0x3FA4] =	sst s0  }
0x9: {  	[smem:$0x3FA5] =	sst s1  }
0xa: {  	[smem:$0x3FA6] =	sst s2  }
0xb: {  	[smem:$0x3FA7] =	sst s3  }
0xc: {  	[smem:$0x3FA8] =	sst s4  }
0xd: {  	[smem:$0x3FA9] =	sst s5  }
0xe: {  	[smem:$0x3FAA] =	sst s6  }
0xf: {  	[smem:$0x3FAB] =	sst s7  }
0x10: {  	[smem:$0x3FAC] =	sst s8  }
0x11: {  	[smem:$0x3FAD] =	sst s9;
	s0 =	simm.s32 @!p0 $0x0  }
0x12: {  	s1 =	sld [smem:$0x3F93];
	s0 =	simm.s32 @p0 $0x1  }
0x13: {  	[smem:$0x3FAE] =	sst s0;
	s0 =	simm.s32 @!p1 $0x0  }
0x14: {  	s2 =	sld [smem:$0x3F92];
	s0 =	simm.s32 @p1 $0x1  }
0x15: {  	[smem:$0x3FAF] =	sst s0;
	s0 =	simm.s32 @!p2 $0x0  }
0x16: {  	s3 =	sld [smem:$0x3FDB];
	s0 =	simm.s32 @p2 $0x1  }
0x17: {  	s4 =	simm.s32 $0x1BF5;
	[smem:$0x3FB1] =	sst s0  }
0x18: {  	s0 =	sld [smem:$0x3F94];
	_ =	swait.ge [sflag:s4], $0x0  }
0x19: {  	s7 =	sld [smem:$0x3F95]  }
0x1a: {  	s8 =	sadd.s32 $0xFFFFE003, lr  }
0x1b: {  	s9 =	sadd.s32 $0xFFFFFEF7, lr;
	s5 =	simm.s32 $0xFFFFFFFF;
	p2 =	slt.u32 s8, $0xFFFFF086  }
0x1c: {  	p1 =	slt.u32 s9, $0xF7A;
	s5 =	simm.s32 @!p2 $0x0  }
0x1d: {  	s5 =	simm.s32 @p1 $0x1;
	p0 =	seq.s32 s7, s2  }
0x1e: {  	s7 =	smul.u32 @!p0 $0xF7A, s2;
	p2 =	seq.s32 @!p0 s5, $0x0  }
0x1f: {  	s9 =	smul.u32 $0xF7A, s1;
	s8 =	simm.s32 @!p0 $0x1BF5;
	p2 =	por !p2, p0  }
0x20: {  	[sflag:s8] =	ssyncset.s32 @!p0 $0xFFFFF086;
	s6 =	sadd.s32 @!p0 s3, s7;
	s7 =	simm.s32 @!p0 $0x108  }
0x21: {  	s3 =	sadd.s32 s3, s9;
	s6 =	sadd.s32 @!p0 $0x88, s6;
	s7 =	simm.s32 @p2 $0x1082  }
0x22: {  	[simem:s7], [sflag:s8] =	dma.local @!p0 [hbm:s6], $0xF7A  }
0x23: {  	s9 =	sor.u32 $0xD0000000, s2;
	s6 =	simm.s32 $0x108;
	_ =	swait.ge @!p0 [sflag:s8], $0x0  }
0x24: {  	s3 =	sadd.s32 $0x88, s3;
	s6 =	simm.s32 @!p1 $0x1082;
	[sflag:s4] =	ssyncset.s32 $0xFFFFF086  }
0x25: {  	[simem:s6], [sflag:s4] =	dma.local [hbm:s3], $0xF7A  }
0x26: {  	[smem:$0x3F95] =	sst s1;
	(tag) =	ssettag s2;
	_ =	strace s9  }
0x27: {  	s1 =	sld [smem:$0x3FA5]  }
0x28: {  	s2 =	sld [smem:$0x3FA6]  }
0x29: {  	s4 =	sld [smem:$0x3FA8]  }
0x2a: {  	p0 =	seq.s32 s5, $0x0;
	s5 =	sld [smem:$0x3FA9]  }
0x2b: {  	s6 =	sld [smem:$0x3FAA]  }
0x2c: {  	s7 =	sld [smem:$0x3FAB]  }
0x2d: {  	s3 =	simm.s32 $0x108;
	s8 =	sld [smem:$0x3FAC]  }
0x2e: {  	s3 =	simm.s32 @!p0 $0x1082;
	s9 =	sld [smem:$0x3FAD]  }
0x2f: {  	lr =	sadd.s32 s0, s3;
	s0 =	sld [smem:$0x3FA4]  }
0x30: {  	s3 =	sld [smem:$0x3FA7]  }
0x31: {  	[smem:$0x3FB0] =	sst s10  }
0x32: {  	s10 =	sld [smem:$0x3FAE];
	_ =	sdelay $0x3  }
0x33: {  	p0 =	seq.s32 s10, $0x1;
	s10 =	sld [smem:$0x3FB0];
	_ =	sdelay $0x3  }
0x34: {  	[smem:$0x3FB0] =	sst s10  }
0x35: {  	s10 =	sld [smem:$0x3FAF];
	_ =	sdelay $0x3  }
0x36: {  	p1 =	seq.s32 s10, $0x1;
	s10 =	sld [smem:$0x3FB0];
	_ =	sdelay $0x3  }
0x37: {  	[smem:$0x3FB0] =	sst s10  }
0x38: {  	s10 =	sld [smem:$0x3FB1]  }
0x39: {  	_ = 	snop;
	(pc) =	sbr.ind lr, $3  }
0x3a: {  	_ = 	snop  }
0x3b: {  	_ = 	snop  }
0x3c: {  	p2 =	seq.s32 s10, $0x1;
	s10 =	sld [smem:$0x3FB0]  }
0x3d: {  	_ =	shalt  }
0x3e: {  	_ =	shalt  }
0x3f: {  	_ =	shalt  }
0x40: {  	_ =	shalt  }
0x41: {  	_ =	shalt  }
0x42: {  	_ =	shalt  }
0x43: {  	_ =	shalt  }
0x44: {  	_ =	shalt  }
0x45: {  	_ =	shalt  }
0x46: {  	_ =	shalt  }
0x47: {  	_ =	shalt  }
0x48: {  	_ =	shalt  }
0x49: {  	_ =	shalt  }
0x4a: {  	_ =	shalt  }
0x4b: {  	_ =	shalt  }
0x4c: {  	_ =	shalt  }
0x4d: {  	_ =	shalt  }
0x4e: {  	_ =	shalt  }
0x4f: {  	_ =	shalt  }
0x50: {  	_ =	shalt  }
0x51: {  	_ =	shalt  }
0x52: {  	_ =	shalt  }
0x53: {  	_ =	shalt  }
0x54: {  	_ =	shalt  }
0x55: {  	_ =	shalt  }
0x56: {  	_ =	shalt  }
0x57: {  	_ =	shalt  }
0x58: {  	_ =	shalt  }
0x59: {  	_ =	shalt  }
0x5a: {  	_ =	shalt  }
0x5b: {  	_ =	shalt  }
0x5c: {  	_ =	shalt  }
0x5d: {  	_ =	shalt  }
0x5e: {  	_ =	shalt  }
0x5f: {  	_ =	shalt  }
0x60: {  	_ =	shalt  }
0x61: {  	_ =	shalt  }
0x62: {  	_ =	shalt  }
0x63: {  	_ =	shalt  }
0x64: {  	_ =	shalt  }
0x65: {  	_ =	shalt  }
0x66: {  	_ =	shalt  }
0x67: {  	_ =	shalt  }
0x68: {  	_ =	shalt  }
0x69: {  	_ =	shalt  }
0x6a: {  	_ =	shalt  }
0x6b: {  	_ =	shalt  }
0x6c: {  	_ =	shalt  }
0x6d: {  	_ =	shalt  }
0x6e: {  	_ =	shalt  }
0x6f: {  	_ =	shalt  }
0x70: {  	_ =	shalt  }
0x71: {  	_ =	shalt  }
0x72: {  	_ =	shalt  }
0x73: {  	_ =	shalt  }
0x74: {  	_ =	shalt  }
0x75: {  	_ =	shalt  }
0x76: {  	_ =	shalt  }
0x77: {  	_ =	shalt  }
0x78: {  	_ =	shalt  }
0x79: {  	_ =	shalt  }
0x7a: {  	_ =	shalt  }
0x7b: {  	_ =	shalt  }
0x7c: {  	_ =	shalt  }
0x7d: {  	_ =	shalt  }
0x7e: {  	_ =	shalt  }
0x7f: {  	_ =	shalt  }
0x80: {  	_ =	shalt  }
0x81: {  	_ =	shalt  }
0x82: {  	_ =	shalt  }
0x83: {  	_ =	shalt  }
0x84: {  	_ =	shalt  }
0x85: {  	_ =	shalt  }
0x86: {  	_ =	shalt  }
0x87: {  	_ =	shalt  }
.Lfunc_end0:
.L_simem_size_0:
called_computation.1_lowered:
.L_overlay_start_0:
0x88: {  	s2 =	sld [smem:$0x3FD9]  }
0x89: {  	s3 =	sld [smem:$0x3FFE];
	_ =	sdelay $0x1  }
0x8a: {  	s1 =	srdreg.scid  }
0x8b: {  	s0 =	sand.u32 $0x1, s1  }
0x8c: {  	s14 =	sshll.u32 s0, $0xA;
	s2 =	sadd.s32 s3, s2  }
0x8d: {  	s2 =	sadd.s32 s2, s14  }
0x8e: {  	[smem:$0x3FBC] =	sst s2  }
0x8f: {  	_ = 	snop  }
0x90: {  	s2 =	sld [smem:$0x3FD0];
	_ =	sdelay $0x2  }
0x91: {  	s15 =	simm.s32 $0xA;
	s4 =	simm.s32 $0x10  }
0x92: {  	[smem:s4], [sflag:s15] =	dma.local [hbm:s2], $0x1  }
0x93: {  	_ =	swait.eq [sflag:s15], $0x1  }
0x94: {  	[sflag:s15] =	ssyncset.done $0x0  }
0x95: {  	[sflag:s15] =	ssyncadd.s32 $0xFFFFFFFF  }
0x96: {  	s16 =	sld [smem:$0x10];
	(tm) =	ssettm $0x1  }
0x97: {  	s17 =	sld [smem:$0x3FFB];
	_ =	sdelay $0x3  }
0x98: {  	_ =	strace s17  }
0x99: {  	s3 =	sld [smem:$0x3FFC];
	_ =	sdelay $0x3  }
0x9a: {  	_ =	strace s3  }
0x9b: {  	s3 =	sld [smem:$0x3FFD];
	_ =	sdelay $0x3  }
0x9c: {  	_ =	strace s3  }
0x9d: {  	_ =	strace $0x8FFFFFFF  }
0x9e: {  	s18 =	sld [smem:$0x3FDB];
	_ =	sdelay $0x1  }
0x9f: {  	s19 =	simm.s32 $_scs_section_size  }
0xa0: {  	s5 =	simm.s32 $_size__tile_overlayer_lowered;
	s6 =	simm.s32 $_tile_overlayer_lowered  }
0xa1: {  	s22 =	simm.s32 $0x1BFF;
	s21 =	sshll.u32 s6, $0x1;
	s3 =	sadd.s32 s19, s18  }
0xa2: {  	s7 =	simm.s32 $0x0;
	s20 =	sshll.u32 s5, $0x1;
	s5 =	sadd.s32 s21, s3  }
0xa3: {  	[timem:s7], [sflag:s22] =	dma.local [hbm:s5], s20  }
0xa4: {  	_ =	swait.ge [sflag:s22], s20  }
0xa5: {  	s4 =	ssub.s32 $0x0, s20;
	[sflag:s22] =	ssyncset.done $0x0  }
0xa6: {  	[sflag:s22] =	ssyncadd.s32 s4;
	_ =	sdelay $0x1  }
0xa7: {  	s23 =	simm.s32 $0x1B8B  }
0xa8: {  	_ =	swait.ge [sflag:s23], $0x1  }
0xa9: {  	[sflag:s23] =	ssyncset.done $0x0  }
0xaa: {  	s25 =	simm.s32 $0x1B8E;
	s24 =	sld [smem:$0x3FFE];
	[sflag:s23] =	ssyncadd.s32 $0xFFFFFFFF  }
0xab: {  	s26 =	simm.s32 $execute0_lowered;
	[smem:$0x3FD2] =	sst s25  }
0xac: {  	s5 =	sshll.u32 s26, $0x1;
	_ =	strace $0x80000049;
	[dreg:$0x1] =	wrdreg $0xFFFFFFFF  }
0xad: {  	s28 =	simm.s32 $_size_execute0_lowered;
	s3 =	sadd.s32 s3, s5;
	[dreg:$0x0] =	wrdreg $0x0  }
0xae: {  	s5 =	sshll.u32 s28, $0x1;
	[dreg:$0x2] =	wrdreg s3  }
0xaf: {  	[dreg:$0x3] =	wrdreg s5  }
0xb0: {  	[dreg:$0x4] =	wrdreg $0xC0  }
0xb1: {  	_ =	task [dreg:s7], $0x5FFFF  }
0xb2: {  	[dreg:$0x1] =	wrdreg $0xFFFFFFFF  }
0xb3: {  	[dreg:$0x0] =	wrdreg $0x60  }
0xb4: {  	[dreg:$0x2] =	wrdreg s24  }
0xb5: {  	[dreg:$0x3] =	wrdreg s16  }
0xb6: {  	[dreg:$0x4] =	wrdreg $0x9  }
0xb7: {  	_ =	task.clear_ibuf [dreg:s7], $0x5FFFF;
	_ =	strace $0x90000049  }
0xb8: {  	s29 =	simm.s32 $0x9;
	_ =	strace $0x8000004B  }
0xb9: {  	_ =	swait.ge [sflag:s29], $0x1  }
0xba: {  	[sflag:s29] =	ssyncadd.s32 $0xFFFFFFFF  }
0xbb: {  	_ =	strace $0x9000004B  }
0xbc: {  	_ =	sfence  }
0xbd: {  	s30 =	sld [smem:$0x0];
	_ =	sdelay $0x2  }
0xbe: {  	s31 =	sshll.u32 s1, $0xD;
	s1 =	sshrl.u32 s1, $0x2  }
0xbf: {  	s3 =	sand.u32 $0x4000, s31;
	s1 =	sadd.s32 s1, s30  }
0xc0: {  	s0 =	sor.u32 s3, s0;
	s1 =	sshll.u32 s1, $0x11  }
0xc1: {  	s0 =	sor.u32 s1, s0  }
0xc2: {  	s0 =	sadd.s32 $0x8F2B, s0  }
0xc3: {  	[sflag:s0] =	ssyncadd.remote.s32 $0x1  }
0xc4: {  	_ =	sfence.sel $0xFFFF  }
0xc5: {  	[dreg:$0x0] =	wrdreg $0xFFFFFFFF;
	(pc) =	sbr.abs _section_cstart, $3  }
0xc6: {  	[dreg:$0x1] =	wrdreg $0xFFFFFFFF  }
0xc7: {  	_ =	task.clear_ibuf [dreg:s7], $0x2FFFF;
	_ =	strace $0x9FFFFFFF  }
0xc8: {  	(tm) =	ssettm $0x7FFFFFFF  }
0xc9: {  	_ =	shalt  }
tec
execute0_lowered:
.L_overlay_start_1:
0x0: {  	(tag) =	ssettag $0x1  }
0x1: {  	s0 =	rddreg [dreg:$0x0]  }
0x2: {  	s1 =	rddreg [dreg:$0x1];
	s3 =	srdreg.scid  }
0x3: {  	s2 =	simm.s32 $0x0;
	s4 =	stileid.u32;
	s3 =	sand.u32 $0x1, s3  }
0x4: {  	s11 =	simm.s32 $0x1;
	s4 =	sshll.u32 s4, $0x4;
	s5 =	sshll.u32 s3, $0x3  }
0x5: {  	s19 =	simm.s32 $0x0;
	[smem:$0x7FF] =	sst s2;
	s6 =	sor.u32 s5, s4  }
0x6: {  	_ =	strace $0x8000004A;
	s7 =	ssub.s32 $0x2, s3;
	s5 =	sadd.s32 s6, s0  }
0x7: {  	s8 =	sshrl.u32 s7, $0x1;
	s9 =	smul.u32 $0x300, s6;
	s28 =	sadd.s32 $0xAE00, s5  }
0x8: {  	s10 =	ssub.s32 s7, s8;
	s29 =	sadd.s32 $0xB000, s5;
	[dreg:$0x3] =	wrdreg s28  }
0x9: {  	v2 =	vlaneseq.u32;
	s3 =	sadd.s32 $0x36B200, s0;
	s31 =	smax.u32 s10, $0x1;
	[dreg:$0x4] =	wrdreg s29  }
0xa: {  	vm0 =	vmmov $0xffff;
	v1 =	vshrl.u32 v2, $0x3;
	s4 =	simm.s32 $0x100;
	s30 =	sadd.s32 s1, s9;
	[dreg:$0x6] =	wrdreg s31  }
0xb: {  	v0 =	vand.u32 $0x7, v2;
	v2 =	vor.u32 $0x8, v2;
	v1 =	vmul.u32 $0x8, v1;
	s6 =	sadd.s32 $0x36B300, s0;
	s7 =	sadd.s32 $0x36B400, s0;
	[dreg:$0x5] =	wrdreg s30  }
.LBB2_1:
0xc: {  	s0 =	rddreg [dreg:$0x3]  }
0xd: {  	[tilespmem:s2], [sflag:$0x1] =	stream.linear.gather [hbm4b:s0+s2], $0x40, $0x38;
	[tilespmem:$0x18100] =	vst v63  }
0xe: {  	s5 =	rddreg [dreg:$0x4];
	s1 =	simm.s32 $0x80  }
0xf: {  	[tilespmem:s1], [sflag:$0x1] =	stream.linear.gather [hbm4b:s5+s2], $0x40, $0x38;
	[tilespmem:$0x18100] =	vst v63  }
0x10: {  	_ =	swait.ge [sflag:s11], $0x40  }
0x11: {  	[sflag:s11] =	ssyncset.done $0x0  }
0x12: {  	[sflag:s11] =	ssyncadd.s32 $0xFFFFFFC0  }
0x13: {  	_ =	swait.ge [sflag:s11], $0x40  }
0x14: {  	[sflag:s11] =	ssyncset.done $0x0  }
0x15: {  	[sflag:s11] =	ssyncadd.s32 $0xFFFFFFC0  }
0x16: {  	v3 =	vld [tilespmem:$0x0];
	_ =	sdelay $0x4  }
0x17: {  	v4 =	vshrl.u32 v3, $0x3  }
0x18: {  	v4 =	vmul.u32 $0x30, v4  }
0x19: {  	v3 =	vand.u32 $0x7, v3  }
0x1a: {  	v3 =	vor.u32 v3, v4  }
0x1b: {  	v4 =	vperm.xlane v3, v0;
	_ =	sdelay $0x1  }
0x1c: {  	v4 =	vadd.s32 v1, v4;
	_ =	sdelay $0x3  }
0x1d: {  	v3 =	vperm.xlane v3, v2  }
0x1e: {  	[tilespmem:s4], [sflag:$0x1] =	stream.indirect_vreg.gather [hbm4b:s3+s2], $0x80, v4, vm0, $0xb8;
	[tilespmem:$0x18100] =	vst v63  }
0x1f: {  	s8 =	simm.s32 $0x900;
	v3 =	vadd.s32 v1, v3  }
0x20: {  	[tilespmem:s8], [sflag:$0x1] =	stream.indirect_vreg.gather [hbm4b:s6+s2], $0x80, v4, vm0, $0xb8;
	[tilespmem:$0x18100] =	vst v63  }
0x21: {  	s9 =	simm.s32 $0x1100  }
0x22: {  	[tilespmem:s9], [sflag:$0x1] =	stream.indirect_vreg.gather [hbm4b:s7+s2], $0x80, v4, vm0, $0xb8;
	[tilespmem:$0x18100] =	vst v63  }
0x23: {  	s10 =	simm.s32 $0x1900  }
0x24: {  	[tilespmem:s10], [sflag:$0x1] =	stream.indirect_vreg.gather [hbm4b:s3+s2], $0x80, v3, vm0, $0xb8;
	[tilespmem:$0x18100] =	vst v63  }
0x25: {  	s12 =	simm.s32 $0x2100  }
0x26: {  	[tilespmem:s12], [sflag:$0x1] =	stream.indirect_vreg.gather [hbm4b:s6+s2], $0x80, v3, vm0, $0xb8;
	[tilespmem:$0x18100] =	vst v63  }
0x27: {  	s13 =	simm.s32 $0x2900  }
0x28: {  	[tilespmem:s13], [sflag:$0x1] =	stream.indirect_vreg.gather [hbm4b:s7+s2], $0x80, v3, vm0, $0xb8;
	[tilespmem:$0x18100] =	vst v63  }
0x29: {  	v3 =	vld [tilespmem:$0x10];
	_ =	sdelay $0x4  }
0x2a: {  	v4 =	vshrl.u32 v3, $0x3  }
0x2b: {  	v4 =	vmul.u32 $0x30, v4  }
0x2c: {  	v3 =	vand.u32 $0x7, v3  }
0x2d: {  	v3 =	vor.u32 v3, v4  }
0x2e: {  	v4 =	vperm.xlane v3, v0;
	_ =	sdelay $0x1  }
0x2f: {  	v4 =	vadd.s32 v1, v4;
	_ =	sdelay $0x3  }
0x30: {  	s14 =	simm.s32 $0x3100;
	v3 =	vperm.xlane v3, v2  }
0x31: {  	[tilespmem:s14], [sflag:$0x1] =	stream.indirect_vreg.gather [hbm4b:s3+s2], $0x80, v4, vm0, $0xb8;
	[tilespmem:$0x18100] =	vst v63  }
0x32: {  	s15 =	simm.s32 $0x3900;
	v3 =	vadd.s32 v1, v3  }
0x33: {  	[tilespmem:s15], [sflag:$0x1] =	stream.indirect_vreg.gather [hbm4b:s6+s2], $0x80, v4, vm0, $0xb8;
	[tilespmem:$0x18100] =	vst v63  }
0x34: {  	s16 =	simm.s32 $0x4100  }
0x35: {  	[tilespmem:s16], [sflag:$0x1] =	stream.indirect_vreg.gather [hbm4b:s7+s2], $0x80, v4, vm0, $0xb8;
	[tilespmem:$0x18100] =	vst v63  }
0x36: {  	s17 =	simm.s32 $0x4900  }
0x37: {  	[tilespmem:s17], [sflag:$0x1] =	stream.indirect_vreg.gather [hbm4b:s3+s2], $0x80, v3, vm0, $0xb8;
	[tilespmem:$0x18100] =	vst v63  }
0x38: {  	s18 =	simm.s32 $0x5100  }
0x39: {  	[tilespmem:s18], [sflag:$0x1] =	stream.indirect_vreg.gather [hbm4b:s6+s2], $0x80, v3, vm0, $0xb8;
	[tilespmem:$0x18100] =	vst v63  }
0x3a: {  	s20 =	simm.s32 $0x5900  }
0x3b: {  	[tilespmem:s20], [sflag:$0x1] =	stream.indirect_vreg.gather [hbm4b:s7+s2], $0x80, v3, vm0, $0xb8;
	[tilespmem:$0x18100] =	vst v63  }
0x3c: {  	v3 =	vld [tilespmem:$0x20];
	_ =	sdelay $0x4  }
0x3d: {  	v4 =	vshrl.u32 v3, $0x3  }
0x3e: {  	v4 =	vmul.u32 $0x30, v4  }
0x3f: {  	v3 =	vand.u32 $0x7, v3  }
0x40: {  	v3 =	vor.u32 v3, v4  }
0x41: {  	v4 =	vperm.xlane v3, v0;
	_ =	sdelay $0x1  }
0x42: {  	v4 =	vadd.s32 v1, v4;
	_ =	sdelay $0x3  }
0x43: {  	s21 =	simm.s32 $0x6100;
	v3 =	vperm.xlane v3, v2  }
0x44: {  	[tilespmem:s21], [sflag:$0x1] =	stream.indirect_vreg.gather [hbm4b:s3+s2], $0x80, v4, vm0, $0xb8;
	[tilespmem:$0x18100] =	vst v63  }
0x45: {  	s22 =	simm.s32 $0x6900;
	v3 =	vadd.s32 v1, v3  }
0x46: {  	[tilespmem:s22], [sflag:$0x1] =	stream.indirect_vreg.gather [hbm4b:s6+s2], $0x80, v4, vm0, $0xb8;
	[tilespmem:$0x18100] =	vst v63  }
0x47: {  	s23 =	simm.s32 $0x7100  }
0x48: {  	[tilespmem:s23], [sflag:$0x1] =	stream.indirect_vreg.gather [hbm4b:s7+s2], $0x80, v4, vm0, $0xb8;
	[tilespmem:$0x18100] =	vst v63  }
0x49: {  	s24 =	simm.s32 $0x7900  }
0x4a: {  	[tilespmem:s24], [sflag:$0x1] =	stream.indirect_vreg.gather [hbm4b:s3+s2], $0x80, v3, vm0, $0xb8;
	[tilespmem:$0x18100] =	vst v63  }
0x4b: {  	s25 =	simm.s32 $0x8100  }
0x4c: {  	[tilespmem:s25], [sflag:$0x1] =	stream.indirect_vreg.gather [hbm4b:s6+s2], $0x80, v3, vm0, $0xb8;
	[tilespmem:$0x18100] =	vst v63  }
0x4d: {  	s26 =	simm.s32 $0x8900  }
0x4e: {  	[tilespmem:s26], [sflag:$0x1] =	stream.indirect_vreg.gather [hbm4b:s7+s2], $0x80, v3, vm0, $0xb8;
	[tilespmem:$0x18100] =	vst v63  }
0x4f: {  	v3 =	vld [tilespmem:$0x30];
	_ =	sdelay $0x4  }
0x50: {  	v4 =	vshrl.u32 v3, $0x3  }
0x51: {  	v4 =	vmul.u32 $0x30, v4  }
0x52: {  	v3 =	vand.u32 $0x7, v3  }
0x53: {  	v3 =	vor.u32 v3, v4  }
0x54: {  	v4 =	vperm.xlane v3, v0;
	_ =	sdelay $0x1  }
0x55: {  	v4 =	vadd.s32 v1, v4;
	_ =	sdelay $0x3  }
0x56: {  	s28 =	simm.s32 $0x9100;
	v3 =	vperm.xlane v3, v2  }
0x57: {  	[tilespmem:s28], [sflag:$0x1] =	stream.indirect_vreg.gather [hbm4b:s3+s2], $0x80, v4, vm0, $0xb8;
	[tilespmem:$0x18100] =	vst v63  }
0x58: {  	s1 =	simm.s32 $0x9900;
	v3 =	vadd.s32 v1, v3  }
0x59: {  	[tilespmem:s1], [sflag:$0x1] =	stream.indirect_vreg.gather [hbm4b:s6+s2], $0x80, v4, vm0, $0xb8;
	[tilespmem:$0x18100] =	vst v63  }
0x5a: {  	s4 =	simm.s32 $0xA100  }
0x5b: {  	[tilespmem:s4], [sflag:$0x1] =	stream.indirect_vreg.gather [hbm4b:s7+s2], $0x80, v4, vm0, $0xb8;
	[tilespmem:$0x18100] =	vst v63  }
0x5c: {  	s5 =	simm.s32 $0xA900  }
0x5d: {  	[tilespmem:s5], [sflag:$0x1] =	stream.indirect_vreg.gather [hbm4b:s3+s2], $0x80, v3, vm0, $0xb8;
	[tilespmem:$0x18100] =	vst v63  }
0x5e: {  	s8 =	simm.s32 $0xB100  }
0x5f: {  	[tilespmem:s8], [sflag:$0x1] =	stream.indirect_vreg.gather [hbm4b:s6+s2], $0x80, v3, vm0, $0xb8;
	[tilespmem:$0x18100] =	vst v63  }
0x60: {  	s9 =	simm.s32 $0xB900  }
0x61: {  	[tilespmem:s9], [sflag:$0x1] =	stream.indirect_vreg.gather [hbm4b:s7+s2], $0x80, v3, vm0, $0xb8;
	[tilespmem:$0x18100] =	vst v63  }
0x62: {  	v3 =	vld [tilespmem:$0x80];
	_ =	sdelay $0x4  }
0x63: {  	v4 =	vshrl.u32 v3, $0x3  }
0x64: {  	v4 =	vmul.u32 $0x30, v4  }
0x65: {  	v3 =	vand.u32 $0x7, v3  }
0x66: {  	v3 =	vor.u32 v3, v4  }
0x67: {  	v4 =	vperm.xlane v3, v0;
	_ =	sdelay $0x1  }
0x68: {  	v4 =	vadd.s32 v1, v4;
	_ =	sdelay $0x3  }
0x69: {  	s10 =	simm.s32 $0xC100;
	v3 =	vperm.xlane v3, v2  }
0x6a: {  	[tilespmem:s10], [sflag:$0x1] =	stream.indirect_vreg.gather [hbm4b:s3+s2], $0x80, v4, vm0, $0xb8;
	[tilespmem:$0x18100] =	vst v63  }
0x6b: {  	s12 =	simm.s32 $0xC900;
	v3 =	vadd.s32 v1, v3  }
0x6c: {  	[tilespmem:s12], [sflag:$0x1] =	stream.indirect_vreg.gather [hbm4b:s6+s2], $0x80, v4, vm0, $0xb8;
	[tilespmem:$0x18100] =	vst v63  }
0x6d: {  	s13 =	simm.s32 $0xD100  }
0x6e: {  	[tilespmem:s13], [sflag:$0x1] =	stream.indirect_vreg.gather [hbm4b:s7+s2], $0x80, v4, vm0, $0xb8;
	[tilespmem:$0x18100] =	vst v63  }
0x6f: {  	s14 =	simm.s32 $0xD900  }
0x70: {  	[tilespmem:s14], [sflag:$0x1] =	stream.indirect_vreg.gather [hbm4b:s3+s2], $0x80, v3, vm0, $0xb8;
	[tilespmem:$0x18100] =	vst v63  }
0x71: {  	s15 =	simm.s32 $0xE100  }
0x72: {  	[tilespmem:s15], [sflag:$0x1] =	stream.indirect_vreg.gather [hbm4b:s6+s2], $0x80, v3, vm0, $0xb8;
	[tilespmem:$0x18100] =	vst v63  }
0x73: {  	s16 =	simm.s32 $0xE900  }
0x74: {  	[tilespmem:s16], [sflag:$0x1] =	stream.indirect_vreg.gather [hbm4b:s7+s2], $0x80, v3, vm0, $0xb8;
	[tilespmem:$0x18100] =	vst v63  }
0x75: {  	v3 =	vld [tilespmem:$0x90];
	_ =	sdelay $0x4  }
0x76: {  	v4 =	vshrl.u32 v3, $0x3  }
0x77: {  	v4 =	vmul.u32 $0x30, v4  }
0x78: {  	v3 =	vand.u32 $0x7, v3  }
0x79: {  	v3 =	vor.u32 v3, v4  }
0x7a: {  	v4 =	vperm.xlane v3, v0;
	_ =	sdelay $0x1  }
0x7b: {  	v4 =	vadd.s32 v1, v4;
	_ =	sdelay $0x3  }
0x7c: {  	s17 =	simm.s32 $0xF100;
	v3 =	vperm.xlane v3, v2  }
0x7d: {  	[tilespmem:s17], [sflag:$0x1] =	stream.indirect_vreg.gather [hbm4b:s3+s2], $0x80, v4, vm0, $0xb8;
	[tilespmem:$0x18100] =	vst v63  }
0x7e: {  	s18 =	simm.s32 $0xF900;
	v3 =	vadd.s32 v1, v3  }
0x7f: {  	[tilespmem:s18], [sflag:$0x1] =	stream.indirect_vreg.gather [hbm4b:s6+s2], $0x80, v4, vm0, $0xb8;
	[tilespmem:$0x18100] =	vst v63  }
0x80: {  	s20 =	simm.s32 $0x10100  }
0x81: {  	[tilespmem:s20], [sflag:$0x1] =	stream.indirect_vreg.gather [hbm4b:s7+s2], $0x80, v4, vm0, $0xb8;
	[tilespmem:$0x18100] =	vst v63  }
0x82: {  	s21 =	simm.s32 $0x10900  }
0x83: {  	[tilespmem:s21], [sflag:$0x1] =	stream.indirect_vreg.gather [hbm4b:s3+s2], $0x80, v3, vm0, $0xb8;
	[tilespmem:$0x18100] =	vst v63  }
0x84: {  	s22 =	simm.s32 $0x11100  }
0x85: {  	[tilespmem:s22], [sflag:$0x1] =	stream.indirect_vreg.gather [hbm4b:s6+s2], $0x80, v3, vm0, $0xb8;
	[tilespmem:$0x18100] =	vst v63  }
0x86: {  	s23 =	simm.s32 $0x11900  }
0x87: {  	[tilespmem:s23], [sflag:$0x1] =	stream.indirect_vreg.gather [hbm4b:s7+s2], $0x80, v3, vm0, $0xb8;
	[tilespmem:$0x18100] =	vst v63  }
0x88: {  	v3 =	vld [tilespmem:$0xA0];
	_ =	sdelay $0x4  }
0x89: {  	v4 =	vshrl.u32 v3, $0x3  }
0x8a: {  	v4 =	vmul.u32 $0x30, v4  }
0x8b: {  	v3 =	vand.u32 $0x7, v3  }
0x8c: {  	v3 =	vor.u32 v3, v4  }
0x8d: {  	v4 =	vperm.xlane v3, v0;
	_ =	sdelay $0x1  }
0x8e: {  	v4 =	vadd.s32 v1, v4;
	_ =	sdelay $0x3  }
0x8f: {  	s24 =	simm.s32 $0x12100;
	v3 =	vperm.xlane v3, v2  }
0x90: {  	[tilespmem:s24], [sflag:$0x1] =	stream.indirect_vreg.gather [hbm4b:s3+s2], $0x80, v4, vm0, $0xb8;
	[tilespmem:$0x18100] =	vst v63  }
0x91: {  	s25 =	simm.s32 $0x12900;
	v3 =	vadd.s32 v1, v3  }
0x92: {  	[tilespmem:s25], [sflag:$0x1] =	stream.indirect_vreg.gather [hbm4b:s6+s2], $0x80, v4, vm0, $0xb8;
	[tilespmem:$0x18100] =	vst v63  }
0x93: {  	s26 =	simm.s32 $0x13100  }
0x94: {  	[tilespmem:s26], [sflag:$0x1] =	stream.indirect_vreg.gather [hbm4b:s7+s2], $0x80, v4, vm0, $0xb8;
	[tilespmem:$0x18100] =	vst v63  }
0x95: {  	s28 =	simm.s32 $0x13900  }
0x96: {  	[tilespmem:s28], [sflag:$0x1] =	stream.indirect_vreg.gather [hbm4b:s3+s2], $0x80, v3, vm0, $0xb8;
	[tilespmem:$0x18100] =	vst v63  }
0x97: {  	s1 =	simm.s32 $0x14100  }
0x98: {  	[tilespmem:s1], [sflag:$0x1] =	stream.indirect_vreg.gather [hbm4b:s6+s2], $0x80, v3, vm0, $0xb8;
	[tilespmem:$0x18100] =	vst v63  }
0x99: {  	s4 =	simm.s32 $0x14900  }
0x9a: {  	[tilespmem:s4], [sflag:$0x1] =	stream.indirect_vreg.gather [hbm4b:s7+s2], $0x80, v3, vm0, $0xb8;
	[tilespmem:$0x18100] =	vst v63  }
0x9b: {  	v3 =	vld [tilespmem:$0xB0];
	_ =	sdelay $0x4  }
0x9c: {  	v4 =	vshrl.u32 v3, $0x3  }
0x9d: {  	s5 =	simm.s32 $0x15100;
	v4 =	vmul.u32 $0x30, v4  }
0x9e: {  	s8 =	simm.s32 $0x15900;
	s9 =	simm.s32 $0x16100;
	s20 =	simm.s32 $0x0;
	v3 =	vand.u32 $0x7, v3  }
0x9f: {  	s10 =	simm.s32 $0x16900;
	s12 =	simm.s32 $0x17100;
	s15 =	sor.u32 $0x6, s20;
	v3 =	vor.u32 v3, v4  }
0xa0: {  	s13 =	simm.s32 $0x17900;
	s21 =	sand.u32 $0xFFFF, s15;
	s22 =	sor.u32 $0x4, s20;
	v4 =	vperm.xlane v3, v0  }
0xa1: {  	s21 =	smul.u32 $0xAAAB, s21;
	s23 =	sor.u32 $0x7, s20;
	s25 =	sand.u32 $0xFFFF, s22  }
0xa2: {  	s14 =	sor.u32 $0x2, s20;
	s25 =	smul.u32 $0xAAAB, s25;
	s26 =	sand.u32 $0xFFFF, s23;
	v4 =	vadd.s32 v1, v4  }
0xa3: {  	s16 =	sor.u32 $0x3, s20;
	s24 =	sor.u32 $0x5, s20;
	s26 =	smul.u32 $0xAAAB, s26  }
0xa4: {  	s21 =	sshrl.u32 s21, $0x11;
	s18 =	sand.u32 $0xFFFF, s24;
	s25 =	sshrl.u32 s25, $0x11  }
0xa5: {  	s25 =	sand.u32 $0x30, s25;
	s28 =	sand.u32 $0xFFFF, s16;
	s26 =	sshrl.u32 s26, $0x11  }
0xa6: {  	s25 =	sadd.s32 s25, s22;
	s22 =	smul.u32 $0xAAAB, s28;
	s26 =	sand.u32 $0x30, s26;
	v3 =	vperm.xlane v3, v2  }
0xa7: {  	[tilespmem:s5], [sflag:$0x1] =	stream.indirect_vreg.gather [hbm4b:s3+s2], $0x80, v4, vm0, $0xb8;
	[tilespmem:$0x18100] =	vst v63  }
0xa8: {  	s21 =	sand.u32 $0x30, s21;
	s23 =	sadd.s32 s26, s23;
	s26 =	smul.u32 $0xAAAB, s18;
	v3 =	vadd.s32 v1, v3  }
0xa9: {  	[tilespmem:s8], [sflag:$0x1] =	stream.indirect_vreg.gather [hbm4b:s6+s2], $0x80, v4, vm0, $0xb8;
	[tilespmem:$0x18100] =	vst v63  }
0xaa: {  	s1 =	sadd.s32 s21, s15;
	s22 =	sshrl.u32 s22, $0x11;
	s5 =	smul.u32 $0xAAAB, s20  }
0xab: {  	[tilespmem:s9], [sflag:$0x1] =	stream.indirect_vreg.gather [hbm4b:s7+s2], $0x80, v4, vm0, $0xb8;
	[tilespmem:$0x18100] =	vst v63  }
0xac: {  	s18 =	sshll.u32 s25, $0x7;
	s22 =	sand.u32 $0x30, s22;
	s9 =	sshrl.u32 s5, $0x15  }
0xad: {  	[tilespmem:s10], [sflag:$0x1] =	stream.indirect_vreg.gather [hbm4b:s3+s2], $0x80, v3, vm0, $0xb8;
	[tilespmem:$0x18100] =	vst v63  }
0xae: {  	s4 =	sshrl.u32 s26, $0x11;
	s28 =	smul.u32 $0x30, s9;
	s10 =	sand.u32 $0xFFFF, s14  }
0xaf: {  	[tilespmem:s12], [sflag:$0x1] =	stream.indirect_vreg.gather [hbm4b:s6+s2], $0x80, v3, vm0, $0xb8;
	[tilespmem:$0x18100] =	vst v63  }
0xb0: {  	s8 =	sshrl.u32 s5, $0xE;
	s26 =	sshrl.u32 s5, $0x18;
	s10 =	smul.u32 $0xAAAB, s10  }
0xb1: {  	[tilespmem:s13], [sflag:$0x1] =	stream.indirect_vreg.gather [hbm4b:s7+s2], $0x80, v3, vm0, $0xb8;
	[tilespmem:$0x18100] =	vst v63  }
0xb2: {  	s12 =	sshll.u32 s1, $0x7;
	s10 =	sshrl.u32 s10, $0x11;
	s13 =	sor.u32 $0x1, s20  }
0xb3: {  	s10 =	sand.u32 $0x30, s10;
	_ =	swait.ge [sflag:s11], $0xC000;
	s17 =	sand.u32 $0xFFFF, s13  }
0xb4: {  	s0 =	sadd.s32 s10, s14;
	s10 =	sadd.s32 s22, s16;
	s21 =	smul.u32 $0xAAAB, s17  }
0xb5: {  	s22 =	smul.u32 $0x1800, s26;
	s14 =	ssub.s32 $0x0, s28;
	s26 =	sand.u32 $0x1C00, s12  }
0xb6: {  	[sflag:s11] =	ssyncset.done $0x0;
	s0 =	sshll.u32 s0, $0x7;
	s21 =	sshrl.u32 s21, $0x11  }
0xb7: {  	s17 =	sshll.u32 s23, $0x7;
	s1 =	sshll.u32 s14, $0x7;
	s21 =	sand.u32 $0x30, s21  }
0xb8: {  	s23 =	sand.u32 $0x1C00, s18;
	[sflag:s11] =	ssyncadd.s32 $0xFFFF4000;
	s13 =	sadd.s32 s21, s13  }
0xb9: {  	s15 =	sand.u32 $0x1C00, s0;
	_ =	swait.ge [sflag:s11], $0xC000;
	s16 =	sshll.u32 s13, $0x7  }
0xba: {  	[sflag:s11] =	ssyncset.done $0x0;
	s21 =	sand.u32 $0x30, s4;
	s0 =	sand.u32 $0x1C00, s16  }
0xbb: {  	s24 =	sadd.s32 s21, s24;
	s21 =	sand.u32 $0x380, s8;
	s0 =	sadd.s32 s0, s22  }
0xbc: {  	s10 =	sshll.u32 s10, $0x7;
	[sflag:s11] =	ssyncadd.s32 $0xFFFF4000;
	s30 =	sor.u32 s21, s0  }
0xbd: {  	s1 =	sand.u32 $0xFF80, s1;
	s23 =	sadd.s32 s23, s22;
	s10 =	sand.u32 $0x1C00, s10;
	v3 =	vld [tilespmem:s30+$0x110]  }
0xbe: {  	s28 =	sadd.s32 s26, s22;
	s24 =	sshll.u32 s24, $0x7;
	s0 =	sor.u32 s21, s23;
	v6 =	vld [tilespmem:s30+$0xC110]  }
0xbf: {  	s25 =	sadd.s32 s15, s22;
	s10 =	sadd.s32 s10, s22;
	s24 =	sand.u32 $0x1C00, s24;
	v4 =	vld [tilespmem:s0+$0xC140]  }
0xc0: {  	s31 =	sor.u32 s21, s25;
	s25 =	sor.u32 s21, s28;
	s24 =	sadd.s32 s24, s22;
	v7 =	vld [tilespmem:s0+$0x140]  }
0xc1: {  	v5 =	vld [tilespmem:s31+$0x120];
	s23 =	sor.u32 s21, s10;
	s10 =	sand.u32 $0x1C00, s17;
	s29 =	sor.u32 s21, s24  }
.LBB2_2:
0xc2: {  	s20 =	sadd.s32 $0x8, s20;
	s14 =	sadd.s32 s1, s22;
	v8 =	vld [tilespmem:s31+$0xC120]  }
0xc3: {  	s22 =	sadd.s32 s10, s22;
	s28 =	sor.u32 $0x1, s20;
	s13 =	sor.u32 $0x2, s20;
	v3 =	vadd.f32 v6, v3;
	v6 =	vld [tilespmem:s29+$0xC150]  }
0xc4: {  	s1 =	sor.u32 $0x4, s20;
	s24 =	sor.u32 $0x5, s20;
	s15 =	sor.u32 $0x6, s20;
	v9 =	vld [tilespmem:s29+$0x150]  }
0xc5: {  	s26 =	sor.u32 $0x3, s20;
	s10 =	sor.u32 $0x7, s20;
	s16 =	sand.u32 $0xFFFF, s1;
	[tilespmem:s30+$0x110] =	vst v3;
	v3 =	vld [tilespmem:s23+$0xC130];
	v4 =	vadd.f32 v4, v7  }
0xc6: {  	s17 =	sand.u32 $0xFFFF, s28;
	s4 =	sand.u32 $0xFFFF, s10;
	s30 =	smul.u32 $0xAAAB, s20;
	v7 =	vld [tilespmem:s25+$0xC160]  }
0xc7: {  	s5 =	sand.u32 $0xFFFF, s13;
	s12 =	sand.u32 $0xFFFF, s24;
	v5 =	vadd.f32 v8, v5;
	[tilespmem:s0+$0x140] =	vst v4;
	v4 =	vld [tilespmem:s25+$0x160];
	s0 =	sor.u32 s21, s22  }
0xc8: {  	s8 =	sand.u32 $0xFFFF, s26;
	s16 =	smul.u32 $0xAAAB, s16;
	s22 =	sshrl.u32 s30, $0x18;
	v8 =	vld [tilespmem:s23+$0x130]  }
0xc9: {  	s18 =	sand.u32 $0xFFFF, s15;
	s5 =	smul.u32 $0xAAAB, s5;
	s9 =	sshrl.u32 s30, $0xE;
	[tilespmem:s31+$0x120] =	vst v5;
	v5 =	vadd.f32 v6, v9;
	v6 =	vld [tilespmem:s0+$0x170]  }
0xca: {  	s14 =	sor.u32 s21, s14;
	s18 =	smul.u32 $0xAAAB, s18;
	s30 =	sshrl.u32 s30, $0x15;
	v9 =	vld [tilespmem:s0+$0xC170]  }
0xcb: {  	p0 =	slt.u32 s20, $0xBF8;
	s8 =	smul.u32 $0xAAAB, s8;
	v10 =	vld [tilespmem:s14+$0xC100];
	[tilespmem:s29+$0x150] =	vst v5  }
0xcc: {  	s4 =	smul.u32 $0xAAAB, s4;
	s21 =	sand.u32 $0x380, s9;
	s9 =	sshrl.u32 s18, $0x11;
	v5 =	vld [tilespmem:s14+$0x100];
	v4 =	vadd.f32 v7, v4  }
0xcd: {  	s5 =	sshrl.u32 s5, $0x11;
	s22 =	smul.u32 $0x1800, s22;
	s9 =	sand.u32 $0x30, s9;
	v3 =	vadd.f32 v3, v8  }
0xce: {  	s4 =	sshrl.u32 s4, $0x11;
	s18 =	smul.u32 $0x30, s30;
	s5 =	sand.u32 $0x30, s5;
	[tilespmem:s25+$0x160] =	vst v4  }
0xcf: {  	s4 =	sand.u32 $0x30, s4;
	s5 =	sadd.s32 s5, s13;
	s9 =	sadd.s32 s9, s15;
	[tilespmem:s23+$0x130] =	vst v3  }
0xd0: {  	s13 =	smul.u32 $0xAAAB, s17;
	s5 =	sshll.u32 s5, $0x7;
	s9 =	sshll.u32 s9, $0x7;
	v3 =	vadd.f32 v9, v6  }
0xd1: {  	s16 =	sshrl.u32 s16, $0x11;
	s15 =	ssub.s32 s20, s18;
	s5 =	sand.u32 $0x1C00, s5;
	v4 =	vadd.f32 v10, v5  }
0xd2: {  	s12 =	smul.u32 $0xAAAB, s12;
	s16 =	sand.u32 $0x30, s16;
	s4 =	sadd.s32 s4, s10;
	[tilespmem:s0+$0x170] =	vst v3  }
0xd3: {  	s1 =	sadd.s32 s16, s1;
	s4 =	sshll.u32 s4, $0x7;
	s0 =	sshrl.u32 s13, $0x11;
	[tilespmem:s14+$0x100] =	vst v4  }
0xd4: {  	s1 =	sshll.u32 s1, $0x7;
	s10 =	sshll.u32 s15, $0x7;
	s0 =	sand.u32 $0x30, s0  }
0xd5: {  	s12 =	sshrl.u32 s12, $0x11;
	s13 =	sand.u32 $0x1C00, s1;
	s0 =	sadd.s32 s0, s28  }
0xd6: {  	s8 =	sshrl.u32 s8, $0x11;
	s1 =	sand.u32 $0xFF80, s10;
	s0 =	sshll.u32 s0, $0x7  }
0xd7: {  	s12 =	sand.u32 $0x30, s12;
	s10 =	sadd.s32 s13, s22;
	s0 =	sand.u32 $0x1C00, s0  }
0xd8: {  	s8 =	sand.u32 $0x30, s8;
	s12 =	sadd.s32 s12, s24;
	s0 =	sadd.s32 s0, s22  }
0xd9: {  	s30 =	sor.u32 s21, s0;
	s0 =	sadd.s32 s8, s26;
	s8 =	sshll.u32 s12, $0x7  }
.Ltmp0:
0xda: {  	s0 =	sshll.u32 s0, $0x7;
	s8 =	sand.u32 $0x1C00, s8;
	v3 =	vld [tilespmem:s30+$0x110];
	(pc) =	sbr.rel @p0 .LBB2_2-.Ltmp0, $4  }
0xdb: {  	s12 =	sand.u32 $0x1C00, s0;
	s0 =	sor.u32 s21, s10;
	s8 =	sadd.s32 s8, s22;
	v6 =	vld [tilespmem:s30+$0xC110]  }
0xdc: {  	s5 =	sadd.s32 s5, s22;
	s9 =	sand.u32 $0x1C00, s9;
	s10 =	sadd.s32 s12, s22;
	v4 =	vld [tilespmem:s0+$0xC140]  }
0xdd: {  	s31 =	sor.u32 s21, s5;
	s5 =	sadd.s32 s9, s22;
	s23 =	sor.u32 s21, s10;
	v7 =	vld [tilespmem:s0+$0x140]  }
0xde: {  	s25 =	sor.u32 s21, s5;
	s29 =	sor.u32 s21, s8;
	s10 =	sand.u32 $0x1C00, s4;
	v5 =	vld [tilespmem:s31+$0x120]  }
0xdf: {  	v8 =	vld [tilespmem:s31+$0xC120]  }
0xe0: {  	v9 =	vld [tilespmem:s29+$0xC150]  }
0xe1: {  	v10 =	vld [tilespmem:s29+$0x150]  }
0xe2: {  	v11 =	vld [tilespmem:s23+$0xC130]  }
0xe3: {  	v12 =	vld [tilespmem:s25+$0xC160]  }
0xe4: {  	s4 =	sadd.s32 s10, s22;
	v13 =	vld [tilespmem:s25+$0x160]  }
0xe5: {  	v14 =	vld [tilespmem:s23+$0x130];
	s1 =	sadd.s32 s1, s22;
	s4 =	sor.u32 s21, s4  }
0xe6: {  	s1 =	sor.u32 s21, s1;
	v15 =	vld [tilespmem:s4+$0x170]  }
0xe7: {  	v3 =	vadd.f32 v6, v3;
	v59 =	vld [tilespmem:s1+$0xC100]  }
0xe8: {  	v60 =	vld [tilespmem:s1+$0x100];
	v4 =	vadd.f32 v4, v7  }
0xe9: {  	v58 =	vld [tilespmem:s4+$0xC170];
	[tilespmem:s30+$0x110] =	vst v3;
	v3 =	vadd.f32 v8, v5  }
0xea: {  	[tilespmem:s0+$0x140] =	vst v4;
	v61 =	vadd.f32 v9, v10  }
0xeb: {  	v62 =	vadd.f32 v11, v14;
	[tilespmem:s31+$0x120] =	vst v3  }
0xec: {  	v3 =	vadd.f32 v12, v13;
	[tilespmem:s29+$0x150] =	vst v61  }
0xed: {  	[tilespmem:s23+$0x130] =	vst v62;
	v63 =	vadd.f32 v59, v60  }
0xee: {  	[tilespmem:s25+$0x160] =	vst v3;
	v3 =	vadd.f32 v58, v15  }
0xef: {  	[tilespmem:s1+$0x100] =	vst v63  }
0xf0: {  	[tilespmem:s4+$0x170] =	vst v3  }
0xf1: {  	s30 =	simm.s32 $0x2;
	s4 =	simm.s32 $0x100;
	s0 =	rddreg [dreg:$0x5]  }
0xf2: {  	[hbm4b:s0+s2] =	stream.linear.scatter [tilespmem:s4], [sflag:$0x2], $0xC000, $0x38;
	[tilespmem:$0x18100] =	vst v63  }
0xf3: {  	_ =	swait.ge [sflag:s30], $0xC000  }
0xf4: {  	s19 =	sadd.s32 $0x1, s19;
	s31 =	rddreg [dreg:$0x6]  }
0xf5: {  	p0 =	sne.s32 s19, s31  }
.Ltmp1:
0xf6: {  	_ = 	snop;
	(pc) =	sbr.rel @p0 .LBB2_1-.Ltmp1, $3  }
0xf7: {  	_ =	sdelay $0x1  }
0xf8: {  	[sflag:s30] =	ssyncset.done $0x0  }
0xf9: {  	[sflag:s30] =	ssyncadd.s32 $0xFFFF4000  }
0xfa: {  	_ =	sfence.sel $0x180000  }
0xfb: {  	[bflag:$0x0] =	sbarrier.arrive $0xFFFF  }
0xfc: {  	_ =	strace $0x9000004A  }
0xfd: {  	s0 =	stileid.u32;
	[bflag:$0x2] =	sbarrier.arrive $0xFFFF  }
0xfe: {  	p0 =	sne.s32 s0, $0x0;
	s0 =	rddreg [dreg:$0x2]  }
0xff: {  	s0 =	sadd.s32 @!p0 $0x100000, s0  }
0x100: {  	[sflag:s0] =	ssyncadd.tile.s32 @!p0 $0x1;
	_ =	shalt  }
.Lfunc_end2:
_tile_overlayer_lowered:
.L_overlay_start_2:
0x101: {  	(tag) =	ssettag $0x2  }
0x102: {  	s0 =	rddreg [dreg:$0x0];
	s2 =	stileid.u32  }
0x103: {  	s1 =	rddreg [dreg:$0x1];
	p0 =	sne.s32 s2, $0x0  }
0x104: {  	s3 =	rddreg [dreg:$0x2];
	[bflag:$0x3] =	sbarrier.arrive $0xFFFF;
	s2 =	simm.s32 @!p0 $0x1C02  }
0x105: {  	[timem:s3], [sflag:s2] =	dma.local @!p0 [hbm:s0], s1  }
0x106: {  	s0 =	simm.s32 @!p0 $0x2  }
0x107: {  	_ =	swait.ge @!p0 [sflag:s0], s1  }
0x108: {  	s1 =	ssub.s32 @!p0 $0x0, s1;
	[sflag:s0] =	ssyncset.done @!p0 $0x0  }
0x109: {  	[sflag:s0] =	ssyncadd.s32 @!p0 s1  }
0x10a: {  	[bflag:$0x3] =	sbarrier.arrive $0xFFFF  }
0x10b: {  	_ =	shalt  }

</sc_bundles>
